<compile_context>
chip_gen: v7x
topology: tpu7x:2x2x1
jax: 0.10.2.dev20260603
libtpu: 0.0.44.dev20260713+nightly
codegen_flags: <defaults>
</compile_context>

<pallas_src>
import functools

import jax
import jax.numpy as jnp
from jax import lax
from jax.experimental import pallas as pl
from jax.experimental.pallas import tpu as pltpu
from jax.experimental.pallas import tpu_sc as plsc

B = 8
P = 512 * 512
NCORE = 2
NSUB = 16
NW = NCORE * NSUB
GROWS = B * 512
WROWS = GROWS // NW
CROWS = 16
CHUNK = CROWS * 512
NCHUNK = WROWS // CROWS
NSET = 2
UNROLL = 8

MANT = 8
EXP_LO = 96
BASE = EXP_LO << MANT
SHIFT = 23 - MANT
NB = 12288
ROWS = NB // 128


def _hist_body(x_hbm, y_hbm, mp_hbm,
               xb0, xb1, yb0, yb1, h0, h1,
               sx0, sx1, sy0, sy1):
    wid = lax.axis_index("s") * NCORE + lax.axis_index("c")
    row0 = wid * WROWS
    hsets = (h0, h1)

    zi = jnp.zeros((16,), jnp.int32)

    def zero_body(i, carry):
        r = lax.shift_right_logical(i, 3)
        cz = (i & 7) * 16
        h0[r, pl.ds(cz, 16)] = zi
        h1[r, pl.ds(cz, 16)] = zi
        return carry

    lax.fori_loop(0, NB // 16, zero_body, 0)

    xbufs, ybufs = (xb0, xb1), (yb0, yb1)
    sxs, sys = (sx0, sx1), (sy0, sy1)

    def elem_body(i, carry, xb=None, yb=None):
        r = lax.shift_right_logical(i, 2)
        c0 = (i & 3) * 128
        xvs, yvs = [], []
        for t in range(UNROLL):
            xvs.append(xb[r, pl.ds(c0 + t * 16, 16)])
            yvs.append(yb[r, pl.ds(c0 + t * 16, 16)])
        bhis, blos, mpvs = [], [], []
        for t in range(UNROLL):
            ym = yvs[t] > 0
            e = jnp.where(ym, 1.0 - xvs[t], 1.0 + xvs[t])
            raw = lax.shift_right_arithmetic(
                lax.bitcast_convert_type(e, jnp.int32), SHIFT)
            bi = jnp.minimum(jnp.maximum(raw - BASE, 0), NB - 1)
            bhis.append(lax.shift_right_logical(bi, 7))
            blos.append(bi & 127)
            mpvs.append(jnp.where(ym, jnp.int32(0x10001), jnp.int32(1)))
        for t in range(UNROLL):
            plsc.addupdate_scatter(hsets[t % NSET], [bhis[t], blos[t]],
                                   mpvs[t])
        return carry

    def issue(g, par):
        base = row0 + g * CROWS
        pltpu.async_copy(x_hbm.at[pl.ds(base, CROWS), :],
                         xbufs[par], sxs[par])
        pltpu.async_copy(y_hbm.at[pl.ds(base, CROWS), :],
                         ybufs[par], sys[par])

    def wait(g, par):
        base = row0 + g * CROWS
        pltpu.make_async_copy(x_hbm.at[pl.ds(base, CROWS), :],
                              xbufs[par], sxs[par]).wait()
        pltpu.make_async_copy(y_hbm.at[pl.ds(base, CROWS), :],
                              ybufs[par], sys[par]).wait()

    issue(0, 0)
    issue(1, 1)

    def pair_body(h, carry):
        g0 = h * 2
        for par in range(2):
            g = g0 + par
            wait(g, par)

            @pl.when(g + 2 < NCHUNK)
            def _():
                issue(g + 2, par)

            body = functools.partial(elem_body, xb=xbufs[par],
                                     yb=ybufs[par])
            lax.fori_loop(0, CHUNK // (16 * UNROLL), body, 0)
        return carry

    lax.fori_loop(0, NCHUNK // 2, pair_body, 0)

    pltpu.sync_copy(h0, mp_hbm.at[wid * NSET + 0])
    pltpu.sync_copy(h1, mp_hbm.at[wid * NSET + 1])


_hist = pl.kernel(
    _hist_body,
    out_type=jax.ShapeDtypeStruct((NW * NSET, ROWS, 128), jnp.int32),
    mesh=plsc.VectorSubcoreMesh(core_axis_name="c", subcore_axis_name="s",
                                num_cores=NCORE, num_subcores=NSUB),
    compiler_params=pltpu.CompilerParams(needs_layout_passes=False),
    scratch_types=[
        pltpu.VMEM((CROWS, 512), jnp.float32),
        pltpu.VMEM((CROWS, 512), jnp.float32),
        pltpu.VMEM((CROWS, 512), jnp.int32),
        pltpu.VMEM((CROWS, 512), jnp.int32),
        pltpu.VMEM((ROWS, 128), jnp.int32),
        pltpu.VMEM((ROWS, 128), jnp.int32),
        pltpu.SemaphoreType.DMA,
        pltpu.SemaphoreType.DMA,
        pltpu.SemaphoreType.DMA,
        pltpu.SemaphoreType.DMA,
    ],
)

NPART = 4 * NSET


def _finish_body(mp_ref, o_ref):
    blk = lax.broadcasted_iota(jnp.int32, (ROWS, 128), 0)
    lane = lax.broadcasted_iota(jnp.int32, (ROWS, 128), 1)
    flat = blk * 128 + lane
    realm = flat >= 1

    cbits = lax.shift_left(flat + BASE, SHIFT) | (1 << (SHIFT - 1))
    center = lax.bitcast_convert_type(cbits, jnp.float32)

    io = lax.broadcasted_iota(jnp.int32, (128, 128), 0)
    jo = lax.broadcasted_iota(jnp.int32, (128, 128), 1)
    tri_lane = (io >= jo).astype(jnp.float32)
    ib = lax.broadcasted_iota(jnp.int32, (ROWS, ROWS), 0)
    jb = lax.broadcasted_iota(jnp.int32, (ROWS, ROWS), 1)
    tri_blk = (jb > ib).astype(jnp.float32)

    def jac(G, n_, c_):
        den = jnp.where(n_ > 0.5, G + n_ - c_, 1.0)
        return jnp.where(n_ > 0.5, 1.0 - (G - c_) / den, 0.0)

    total = jnp.float32(0.0)
    for g in range(B):
        base = g * NPART
        msum = mp_ref[base] & 0xFFFF
        psum = lax.shift_right_logical(mp_ref[base], 16)
        for k in range(1, NPART):
            msum = msum + (mp_ref[base + k] & 0xFFFF)
            psum = psum + lax.shift_right_logical(mp_ref[base + k], 16)
        m = msum.astype(jnp.float32)
        p = psum.astype(jnp.float32)

        G = jnp.sum(p)
        mm = jnp.where(realm, m, 0.0)
        pp = jnp.where(realm, p, 0.0)

        yn = jnp.dot(mm, tri_lane, preferred_element_type=jnp.float32)
        yc = jnp.dot(pp, tri_lane, preferred_element_type=jnp.float32)
        n = yn + jnp.dot(tri_blk, yn,
                         preferred_element_type=jnp.float32)[:, 0:1]
        c = yc + jnp.dot(tri_blk, yc,
                         preferred_element_type=jnp.float32)[:, 0:1]

        j1 = jac(G, n, c)
        j2 = jac(G, n - mm, c - pp)
        contrib = jnp.where((mm > 0.5) & realm, center * (j1 - j2), 0.0)
        total = total + jnp.sum(contrib)

    o_ref[...] = jnp.broadcast_to(total * (1.0 / B), (1, 1))


_finish = pl.pallas_call(
    _finish_body,
    out_shape=jax.ShapeDtypeStruct((1, 1), jnp.float32),
)


def kernel(input, target):
    x = input.reshape(GROWS, 512)
    y = target.reshape(GROWS, 512)
    mp = _hist(x, y)
    out = _finish(mp)
    return out[0, 0]

# --- scband reference (transcript-rebuilt; emitter-appended) ---
"""Pipeline reference for scband-lovasz-hinge-loss-22445499089199 (READ-ONLY COPY).

The authoritative reference and input builder live on the scoring server;
editing this copy changes nothing except your own understanding.
"""

import jax, jax.numpy as jnp
import numpy as np


def lovasz_grad(gt_sorted):
    # gt_sorted: float32 [P], binary labels sorted by descending error
    gts = jnp.sum(gt_sorted)
    intersection = gts - jnp.cumsum(gt_sorted, axis=0)
    union = gts + jnp.cumsum(1.0 - gt_sorted, axis=0)
    jaccard = 1.0 - intersection / union
    # jaccard[1:] = jaccard[1:] - jaccard[:-1]
    jaccard = jnp.concatenate([jaccard[:1], jaccard[1:] - jaccard[:-1]], axis=0)
    return jaccard


def lovasz_hinge_flat(logits, labels):
    # logits: float32 [P], labels: float32 [P] in {0,1}
    signs = 2.0 * labels - 1.0
    errors = 1.0 - logits * signs
    perm = jnp.argsort(-errors)  # descending sort of errors
    errors_sorted = jnp.take(errors, perm, axis=0)
    gt_sorted = jnp.take(labels, perm, axis=0)
    grad = lovasz_grad(gt_sorted)
    return jnp.dot(jax.nn.relu(errors_sorted), grad)


def setup_inputs(seed: int = 0) -> dict:
    key = jax.random.key(seed)
    k1, k2 = jax.random.split(key)
    input = jax.random.normal(k1, (8, 512, 512), dtype=jnp.float32)
    target = jax.random.randint(k2, (8, 512, 512), 0, 2, dtype=jnp.int32)
    return {"input": input, "target": target}


def reference(input, target):
    # lovasz_hinge with per_image=True: flatten each image, compute flat loss, mean
    B = input.shape[0]
    logits = input.reshape(B, -1)
    labels = target.reshape(B, -1).astype(jnp.float32)
    losses = jax.vmap(lovasz_hinge_flat)(logits, labels)
    return jnp.mean(losses)

if __name__ == "__main__":
    import jax
    _d = setup_inputs()
    print(jax.jit(kernel)(*tuple(_d.values())))

</pallas_src>

<mosaic_0001>
#map = affine_map<(d0, d1) -> (0, 0)>
#map1 = affine_map<(d0, d1) -> (0, 0, 0)>
module attributes {stable_mosaic.version = 14 : i64} {
  func.func @_hist_body(%arg0: i32, %arg1: i32, %arg2: memref<4096x512xf32, #tpu.memory_space<hbm>>, %arg3: memref<4096x512xi32, #tpu.memory_space<hbm>>, %arg4: memref<64x96x128xi32, #tpu.memory_space<hbm>>, %arg5: memref<16x512xf32, #tpu.memory_space<vmem>>, %arg6: memref<16x512xf32, #tpu.memory_space<vmem>>, %arg7: memref<16x512xi32, #tpu.memory_space<vmem>>, %arg8: memref<16x512xi32, #tpu.memory_space<vmem>>, %arg9: memref<96x128xi32, #tpu.memory_space<vmem>>, %arg10: memref<96x128xi32, #tpu.memory_space<vmem>>, %arg11: memref<!tpu.dma_semaphore, #tpu.memory_space<semaphore_mem>>, %arg12: memref<!tpu.dma_semaphore, #tpu.memory_space<semaphore_mem>>, %arg13: memref<!tpu.dma_semaphore, #tpu.memory_space<semaphore_mem>>, %arg14: memref<!tpu.dma_semaphore, #tpu.memory_space<semaphore_mem>>) attributes {dimension_semantics = [#tpu.dimension_semantics<core_parallel>, #tpu.dimension_semantics<subcore_parallel>], iteration_bounds = array<i64: 2, 16>, scalar_prefetch = 0 : i64, scratch_operands = 10 : i64, tpu.core_type = #tpu.core_type<sc_vector_subcore>, window_params = [{transform_indices = #map}, {transform_indices = #map}, {transform_indices = #map1}]} {
    %mul3A = arith.constant 2 : i32
    %mul3A_0 = arith.muli %arg1, %mul3A : i32
    %add3A = arith.addi %mul3A_0, %arg0 : i32
    %mul3A_1 = arith.constant 128 : i32
    %mul3A_2 = arith.muli %add3A, %mul3A_1 : i32
    %broadcast_in_dim3A = arith.constant 0 : i32
    %broadcast_in_dim3A_3 = vector.broadcast %broadcast_in_dim3A : i32 to vector<16xi32>
    %scan3A = arith.constant 0 : i32
    %scan3A_4 = arith.constant 0 : i32
    %scan3A_5 = arith.constant 768 : i32
    %scan3A_6 = arith.addi %scan3A_4, %scan3A_5 : i32
    %scan3A_7 = arith.constant 1 : i32
    scf.for %scan3A_42 = %scan3A_4 to %scan3A_6 step %scan3A_7  : i32 {
      %shift_right_logical3A = arith.constant 3 : i32
      %shift_right_logical3A_43 = arith.shrui %scan3A_42, %shift_right_logical3A : i32
      %and3A = arith.constant 7 : i32
      %and3A_44 = arith.andi %scan3A_42, %and3A : i32
      %mul3A_45 = arith.constant 16 : i32
      %mul3A_46 = arith.muli %and3A_44, %mul3A_45 : i32
      %swap3A = arith.index_cast %shift_right_logical3A_43 : i32 to index
      %swap3A_47 = arith.index_cast %mul3A_46 : i32 to index
      %swap3A_48 = tpu.vector_load %arg9[%swap3A, %swap3A_47] {strides = array<i32>} : memref<96x128xi32, #tpu.memory_space<vmem>>, vector<16xi32>,
      tpu.vector_store %arg9[%swap3A, %swap3A_47], %broadcast_in_dim3A_3 {strides = array<i32>} : memref<96x128xi32, #tpu.memory_space<vmem>>, vector<16xi32>,
      %swap3A_49 = arith.index_cast %shift_right_logical3A_43 : i32 to index
      %swap3A_50 = arith.index_cast %mul3A_46 : i32 to index
      %swap3A_51 = tpu.vector_load %arg10[%swap3A_49, %swap3A_50] {strides = array<i32>} : memref<96x128xi32, #tpu.memory_space<vmem>>, vector<16xi32>,
      tpu.vector_store %arg10[%swap3A_49, %swap3A_50], %broadcast_in_dim3A_3 {strides = array<i32>} : memref<96x128xi32, #tpu.memory_space<vmem>>, vector<16xi32>,
    }
    %scan3A_8 = arith.constant 768 : i32
    %add3A_9 = arith.constant 0 : i32
    %add3A_10 = arith.addi %mul3A_2, %add3A_9 : i32
    %dma_start3A = arith.constant 0 : i32
    %dma_start3A_11 = tpu.memref_slice %arg2[%add3A_10, %dma_start3A] : memref<4096x512xf32, #tpu.memory_space<hbm>> -> memref<16x512xf32, #tpu.memory_space<hbm>>
    %dma_start3A_12 = arith.constant 0 : i32
    %dma_start3A_13 = tpu.memref_slice %arg2[%add3A_10, %dma_start3A_12] : memref<4096x512xf32, #tpu.memory_space<hbm>> -> memref<16x512xf32, #tpu.memory_space<hbm>>
    tpu.enqueue_dma source(%dma_start3A_13 : memref<16x512xf32, #tpu.memory_space<hbm>>) target(%arg5 : memref<16x512xf32, #tpu.memory_space<vmem>>) target_semaphore(%arg11 : memref<!tpu.dma_semaphore, #tpu.memory_space<semaphore_mem>>)
    %dma_start3A_14 = arith.constant 0 : i32
    %dma_start3A_15 = tpu.memref_slice %arg3[%add3A_10, %dma_start3A_14] : memref<4096x512xi32, #tpu.memory_space<hbm>> -> memref<16x512xi32, #tpu.memory_space<hbm>>
    %dma_start3A_16 = arith.constant 0 : i32
    %dma_start3A_17 = tpu.memref_slice %arg3[%add3A_10, %dma_start3A_16] : memref<4096x512xi32, #tpu.memory_space<hbm>> -> memref<16x512xi32, #tpu.memory_space<hbm>>
    tpu.enqueue_dma source(%dma_start3A_17 : memref<16x512xi32, #tpu.memory_space<hbm>>) target(%arg7 : memref<16x512xi32, #tpu.memory_space<vmem>>) target_semaphore(%arg13 : memref<!tpu.dma_semaphore, #tpu.memory_space<semaphore_mem>>)
    %add3A_18 = arith.constant 16 : i32
    %add3A_19 = arith.addi %mul3A_2, %add3A_18 : i32
    %dma_start3A_20 = arith.constant 0 : i32
    %dma_start3A_21 = tpu.memref_slice %arg2[%add3A_19, %dma_start3A_20] : memref<4096x512xf32, #tpu.memory_space<hbm>> -> memref<16x512xf32, #tpu.memory_space<hbm>>
    %dma_start3A_22 = arith.constant 0 : i32
    %dma_start3A_23 = tpu.memref_slice %arg2[%add3A_19, %dma_start3A_22] : memref<4096x512xf32, #tpu.memory_space<hbm>> -> memref<16x512xf32, #tpu.memory_space<hbm>>
    tpu.enqueue_dma source(%dma_start3A_23 : memref<16x512xf32, #tpu.memory_space<hbm>>) target(%arg6 : memref<16x512xf32, #tpu.memory_space<vmem>>) target_semaphore(%arg12 : memref<!tpu.dma_semaphore, #tpu.memory_space<semaphore_mem>>)
    %dma_start3A_24 = arith.constant 0 : i32
    %dma_start3A_25 = tpu.memref_slice %arg3[%add3A_19, %dma_start3A_24] : memref<4096x512xi32, #tpu.memory_space<hbm>> -> memref<16x512xi32, #tpu.memory_space<hbm>>
    %dma_start3A_26 = arith.constant 0 : i32
    %dma_start3A_27 = tpu.memref_slice %arg3[%add3A_19, %dma_start3A_26] : memref<4096x512xi32, #tpu.memory_space<hbm>> -> memref<16x512xi32, #tpu.memory_space<hbm>>
    tpu.enqueue_dma source(%dma_start3A_27 : memref<16x512xi32, #tpu.memory_space<hbm>>) target(%arg8 : memref<16x512xi32, #tpu.memory_space<vmem>>) target_semaphore(%arg14 : memref<!tpu.dma_semaphore, #tpu.memory_space<semaphore_mem>>)
    %scan3A_28 = arith.constant 0 : i32
    %scan3A_29 = arith.constant 0 : i32
    %scan3A_30 = arith.constant 4 : i32
    %scan3A_31 = arith.addi %scan3A_29, %scan3A_30 : i32
    %scan3A_32 = arith.constant 1 : i32
    scf.for %scan3A_42 = %scan3A_29 to %scan3A_31 step %scan3A_32  : i32 {
      %mul3A_43 = arith.constant 2 : i32
      %mul3A_44 = arith.muli %scan3A_42, %mul3A_43 : i32
      %add3A_45 = arith.constant 0 : i32
      %add3A_46 = arith.addi %mul3A_44, %add3A_45 : i32
      %mul3A_47 = arith.constant 16 : i32
      %mul3A_48 = arith.muli %add3A_46, %mul3A_47 : i32
      %add3A_49 = arith.addi %mul3A_2, %mul3A_48 : i32
      %dma_wait3A = arith.constant 0 : i32
      %dma_wait3A_50 = tpu.memref_slice %arg2[%add3A_49, %dma_wait3A] : memref<4096x512xf32, #tpu.memory_space<hbm>> -> memref<16x512xf32, #tpu.memory_space<hbm>>
      %dma_wait3A_51 = arith.constant 0 : i32
      %dma_wait3A_52 = tpu.memref_slice %arg2[%add3A_49, %dma_wait3A_51] : memref<4096x512xf32, #tpu.memory_space<hbm>> -> memref<16x512xf32, #tpu.memory_space<hbm>>
      tpu.wait_dma2 semaphore(%arg11 : memref<!tpu.dma_semaphore, #tpu.memory_space<semaphore_mem>>) src(%dma_wait3A_52 : memref<16x512xf32, #tpu.memory_space<hbm>>) dst(%arg5 : memref<16x512xf32, #tpu.memory_space<vmem>>)
      %dma_wait3A_53 = arith.constant 0 : i32
      %dma_wait3A_54 = tpu.memref_slice %arg3[%add3A_49, %dma_wait3A_53] : memref<4096x512xi32, #tpu.memory_space<hbm>> -> memref<16x512xi32, #tpu.memory_space<hbm>>
      %dma_wait3A_55 = arith.constant 0 : i32
      %dma_wait3A_56 = tpu.memref_slice %arg3[%add3A_49, %dma_wait3A_55] : memref<4096x512xi32, #tpu.memory_space<hbm>> -> memref<16x512xi32, #tpu.memory_space<hbm>>
      tpu.wait_dma2 semaphore(%arg13 : memref<!tpu.dma_semaphore, #tpu.memory_space<semaphore_mem>>) src(%dma_wait3A_56 : memref<16x512xi32, #tpu.memory_space<hbm>>) dst(%arg7 : memref<16x512xi32, #tpu.memory_space<vmem>>)
      %add3A_57 = arith.constant 2 : i32
      %add3A_58 = arith.addi %add3A_46, %add3A_57 : i32
      %lt3A = arith.constant 8 : i32
      %lt3A_59 = arith.cmpi slt, %add3A_58, %lt3A : i32
      %convert_element_type3A = arith.extui %lt3A_59 : i1 to i32
      %cond3A = arith.constant 0 : i32
      %cond3A_60 = arith.cmpi ne, %convert_element_type3A, %cond3A : i32
      scf.if %cond3A_60 {
        %add3A_93 = arith.constant 2 : i32
        %add3A_94 = arith.addi %add3A_46, %add3A_93 : i32
        %mul3A_95 = arith.constant 16 : i32
        %mul3A_96 = arith.muli %add3A_94, %mul3A_95 : i32
        %add3A_97 = arith.addi %mul3A_2, %mul3A_96 : i32
        %dma_start3A_98 = arith.constant 0 : i32
        %dma_start3A_99 = tpu.memref_slice %arg2[%add3A_97, %dma_start3A_98] : memref<4096x512xf32, #tpu.memory_space<hbm>> -> memref<16x512xf32, #tpu.memory_space<hbm>>
        %dma_start3A_100 = arith.constant 0 : i32
        %dma_start3A_101 = tpu.memref_slice %arg2[%add3A_97, %dma_start3A_100] : memref<4096x512xf32, #tpu.memory_space<hbm>> -> memref<16x512xf32, #tpu.memory_space<hbm>>
        tpu.enqueue_dma source(%dma_start3A_101 : memref<16x512xf32, #tpu.memory_space<hbm>>) target(%arg5 : memref<16x512xf32, #tpu.memory_space<vmem>>) target_semaphore(%arg11 : memref<!tpu.dma_semaphore, #tpu.memory_space<semaphore_mem>>)
        %dma_start3A_102 = arith.constant 0 : i32
        %dma_start3A_103 = tpu.memref_slice %arg3[%add3A_97, %dma_start3A_102] : memref<4096x512xi32, #tpu.memory_space<hbm>> -> memref<16x512xi32, #tpu.memory_space<hbm>>
        %dma_start3A_104 = arith.constant 0 : i32
        %dma_start3A_105 = tpu.memref_slice %arg3[%add3A_97, %dma_start3A_104] : memref<4096x512xi32, #tpu.memory_space<hbm>> -> memref<16x512xi32, #tpu.memory_space<hbm>>
        tpu.enqueue_dma source(%dma_start3A_105 : memref<16x512xi32, #tpu.memory_space<hbm>>) target(%arg7 : memref<16x512xi32, #tpu.memory_space<vmem>>) target_semaphore(%arg13 : memref<!tpu.dma_semaphore, #tpu.memory_space<semaphore_mem>>)
      } else {
      }
      %scan3A_61 = arith.constant 0 : i32
      %scan3A_62 = arith.constant 0 : i32
      %scan3A_63 = arith.constant 64 : i32
      %scan3A_64 = arith.addi %scan3A_62, %scan3A_63 : i32
      %scan3A_65 = arith.constant 1 : i32
      scf.for %scan3A_93 = %scan3A_62 to %scan3A_64 step %scan3A_65  : i32 {
        %shift_right_logical3A = arith.constant 2 : i32
        %shift_right_logical3A_94 = arith.shrui %scan3A_93, %shift_right_logical3A : i32
        %and3A = arith.constant 3 : i32
        %and3A_95 = arith.andi %scan3A_93, %and3A : i32
        %mul3A_96 = arith.constant 128 : i32
        %mul3A_97 = arith.muli %and3A_95, %mul3A_96 : i32
        %add3A_98 = arith.constant 0 : i32
        %add3A_99 = arith.addi %mul3A_97, %add3A_98 : i32
        %get3A = arith.index_cast %shift_right_logical3A_94 : i32 to index
        %get3A_100 = arith.index_cast %add3A_99 : i32 to index
        %get3A_101 = tpu.vector_load %arg5[%get3A, %get3A_100] {strides = array<i32>} : memref<16x512xf32, #tpu.memory_space<vmem>>, vector<16xf32>,
        %add3A_102 = arith.constant 0 : i32
        %add3A_103 = arith.addi %mul3A_97, %add3A_102 : i32
        %get3A_104 = arith.index_cast %shift_right_logical3A_94 : i32 to index
        %get3A_105 = arith.index_cast %add3A_103 : i32 to index
        %get3A_106 = tpu.vector_load %arg7[%get3A_104, %get3A_105] {strides = array<i32>} : memref<16x512xi32, #tpu.memory_space<vmem>>, vector<16xi32>,
        %add3A_107 = arith.constant 16 : i32
        %add3A_108 = arith.addi %mul3A_97, %add3A_107 : i32
        %get3A_109 = arith.index_cast %shift_right_logical3A_94 : i32 to index
        %get3A_110 = arith.index_cast %add3A_108 : i32 to index
        %get3A_111 = tpu.vector_load %arg5[%get3A_109, %get3A_110] {strides = array<i32>} : memref<16x512xf32, #tpu.memory_space<vmem>>, vector<16xf32>,
        %add3A_112 = arith.constant 16 : i32
        %add3A_113 = arith.addi %mul3A_97, %add3A_112 : i32
        %get3A_114 = arith.index_cast %shift_right_logical3A_94 : i32 to index
        %get3A_115 = arith.index_cast %add3A_113 : i32 to index
        %get3A_116 = tpu.vector_load %arg7[%get3A_114, %get3A_115] {strides = array<i32>} : memref<16x512xi32, #tpu.memory_space<vmem>>, vector<16xi32>,
        %add3A_117 = arith.constant 32 : i32
        %add3A_118 = arith.addi %mul3A_97, %add3A_117 : i32
        %get3A_119 = arith.index_cast %shift_right_logical3A_94 : i32 to index
        %get3A_120 = arith.index_cast %add3A_118 : i32 to index
        %get3A_121 = tpu.vector_load %arg5[%get3A_119, %get3A_120] {strides = array<i32>} : memref<16x512xf32, #tpu.memory_space<vmem>>, vector<16xf32>,
        %add3A_122 = arith.constant 32 : i32
        %add3A_123 = arith.addi %mul3A_97, %add3A_122 : i32
        %get3A_124 = arith.index_cast %shift_right_logical3A_94 : i32 to index
        %get3A_125 = arith.index_cast %add3A_123 : i32 to index
        %get3A_126 = tpu.vector_load %arg7[%get3A_124, %get3A_125] {strides = array<i32>} : memref<16x512xi32, #tpu.memory_space<vmem>>, vector<16xi32>,
        %add3A_127 = arith.constant 48 : i32
        %add3A_128 = arith.addi %mul3A_97, %add3A_127 : i32
        %get3A_129 = arith.index_cast %shift_right_logical3A_94 : i32 to index
        %get3A_130 = arith.index_cast %add3A_128 : i32 to index
        %get3A_131 = tpu.vector_load %arg5[%get3A_129, %get3A_130] {strides = array<i32>} : memref<16x512xf32, #tpu.memory_space<vmem>>, vector<16xf32>,
        %add3A_132 = arith.constant 48 : i32
        %add3A_133 = arith.addi %mul3A_97, %add3A_132 : i32
        %get3A_134 = arith.index_cast %shift_right_logical3A_94 : i32 to index
        %get3A_135 = arith.index_cast %add3A_133 : i32 to index
        %get3A_136 = tpu.vector_load %arg7[%get3A_134, %get3A_135] {strides = array<i32>} : memref<16x512xi32, #tpu.memory_space<vmem>>, vector<16xi32>,
        %add3A_137 = arith.constant 64 : i32
        %add3A_138 = arith.addi %mul3A_97, %add3A_137 : i32
        %get3A_139 = arith.index_cast %shift_right_logical3A_94 : i32 to index
        %get3A_140 = arith.index_cast %add3A_138 : i32 to index
        %get3A_141 = tpu.vector_load %arg5[%get3A_139, %get3A_140] {strides = array<i32>} : memref<16x512xf32, #tpu.memory_space<vmem>>, vector<16xf32>,
        %add3A_142 = arith.constant 64 : i32
        %add3A_143 = arith.addi %mul3A_97, %add3A_142 : i32
        %get3A_144 = arith.index_cast %shift_right_logical3A_94 : i32 to index
        %get3A_145 = arith.index_cast %add3A_143 : i32 to index
        %get3A_146 = tpu.vector_load %arg7[%get3A_144, %get3A_145] {strides = array<i32>} : memref<16x512xi32, #tpu.memory_space<vmem>>, vector<16xi32>,
        %add3A_147 = arith.constant 80 : i32
        %add3A_148 = arith.addi %mul3A_97, %add3A_147 : i32
        %get3A_149 = arith.index_cast %shift_right_logical3A_94 : i32 to index
        %get3A_150 = arith.index_cast %add3A_148 : i32 to index
        %get3A_151 = tpu.vector_load %arg5[%get3A_149, %get3A_150] {strides = array<i32>} : memref<16x512xf32, #tpu.memory_space<vmem>>, vector<16xf32>,
        %add3A_152 = arith.constant 80 : i32
        %add3A_153 = arith.addi %mul3A_97, %add3A_152 : i32
        %get3A_154 = arith.index_cast %shift_right_logical3A_94 : i32 to index
        %get3A_155 = arith.index_cast %add3A_153 : i32 to index
        %get3A_156 = tpu.vector_load %arg7[%get3A_154, %get3A_155] {strides = array<i32>} : memref<16x512xi32, #tpu.memory_space<vmem>>, vector<16xi32>,
        %add3A_157 = arith.constant 96 : i32
        %add3A_158 = arith.addi %mul3A_97, %add3A_157 : i32
        %get3A_159 = arith.index_cast %shift_right_logical3A_94 : i32 to index
        %get3A_160 = arith.index_cast %add3A_158 : i32 to index
        %get3A_161 = tpu.vector_load %arg5[%get3A_159, %get3A_160] {strides = array<i32>} : memref<16x512xf32, #tpu.memory_space<vmem>>, vector<16xf32>,
        %add3A_162 = arith.constant 96 : i32
        %add3A_163 = arith.addi %mul3A_97, %add3A_162 : i32
        %get3A_164 = arith.index_cast %shift_right_logical3A_94 : i32 to index
        %get3A_165 = arith.index_cast %add3A_163 : i32 to index
        %get3A_166 = tpu.vector_load %arg7[%get3A_164, %get3A_165] {strides = array<i32>} : memref<16x512xi32, #tpu.memory_space<vmem>>, vector<16xi32>,
        %add3A_167 = arith.constant 112 : i32
        %add3A_168 = arith.addi %mul3A_97, %add3A_167 : i32
        %get3A_169 = arith.index_cast %shift_right_logical3A_94 : i32 to index
        %get3A_170 = arith.index_cast %add3A_168 : i32 to index
        %get3A_171 = tpu.vector_load %arg5[%get3A_169, %get3A_170] {strides = array<i32>} : memref<16x512xf32, #tpu.memory_space<vmem>>, vector<16xf32>,
        %add3A_172 = arith.constant 112 : i32
        %add3A_173 = arith.addi %mul3A_97, %add3A_172 : i32
        %get3A_174 = arith.index_cast %shift_right_logical3A_94 : i32 to index
        %get3A_175 = arith.index_cast %add3A_173 : i32 to index
        %get3A_176 = tpu.vector_load %arg7[%get3A_174, %get3A_175] {strides = array<i32>} : memref<16x512xi32, #tpu.memory_space<vmem>>, vector<16xi32>,
        %gt3A = arith.constant 0 : i32
        %gt3A_177 = vector.broadcast %gt3A : i32 to vector<16xi32>
        %gt3A_178 = arith.cmpi sgt, %get3A_106, %gt3A_177 : vector<16xi32>
        %sub3A = arith.constant 1.000000e+00 : f32
        %sub3A_179 = vector.broadcast %sub3A : f32 to vector<16xf32>
        %sub3A_180 = arith.subf %sub3A_179, %get3A_101 : vector<16xf32>
        %add3A_181 = arith.constant 1.000000e+00 : f32
        %add3A_182 = vector.broadcast %add3A_181 : f32 to vector<16xf32>
        %add3A_183 = arith.addf %add3A_182, %get3A_101 : vector<16xf32>
        %select_n3A = arith.select %gt3A_178, %sub3A_180, %add3A_183 : vector<16xi1>, vector<16xf32>
        %bitcast_convert_type3A = tpu.bitcast %select_n3A : vector<16xf32> -> vector<16xi32>
        %shift_right_arithmetic3A = arith.constant 15 : i32
        %shift_right_arithmetic3A_184 = vector.broadcast %shift_right_arithmetic3A : i32 to vector<16xi32>
        %shift_right_arithmetic3A_185 = arith.shrsi %bitcast_convert_type3A, %shift_right_arithmetic3A_184 : vector<16xi32>
        %sub3A_186 = arith.constant 24576 : i32
        %sub3A_187 = vector.broadcast %sub3A_186 : i32 to vector<16xi32>
        %sub3A_188 = arith.subi %shift_right_arithmetic3A_185, %sub3A_187 : vector<16xi32>
        %max3A = arith.constant 0 : i32
        %max3A_189 = vector.broadcast %max3A : i32 to vector<16xi32>
        %max3A_190 = arith.maxsi %sub3A_188, %max3A_189 : vector<16xi32>
        %min3A = arith.constant 12287 : i32
        %min3A_191 = vector.broadcast %min3A : i32 to vector<16xi32>
        %min3A_192 = arith.minsi %max3A_190, %min3A_191 : vector<16xi32>
        %shift_right_logical3A_193 = arith.constant 7 : i32
        %shift_right_logical3A_194 = vector.broadcast %shift_right_logical3A_193 : i32 to vector<16xi32>
        %shift_right_logical3A_195 = arith.shrui %min3A_192, %shift_right_logical3A_194 : vector<16xi32>
        %and3A_196 = arith.constant 127 : i32
        %and3A_197 = vector.broadcast %and3A_196 : i32 to vector<16xi32>
        %and3A_198 = arith.andi %min3A_192, %and3A_197 : vector<16xi32>
        %jit3A = arith.constant 65537 : i32
        %jit3A_199 = arith.constant 1 : i32
        %broadcast_in_dim3A_200 = vector.broadcast %jit3A : i32 to vector<16xi32>
        %broadcast_in_dim3A_201 = vector.broadcast %jit3A_199 : i32 to vector<16xi32>
        %select_n3A_202 = arith.select %gt3A_178, %broadcast_in_dim3A_200, %broadcast_in_dim3A_201 : vector<16xi1>, vector<16xi32>
        %gt3A_203 = arith.constant 0 : i32
        %gt3A_204 = vector.broadcast %gt3A_203 : i32 to vector<16xi32>
        %gt3A_205 = arith.cmpi sgt, %get3A_116, %gt3A_204 : vector<16xi32>
        %sub3A_206 = arith.constant 1.000000e+00 : f32
        %sub3A_207 = vector.broadcast %sub3A_206 : f32 to vector<16xf32>
        %sub3A_208 = arith.subf %sub3A_207, %get3A_111 : vector<16xf32>
        %add3A_209 = arith.constant 1.000000e+00 : f32
        %add3A_210 = vector.broadcast %add3A_209 : f32 to vector<16xf32>
        %add3A_211 = arith.addf %add3A_210, %get3A_111 : vector<16xf32>
        %select_n3A_212 = arith.select %gt3A_205, %sub3A_208, %add3A_211 : vector<16xi1>, vector<16xf32>
        %bitcast_convert_type3A_213 = tpu.bitcast %select_n3A_212 : vector<16xf32> -> vector<16xi32>
        %shift_right_arithmetic3A_214 = arith.constant 15 : i32
        %shift_right_arithmetic3A_215 = vector.broadcast %shift_right_arithmetic3A_214 : i32 to vector<16xi32>
        %shift_right_arithmetic3A_216 = arith.shrsi %bitcast_convert_type3A_213, %shift_right_arithmetic3A_215 : vector<16xi32>
        %sub3A_217 = arith.constant 24576 : i32
        %sub3A_218 = vector.broadcast %sub3A_217 : i32 to vector<16xi32>
        %sub3A_219 = arith.subi %shift_right_arithmetic3A_216, %sub3A_218 : vector<16xi32>
        %max3A_220 = arith.constant 0 : i32
        %max3A_221 = vector.broadcast %max3A_220 : i32 to vector<16xi32>
        %max3A_222 = arith.maxsi %sub3A_219, %max3A_221 : vector<16xi32>
        %min3A_223 = arith.constant 12287 : i32
        %min3A_224 = vector.broadcast %min3A_223 : i32 to vector<16xi32>
        %min3A_225 = arith.minsi %max3A_222, %min3A_224 : vector<16xi32>
        %shift_right_logical3A_226 = arith.constant 7 : i32
        %shift_right_logical3A_227 = vector.broadcast %shift_right_logical3A_226 : i32 to vector<16xi32>
        %shift_right_logical3A_228 = arith.shrui %min3A_225, %shift_right_logical3A_227 : vector<16xi32>
        %and3A_229 = arith.constant 127 : i32
        %and3A_230 = vector.broadcast %and3A_229 : i32 to vector<16xi32>
        %and3A_231 = arith.andi %min3A_225, %and3A_230 : vector<16xi32>
        %jit3A_232 = arith.constant 65537 : i32
        %jit3A_233 = arith.constant 1 : i32
        %broadcast_in_dim3A_234 = vector.broadcast %jit3A_232 : i32 to vector<16xi32>
        %broadcast_in_dim3A_235 = vector.broadcast %jit3A_233 : i32 to vector<16xi32>
        %select_n3A_236 = arith.select %gt3A_205, %broadcast_in_dim3A_234, %broadcast_in_dim3A_235 : vector<16xi1>, vector<16xi32>
        %gt3A_237 = arith.constant 0 : i32
        %gt3A_238 = vector.broadcast %gt3A_237 : i32 to vector<16xi32>
        %gt3A_239 = arith.cmpi sgt, %get3A_126, %gt3A_238 : vector<16xi32>
        %sub3A_240 = arith.constant 1.000000e+00 : f32
        %sub3A_241 = vector.broadcast %sub3A_240 : f32 to vector<16xf32>
        %sub3A_242 = arith.subf %sub3A_241, %get3A_121 : vector<16xf32>
        %add3A_243 = arith.constant 1.000000e+00 : f32
        %add3A_244 = vector.broadcast %add3A_243 : f32 to vector<16xf32>
        %add3A_245 = arith.addf %add3A_244, %get3A_121 : vector<16xf32>
        %select_n3A_246 = arith.select %gt3A_239, %sub3A_242, %add3A_245 : vector<16xi1>, vector<16xf32>
        %bitcast_convert_type3A_247 = tpu.bitcast %select_n3A_246 : vector<16xf32> -> vector<16xi32>
        %shift_right_arithmetic3A_248 = arith.constant 15 : i32
        %shift_right_arithmetic3A_249 = vector.broadcast %shift_right_arithmetic3A_248 : i32 to vector<16xi32>
        %shift_right_arithmetic3A_250 = arith.shrsi %bitcast_convert_type3A_247, %shift_right_arithmetic3A_249 : vector<16xi32>
        %sub3A_251 = arith.constant 24576 : i32
        %sub3A_252 = vector.broadcast %sub3A_251 : i32 to vector<16xi32>
        %sub3A_253 = arith.subi %shift_right_arithmetic3A_250, %sub3A_252 : vector<16xi32>
        %max3A_254 = arith.constant 0 : i32
        %max3A_255 = vector.broadcast %max3A_254 : i32 to vector<16xi32>
        %max3A_256 = arith.maxsi %sub3A_253, %max3A_255 : vector<16xi32>
        %min3A_257 = arith.constant 12287 : i32
        %min3A_258 = vector.broadcast %min3A_257 : i32 to vector<16xi32>
        %min3A_259 = arith.minsi %max3A_256, %min3A_258 : vector<16xi32>
        %shift_right_logical3A_260 = arith.constant 7 : i32
        %shift_right_logical3A_261 = vector.broadcast %shift_right_logical3A_260 : i32 to vector<16xi32>
        %shift_right_logical3A_262 = arith.shrui %min3A_259, %shift_right_logical3A_261 : vector<16xi32>
        %and3A_263 = arith.constant 127 : i32
        %and3A_264 = vector.broadcast %and3A_263 : i32 to vector<16xi32>
        %and3A_265 = arith.andi %min3A_259, %and3A_264 : vector<16xi32>
        %jit3A_266 = arith.constant 65537 : i32
        %jit3A_267 = arith.constant 1 : i32
        %broadcast_in_dim3A_268 = vector.broadcast %jit3A_266 : i32 to vector<16xi32>
        %broadcast_in_dim3A_269 = vector.broadcast %jit3A_267 : i32 to vector<16xi32>
        %select_n3A_270 = arith.select %gt3A_239, %broadcast_in_dim3A_268, %broadcast_in_dim3A_269 : vector<16xi1>, vector<16xi32>
        %gt3A_271 = arith.constant 0 : i32
        %gt3A_272 = vector.broadcast %gt3A_271 : i32 to vector<16xi32>
        %gt3A_273 = arith.cmpi sgt, %get3A_136, %gt3A_272 : vector<16xi32>
        %sub3A_274 = arith.constant 1.000000e+00 : f32
        %sub3A_275 = vector.broadcast %sub3A_274 : f32 to vector<16xf32>
        %sub3A_276 = arith.subf %sub3A_275, %get3A_131 : vector<16xf32>
        %add3A_277 = arith.constant 1.000000e+00 : f32
        %add3A_278 = vector.broadcast %add3A_277 : f32 to vector<16xf32>
        %add3A_279 = arith.addf %add3A_278, %get3A_131 : vector<16xf32>
        %select_n3A_280 = arith.select %gt3A_273, %sub3A_276, %add3A_279 : vector<16xi1>, vector<16xf32>
        %bitcast_convert_type3A_281 = tpu.bitcast %select_n3A_280 : vector<16xf32> -> vector<16xi32>
        %shift_right_arithmetic3A_282 = arith.constant 15 : i32
        %shift_right_arithmetic3A_283 = vector.broadcast %shift_right_arithmetic3A_282 : i32 to vector<16xi32>
        %shift_right_arithmetic3A_284 = arith.shrsi %bitcast_convert_type3A_281, %shift_right_arithmetic3A_283 : vector<16xi32>
        %sub3A_285 = arith.constant 24576 : i32
        %sub3A_286 = vector.broadcast %sub3A_285 : i32 to vector<16xi32>
        %sub3A_287 = arith.subi %shift_right_arithmetic3A_284, %sub3A_286 : vector<16xi32>
        %max3A_288 = arith.constant 0 : i32
        %max3A_289 = vector.broadcast %max3A_288 : i32 to vector<16xi32>
        %max3A_290 = arith.maxsi %sub3A_287, %max3A_289 : vector<16xi32>
        %min3A_291 = arith.constant 12287 : i32
        %min3A_292 = vector.broadcast %min3A_291 : i32 to vector<16xi32>
        %min3A_293 = arith.minsi %max3A_290, %min3A_292 : vector<16xi32>
        %shift_right_logical3A_294 = arith.constant 7 : i32
        %shift_right_logical3A_295 = vector.broadcast %shift_right_logical3A_294 : i32 to vector<16xi32>
        %shift_right_logical3A_296 = arith.shrui %min3A_293, %shift_right_logical3A_295 : vector<16xi32>
        %and3A_297 = arith.constant 127 : i32
        %and3A_298 = vector.broadcast %and3A_297 : i32 to vector<16xi32>
        %and3A_299 = arith.andi %min3A_293, %and3A_298 : vector<16xi32>
        %jit3A_300 = arith.constant 65537 : i32
        %jit3A_301 = arith.constant 1 : i32
        %broadcast_in_dim3A_302 = vector.broadcast %jit3A_300 : i32 to vector<16xi32>
        %broadcast_in_dim3A_303 = vector.broadcast %jit3A_301 : i32 to vector<16xi32>
        %select_n3A_304 = arith.select %gt3A_273, %broadcast_in_dim3A_302, %broadcast_in_dim3A_303 : vector<16xi1>, vector<16xi32>
        %gt3A_305 = arith.constant 0 : i32
        %gt3A_306 = vector.broadcast %gt3A_305 : i32 to vector<16xi32>
        %gt3A_307 = arith.cmpi sgt, %get3A_146, %gt3A_306 : vector<16xi32>
        %sub3A_308 = arith.constant 1.000000e+00 : f32
        %sub3A_309 = vector.broadcast %sub3A_308 : f32 to vector<16xf32>
        %sub3A_310 = arith.subf %sub3A_309, %get3A_141 : vector<16xf32>
        %add3A_311 = arith.constant 1.000000e+00 : f32
        %add3A_312 = vector.broadcast %add3A_311 : f32 to vector<16xf32>
        %add3A_313 = arith.addf %add3A_312, %get3A_141 : vector<16xf32>
        %select_n3A_314 = arith.select %gt3A_307, %sub3A_310, %add3A_313 : vector<16xi1>, vector<16xf32>
        %bitcast_convert_type3A_315 = tpu.bitcast %select_n3A_314 : vector<16xf32> -> vector<16xi32>
        %shift_right_arithmetic3A_316 = arith.constant 15 : i32
        %shift_right_arithmetic3A_317 = vector.broadcast %shift_right_arithmetic3A_316 : i32 to vector<16xi32>
        %shift_right_arithmetic3A_318 = arith.shrsi %bitcast_convert_type3A_315, %shift_right_arithmetic3A_317 : vector<16xi32>
        %sub3A_319 = arith.constant 24576 : i32
        %sub3A_320 = vector.broadcast %sub3A_319 : i32 to vector<16xi32>
        %sub3A_321 = arith.subi %shift_right_arithmetic3A_318, %sub3A_320 : vector<16xi32>
        %max3A_322 = arith.constant 0 : i32
        %max3A_323 = vector.broadcast %max3A_322 : i32 to vector<16xi32>
        %max3A_324 = arith.maxsi %sub3A_321, %max3A_323 : vector<16xi32>
        %min3A_325 = arith.constant 12287 : i32
        %min3A_326 = vector.broadcast %min3A_325 : i32 to vector<16xi32>
        %min3A_327 = arith.minsi %max3A_324, %min3A_326 : vector<16xi32>
        %shift_right_logical3A_328 = arith.constant 7 : i32
        %shift_right_logical3A_329 = vector.broadcast %shift_right_logical3A_328 : i32 to vector<16xi32>
        %shift_right_logical3A_330 = arith.shrui %min3A_327, %shift_right_logical3A_329 : vector<16xi32>
        %and3A_331 = arith.constant 127 : i32
        %and3A_332 = vector.broadcast %and3A_331 : i32 to vector<16xi32>
        %and3A_333 = arith.andi %min3A_327, %and3A_332 : vector<16xi32>
        %jit3A_334 = arith.constant 65537 : i32
        %jit3A_335 = arith.constant 1 : i32
        %broadcast_in_dim3A_336 = vector.broadcast %jit3A_334 : i32 to vector<16xi32>
        %broadcast_in_dim3A_337 = vector.broadcast %jit3A_335 : i32 to vector<16xi32>
        %select_n3A_338 = arith.select %gt3A_307, %broadcast_in_dim3A_336, %broadcast_in_dim3A_337 : vector<16xi1>, vector<16xi32>
        %gt3A_339 = arith.constant 0 : i32
        %gt3A_340 = vector.broadcast %gt3A_339 : i32 to vector<16xi32>
        %gt3A_341 = arith.cmpi sgt, %get3A_156, %gt3A_340 : vector<16xi32>
        %sub3A_342 = arith.constant 1.000000e+00 : f32
        %sub3A_343 = vector.broadcast %sub3A_342 : f32 to vector<16xf32>
        %sub3A_344 = arith.subf %sub3A_343, %get3A_151 : vector<16xf32>
        %add3A_345 = arith.constant 1.000000e+00 : f32
        %add3A_346 = vector.broadcast %add3A_345 : f32 to vector<16xf32>
        %add3A_347 = arith.addf %add3A_346, %get3A_151 : vector<16xf32>
        %select_n3A_348 = arith.select %gt3A_341, %sub3A_344, %add3A_347 : vector<16xi1>, vector<16xf32>
        %bitcast_convert_type3A_349 = tpu.bitcast %select_n3A_348 : vector<16xf32> -> vector<16xi32>
        %shift_right_arithmetic3A_350 = arith.constant 15 : i32
        %shift_right_arithmetic3A_351 = vector.broadcast %shift_right_arithmetic3A_350 : i32 to vector<16xi32>
        %shift_right_arithmetic3A_352 = arith.shrsi %bitcast_convert_type3A_349, %shift_right_arithmetic3A_351 : vector<16xi32>
        %sub3A_353 = arith.constant 24576 : i32
        %sub3A_354 = vector.broadcast %sub3A_353 : i32 to vector<16xi32>
        %sub3A_355 = arith.subi %shift_right_arithmetic3A_352, %sub3A_354 : vector<16xi32>
        %max3A_356 = arith.constant 0 : i32
        %max3A_357 = vector.broadcast %max3A_356 : i32 to vector<16xi32>
        %max3A_358 = arith.maxsi %sub3A_355, %max3A_357 : vector<16xi32>
        %min3A_359 = arith.constant 12287 : i32
        %min3A_360 = vector.broadcast %min3A_359 : i32 to vector<16xi32>
        %min3A_361 = arith.minsi %max3A_358, %min3A_360 : vector<16xi32>
        %shift_right_logical3A_362 = arith.constant 7 : i32
        %shift_right_logical3A_363 = vector.broadcast %shift_right_logical3A_362 : i32 to vector<16xi32>
        %shift_right_logical3A_364 = arith.shrui %min3A_361, %shift_right_logical3A_363 : vector<16xi32>
        %and3A_365 = arith.constant 127 : i32
        %and3A_366 = vector.broadcast %and3A_365 : i32 to vector<16xi32>
        %and3A_367 = arith.andi %min3A_361, %and3A_366 : vector<16xi32>
        %jit3A_368 = arith.constant 65537 : i32
        %jit3A_369 = arith.constant 1 : i32
        %broadcast_in_dim3A_370 = vector.broadcast %jit3A_368 : i32 to vector<16xi32>
        %broadcast_in_dim3A_371 = vector.broadcast %jit3A_369 : i32 to vector<16xi32>
        %select_n3A_372 = arith.select %gt3A_341, %broadcast_in_dim3A_370, %broadcast_in_dim3A_371 : vector<16xi1>, vector<16xi32>
        %gt3A_373 = arith.constant 0 : i32
        %gt3A_374 = vector.broadcast %gt3A_373 : i32 to vector<16xi32>
        %gt3A_375 = arith.cmpi sgt, %get3A_166, %gt3A_374 : vector<16xi32>
        %sub3A_376 = arith.constant 1.000000e+00 : f32
        %sub3A_377 = vector.broadcast %sub3A_376 : f32 to vector<16xf32>
        %sub3A_378 = arith.subf %sub3A_377, %get3A_161 : vector<16xf32>
        %add3A_379 = arith.constant 1.000000e+00 : f32
        %add3A_380 = vector.broadcast %add3A_379 : f32 to vector<16xf32>
        %add3A_381 = arith.addf %add3A_380, %get3A_161 : vector<16xf32>
        %select_n3A_382 = arith.select %gt3A_375, %sub3A_378, %add3A_381 : vector<16xi1>, vector<16xf32>
        %bitcast_convert_type3A_383 = tpu.bitcast %select_n3A_382 : vector<16xf32> -> vector<16xi32>
        %shift_right_arithmetic3A_384 = arith.constant 15 : i32
        %shift_right_arithmetic3A_385 = vector.broadcast %shift_right_arithmetic3A_384 : i32 to vector<16xi32>
        %shift_right_arithmetic3A_386 = arith.shrsi %bitcast_convert_type3A_383, %shift_right_arithmetic3A_385 : vector<16xi32>
        %sub3A_387 = arith.constant 24576 : i32
        %sub3A_388 = vector.broadcast %sub3A_387 : i32 to vector<16xi32>
        %sub3A_389 = arith.subi %shift_right_arithmetic3A_386, %sub3A_388 : vector<16xi32>
        %max3A_390 = arith.constant 0 : i32
        %max3A_391 = vector.broadcast %max3A_390 : i32 to vector<16xi32>
        %max3A_392 = arith.maxsi %sub3A_389, %max3A_391 : vector<16xi32>
        %min3A_393 = arith.constant 12287 : i32
        %min3A_394 = vector.broadcast %min3A_393 : i32 to vector<16xi32>
        %min3A_395 = arith.minsi %max3A_392, %min3A_394 : vector<16xi32>
        %shift_right_logical3A_396 = arith.constant 7 : i32
        %shift_right_logical3A_397 = vector.broadcast %shift_right_logical3A_396 : i32 to vector<16xi32>
        %shift_right_logical3A_398 = arith.shrui %min3A_395, %shift_right_logical3A_397 : vector<16xi32>
        %and3A_399 = arith.constant 127 : i32
        %and3A_400 = vector.broadcast %and3A_399 : i32 to vector<16xi32>
        %and3A_401 = arith.andi %min3A_395, %and3A_400 : vector<16xi32>
        %jit3A_402 = arith.constant 65537 : i32
        %jit3A_403 = arith.constant 1 : i32
        %broadcast_in_dim3A_404 = vector.broadcast %jit3A_402 : i32 to vector<16xi32>
        %broadcast_in_dim3A_405 = vector.broadcast %jit3A_403 : i32 to vector<16xi32>
        %select_n3A_406 = arith.select %gt3A_375, %broadcast_in_dim3A_404, %broadcast_in_dim3A_405 : vector<16xi1>, vector<16xi32>
        %gt3A_407 = arith.constant 0 : i32
        %gt3A_408 = vector.broadcast %gt3A_407 : i32 to vector<16xi32>
        %gt3A_409 = arith.cmpi sgt, %get3A_176, %gt3A_408 : vector<16xi32>
        %sub3A_410 = arith.constant 1.000000e+00 : f32
        %sub3A_411 = vector.broadcast %sub3A_410 : f32 to vector<16xf32>
        %sub3A_412 = arith.subf %sub3A_411, %get3A_171 : vector<16xf32>
        %add3A_413 = arith.constant 1.000000e+00 : f32
        %add3A_414 = vector.broadcast %add3A_413 : f32 to vector<16xf32>
        %add3A_415 = arith.addf %add3A_414, %get3A_171 : vector<16xf32>
        %select_n3A_416 = arith.select %gt3A_409, %sub3A_412, %add3A_415 : vector<16xi1>, vector<16xf32>
        %bitcast_convert_type3A_417 = tpu.bitcast %select_n3A_416 : vector<16xf32> -> vector<16xi32>
        %shift_right_arithmetic3A_418 = arith.constant 15 : i32
        %shift_right_arithmetic3A_419 = vector.broadcast %shift_right_arithmetic3A_418 : i32 to vector<16xi32>
        %shift_right_arithmetic3A_420 = arith.shrsi %bitcast_convert_type3A_417, %shift_right_arithmetic3A_419 : vector<16xi32>
        %sub3A_421 = arith.constant 24576 : i32
        %sub3A_422 = vector.broadcast %sub3A_421 : i32 to vector<16xi32>
        %sub3A_423 = arith.subi %shift_right_arithmetic3A_420, %sub3A_422 : vector<16xi32>
        %max3A_424 = arith.constant 0 : i32
        %max3A_425 = vector.broadcast %max3A_424 : i32 to vector<16xi32>
        %max3A_426 = arith.maxsi %sub3A_423, %max3A_425 : vector<16xi32>
        %min3A_427 = arith.constant 12287 : i32
        %min3A_428 = vector.broadcast %min3A_427 : i32 to vector<16xi32>
        %min3A_429 = arith.minsi %max3A_426, %min3A_428 : vector<16xi32>
        %shift_right_logical3A_430 = arith.constant 7 : i32
        %shift_right_logical3A_431 = vector.broadcast %shift_right_logical3A_430 : i32 to vector<16xi32>
        %shift_right_logical3A_432 = arith.shrui %min3A_429, %shift_right_logical3A_431 : vector<16xi32>
        %and3A_433 = arith.constant 127 : i32
        %and3A_434 = vector.broadcast %and3A_433 : i32 to vector<16xi32>
        %and3A_435 = arith.andi %min3A_429, %and3A_434 : vector<16xi32>
        %jit3A_436 = arith.constant 65537 : i32
        %jit3A_437 = arith.constant 1 : i32
        %broadcast_in_dim3A_438 = vector.broadcast %jit3A_436 : i32 to vector<16xi32>
        %broadcast_in_dim3A_439 = vector.broadcast %jit3A_437 : i32 to vector<16xi32>
        %select_n3A_440 = arith.select %gt3A_409, %broadcast_in_dim3A_438, %broadcast_in_dim3A_439 : vector<16xi1>, vector<16xi32>
        tpu.vector_store_idx %arg9[%shift_right_logical3A_195, %and3A_198], %select_n3A_202 {add = true} : memref<96x128xi32, #tpu.memory_space<vmem>>[vector<16xi32>, vector<16xi32>], vector<16xi32>,
        tpu.vector_store_idx %arg10[%shift_right_logical3A_228, %and3A_231], %select_n3A_236 {add = true} : memref<96x128xi32, #tpu.memory_space<vmem>>[vector<16xi32>, vector<16xi32>], vector<16xi32>,
        tpu.vector_store_idx %arg9[%shift_right_logical3A_262, %and3A_265], %select_n3A_270 {add = true} : memref<96x128xi32, #tpu.memory_space<vmem>>[vector<16xi32>, vector<16xi32>], vector<16xi32>,
        tpu.vector_store_idx %arg10[%shift_right_logical3A_296, %and3A_299], %select_n3A_304 {add = true} : memref<96x128xi32, #tpu.memory_space<vmem>>[vector<16xi32>, vector<16xi32>], vector<16xi32>,
        tpu.vector_store_idx %arg9[%shift_right_logical3A_330, %and3A_333], %select_n3A_338 {add = true} : memref<96x128xi32, #tpu.memory_space<vmem>>[vector<16xi32>, vector<16xi32>], vector<16xi32>,
        tpu.vector_store_idx %arg10[%shift_right_logical3A_364, %and3A_367], %select_n3A_372 {add = true} : memref<96x128xi32, #tpu.memory_space<vmem>>[vector<16xi32>, vector<16xi32>], vector<16xi32>,
        tpu.vector_store_idx %arg9[%shift_right_logical3A_398, %and3A_401], %select_n3A_406 {add = true} : memref<96x128xi32, #tpu.memory_space<vmem>>[vector<16xi32>, vector<16xi32>], vector<16xi32>,
        tpu.vector_store_idx %arg10[%shift_right_logical3A_432, %and3A_435], %select_n3A_440 {add = true} : memref<96x128xi32, #tpu.memory_space<vmem>>[vector<16xi32>, vector<16xi32>], vector<16xi32>,
      }
      %scan3A_66 = arith.constant 64 : i32
      %add3A_67 = arith.constant 1 : i32
      %add3A_68 = arith.addi %mul3A_44, %add3A_67 : i32
      %mul3A_69 = arith.constant 16 : i32
      %mul3A_70 = arith.muli %add3A_68, %mul3A_69 : i32
      %add3A_71 = arith.addi %mul3A_2, %mul3A_70 : i32
      %dma_wait3A_72 = arith.constant 0 : i32
      %dma_wait3A_73 = tpu.memref_slice %arg2[%add3A_71, %dma_wait3A_72] : memref<4096x512xf32, #tpu.memory_space<hbm>> -> memref<16x512xf32, #tpu.memory_space<hbm>>
      %dma_wait3A_74 = arith.constant 0 : i32
      %dma_wait3A_75 = tpu.memref_slice %arg2[%add3A_71, %dma_wait3A_74] : memref<4096x512xf32, #tpu.memory_space<hbm>> -> memref<16x512xf32, #tpu.memory_space<hbm>>
      tpu.wait_dma2 semaphore(%arg12 : memref<!tpu.dma_semaphore, #tpu.memory_space<semaphore_mem>>) src(%dma_wait3A_75 : memref<16x512xf32, #tpu.memory_space<hbm>>) dst(%arg6 : memref<16x512xf32, #tpu.memory_space<vmem>>)
      %dma_wait3A_76 = arith.constant 0 : i32
      %dma_wait3A_77 = tpu.memref_slice %arg3[%add3A_71, %dma_wait3A_76] : memref<4096x512xi32, #tpu.memory_space<hbm>> -> memref<16x512xi32, #tpu.memory_space<hbm>>
      %dma_wait3A_78 = arith.constant 0 : i32
      %dma_wait3A_79 = tpu.memref_slice %arg3[%add3A_71, %dma_wait3A_78] : memref<4096x512xi32, #tpu.memory_space<hbm>> -> memref<16x512xi32, #tpu.memory_space<hbm>>
      tpu.wait_dma2 semaphore(%arg14 : memref<!tpu.dma_semaphore, #tpu.memory_space<semaphore_mem>>) src(%dma_wait3A_79 : memref<16x512xi32, #tpu.memory_space<hbm>>) dst(%arg8 : memref<16x512xi32, #tpu.memory_space<vmem>>)
      %add3A_80 = arith.constant 2 : i32
      %add3A_81 = arith.addi %add3A_68, %add3A_80 : i32
      %lt3A_82 = arith.constant 8 : i32
      %lt3A_83 = arith.cmpi slt, %add3A_81, %lt3A_82 : i32
      %convert_element_type3A_84 = arith.extui %lt3A_83 : i1 to i32
      %cond3A_85 = arith.constant 0 : i32
      %cond3A_86 = arith.cmpi ne, %convert_element_type3A_84, %cond3A_85 : i32
      scf.if %cond3A_86 {
        %add3A_93 = arith.constant 2 : i32
        %add3A_94 = arith.addi %add3A_68, %add3A_93 : i32
        %mul3A_95 = arith.constant 16 : i32
        %mul3A_96 = arith.muli %add3A_94, %mul3A_95 : i32
        %add3A_97 = arith.addi %mul3A_2, %mul3A_96 : i32
        %dma_start3A_98 = arith.constant 0 : i32
        %dma_start3A_99 = tpu.memref_slice %arg2[%add3A_97, %dma_start3A_98] : memref<4096x512xf32, #tpu.memory_space<hbm>> -> memref<16x512xf32, #tpu.memory_space<hbm>>
        %dma_start3A_100 = arith.constant 0 : i32
        %dma_start3A_101 = tpu.memref_slice %arg2[%add3A_97, %dma_start3A_100] : memref<4096x512xf32, #tpu.memory_space<hbm>> -> memref<16x512xf32, #tpu.memory_space<hbm>>
        tpu.enqueue_dma source(%dma_start3A_101 : memref<16x512xf32, #tpu.memory_space<hbm>>) target(%arg6 : memref<16x512xf32, #tpu.memory_space<vmem>>) target_semaphore(%arg12 : memref<!tpu.dma_semaphore, #tpu.memory_space<semaphore_mem>>)
        %dma_start3A_102 = arith.constant 0 : i32
        %dma_start3A_103 = tpu.memref_slice %arg3[%add3A_97, %dma_start3A_102] : memref<4096x512xi32, #tpu.memory_space<hbm>> -> memref<16x512xi32, #tpu.memory_space<hbm>>
        %dma_start3A_104 = arith.constant 0 : i32
        %dma_start3A_105 = tpu.memref_slice %arg3[%add3A_97, %dma_start3A_104] : memref<4096x512xi32, #tpu.memory_space<hbm>> -> memref<16x512xi32, #tpu.memory_space<hbm>>
        tpu.enqueue_dma source(%dma_start3A_105 : memref<16x512xi32, #tpu.memory_space<hbm>>) target(%arg8 : memref<16x512xi32, #tpu.memory_space<vmem>>) target_semaphore(%arg14 : memref<!tpu.dma_semaphore, #tpu.memory_space<semaphore_mem>>)
      } else {
      }
      %scan3A_87 = arith.constant 0 : i32
      %scan3A_88 = arith.constant 0 : i32
      %scan3A_89 = arith.constant 64 : i32
      %scan3A_90 = arith.addi %scan3A_88, %scan3A_89 : i32
      %scan3A_91 = arith.constant 1 : i32
      scf.for %scan3A_93 = %scan3A_88 to %scan3A_90 step %scan3A_91  : i32 {
        %shift_right_logical3A = arith.constant 2 : i32
        %shift_right_logical3A_94 = arith.shrui %scan3A_93, %shift_right_logical3A : i32
        %and3A = arith.constant 3 : i32
        %and3A_95 = arith.andi %scan3A_93, %and3A : i32
        %mul3A_96 = arith.constant 128 : i32
        %mul3A_97 = arith.muli %and3A_95, %mul3A_96 : i32
        %add3A_98 = arith.constant 0 : i32
        %add3A_99 = arith.addi %mul3A_97, %add3A_98 : i32
        %get3A = arith.index_cast %shift_right_logical3A_94 : i32 to index
        %get3A_100 = arith.index_cast %add3A_99 : i32 to index
        %get3A_101 = tpu.vector_load %arg6[%get3A, %get3A_100] {strides = array<i32>} : memref<16x512xf32, #tpu.memory_space<vmem>>, vector<16xf32>,
        %add3A_102 = arith.constant 0 : i32
        %add3A_103 = arith.addi %mul3A_97, %add3A_102 : i32
        %get3A_104 = arith.index_cast %shift_right_logical3A_94 : i32 to index
        %get3A_105 = arith.index_cast %add3A_103 : i32 to index
        %get3A_106 = tpu.vector_load %arg8[%get3A_104, %get3A_105] {strides = array<i32>} : memref<16x512xi32, #tpu.memory_space<vmem>>, vector<16xi32>,
        %add3A_107 = arith.constant 16 : i32
        %add3A_108 = arith.addi %mul3A_97, %add3A_107 : i32
        %get3A_109 = arith.index_cast %shift_right_logical3A_94 : i32 to index
        %get3A_110 = arith.index_cast %add3A_108 : i32 to index
        %get3A_111 = tpu.vector_load %arg6[%get3A_109, %get3A_110] {strides = array<i32>} : memref<16x512xf32, #tpu.memory_space<vmem>>, vector<16xf32>,
        %add3A_112 = arith.constant 16 : i32
        %add3A_113 = arith.addi %mul3A_97, %add3A_112 : i32
        %get3A_114 = arith.index_cast %shift_right_logical3A_94 : i32 to index
        %get3A_115 = arith.index_cast %add3A_113 : i32 to index
        %get3A_116 = tpu.vector_load %arg8[%get3A_114, %get3A_115] {strides = array<i32>} : memref<16x512xi32, #tpu.memory_space<vmem>>, vector<16xi32>,
        %add3A_117 = arith.constant 32 : i32
        %add3A_118 = arith.addi %mul3A_97, %add3A_117 : i32
        %get3A_119 = arith.index_cast %shift_right_logical3A_94 : i32 to index
        %get3A_120 = arith.index_cast %add3A_118 : i32 to index
        %get3A_121 = tpu.vector_load %arg6[%get3A_119, %get3A_120] {strides = array<i32>} : memref<16x512xf32, #tpu.memory_space<vmem>>, vector<16xf32>,
        %add3A_122 = arith.constant 32 : i32
        %add3A_123 = arith.addi %mul3A_97, %add3A_122 : i32
        %get3A_124 = arith.index_cast %shift_right_logical3A_94 : i32 to index
        %get3A_125 = arith.index_cast %add3A_123 : i32 to index
        %get3A_126 = tpu.vector_load %arg8[%get3A_124, %get3A_125] {strides = array<i32>} : memref<16x512xi32, #tpu.memory_space<vmem>>, vector<16xi32>,
        %add3A_127 = arith.constant 48 : i32
        %add3A_128 = arith.addi %mul3A_97, %add3A_127 : i32
        %get3A_129 = arith.index_cast %shift_right_logical3A_94 : i32 to index
        %get3A_130 = arith.index_cast %add3A_128 : i32 to index
        %get3A_131 = tpu.vector_load %arg6[%get3A_129, %get3A_130] {strides = array<i32>} : memref<16x512xf32, #tpu.memory_space<vmem>>, vector<16xf32>,
        %add3A_132 = arith.constant 48 : i32
        %add3A_133 = arith.addi %mul3A_97, %add3A_132 : i32
        %get3A_134 = arith.index_cast %shift_right_logical3A_94 : i32 to index
        %get3A_135 = arith.index_cast %add3A_133 : i32 to index
        %get3A_136 = tpu.vector_load %arg8[%get3A_134, %get3A_135] {strides = array<i32>} : memref<16x512xi32, #tpu.memory_space<vmem>>, vector<16xi32>,
        %add3A_137 = arith.constant 64 : i32
        %add3A_138 = arith.addi %mul3A_97, %add3A_137 : i32
        %get3A_139 = arith.index_cast %shift_right_logical3A_94 : i32 to index
        %get3A_140 = arith.index_cast %add3A_138 : i32 to index
        %get3A_141 = tpu.vector_load %arg6[%get3A_139, %get3A_140] {strides = array<i32>} : memref<16x512xf32, #tpu.memory_space<vmem>>, vector<16xf32>,
        %add3A_142 = arith.constant 64 : i32
        %add3A_143 = arith.addi %mul3A_97, %add3A_142 : i32
        %get3A_144 = arith.index_cast %shift_right_logical3A_94 : i32 to index
        %get3A_145 = arith.index_cast %add3A_143 : i32 to index
        %get3A_146 = tpu.vector_load %arg8[%get3A_144, %get3A_145] {strides = array<i32>} : memref<16x512xi32, #tpu.memory_space<vmem>>, vector<16xi32>,
        %add3A_147 = arith.constant 80 : i32
        %add3A_148 = arith.addi %mul3A_97, %add3A_147 : i32
        %get3A_149 = arith.index_cast %shift_right_logical3A_94 : i32 to index
        %get3A_150 = arith.index_cast %add3A_148 : i32 to index
        %get3A_151 = tpu.vector_load %arg6[%get3A_149, %get3A_150] {strides = array<i32>} : memref<16x512xf32, #tpu.memory_space<vmem>>, vector<16xf32>,
        %add3A_152 = arith.constant 80 : i32
        %add3A_153 = arith.addi %mul3A_97, %add3A_152 : i32
        %get3A_154 = arith.index_cast %shift_right_logical3A_94 : i32 to index
        %get3A_155 = arith.index_cast %add3A_153 : i32 to index
        %get3A_156 = tpu.vector_load %arg8[%get3A_154, %get3A_155] {strides = array<i32>} : memref<16x512xi32, #tpu.memory_space<vmem>>, vector<16xi32>,
        %add3A_157 = arith.constant 96 : i32
        %add3A_158 = arith.addi %mul3A_97, %add3A_157 : i32
        %get3A_159 = arith.index_cast %shift_right_logical3A_94 : i32 to index
        %get3A_160 = arith.index_cast %add3A_158 : i32 to index
        %get3A_161 = tpu.vector_load %arg6[%get3A_159, %get3A_160] {strides = array<i32>} : memref<16x512xf32, #tpu.memory_space<vmem>>, vector<16xf32>,
        %add3A_162 = arith.constant 96 : i32
        %add3A_163 = arith.addi %mul3A_97, %add3A_162 : i32
        %get3A_164 = arith.index_cast %shift_right_logical3A_94 : i32 to index
        %get3A_165 = arith.index_cast %add3A_163 : i32 to index
        %get3A_166 = tpu.vector_load %arg8[%get3A_164, %get3A_165] {strides = array<i32>} : memref<16x512xi32, #tpu.memory_space<vmem>>, vector<16xi32>,
        %add3A_167 = arith.constant 112 : i32
        %add3A_168 = arith.addi %mul3A_97, %add3A_167 : i32
        %get3A_169 = arith.index_cast %shift_right_logical3A_94 : i32 to index
        %get3A_170 = arith.index_cast %add3A_168 : i32 to index
        %get3A_171 = tpu.vector_load %arg6[%get3A_169, %get3A_170] {strides = array<i32>} : memref<16x512xf32, #tpu.memory_space<vmem>>, vector<16xf32>,
        %add3A_172 = arith.constant 112 : i32
        %add3A_173 = arith.addi %mul3A_97, %add3A_172 : i32
        %get3A_174 = arith.index_cast %shift_right_logical3A_94 : i32 to index
        %get3A_175 = arith.index_cast %add3A_173 : i32 to index
        %get3A_176 = tpu.vector_load %arg8[%get3A_174, %get3A_175] {strides = array<i32>} : memref<16x512xi32, #tpu.memory_space<vmem>>, vector<16xi32>,
        %gt3A = arith.constant 0 : i32
        %gt3A_177 = vector.broadcast %gt3A : i32 to vector<16xi32>
        %gt3A_178 = arith.cmpi sgt, %get3A_106, %gt3A_177 : vector<16xi32>
        %sub3A = arith.constant 1.000000e+00 : f32
        %sub3A_179 = vector.broadcast %sub3A : f32 to vector<16xf32>
        %sub3A_180 = arith.subf %sub3A_179, %get3A_101 : vector<16xf32>
        %add3A_181 = arith.constant 1.000000e+00 : f32
        %add3A_182 = vector.broadcast %add3A_181 : f32 to vector<16xf32>
        %add3A_183 = arith.addf %add3A_182, %get3A_101 : vector<16xf32>
        %select_n3A = arith.select %gt3A_178, %sub3A_180, %add3A_183 : vector<16xi1>, vector<16xf32>
        %bitcast_convert_type3A = tpu.bitcast %select_n3A : vector<16xf32> -> vector<16xi32>
        %shift_right_arithmetic3A = arith.constant 15 : i32
        %shift_right_arithmetic3A_184 = vector.broadcast %shift_right_arithmetic3A : i32 to vector<16xi32>
        %shift_right_arithmetic3A_185 = arith.shrsi %bitcast_convert_type3A, %shift_right_arithmetic3A_184 : vector<16xi32>
        %sub3A_186 = arith.constant 24576 : i32
        %sub3A_187 = vector.broadcast %sub3A_186 : i32 to vector<16xi32>
        %sub3A_188 = arith.subi %shift_right_arithmetic3A_185, %sub3A_187 : vector<16xi32>
        %max3A = arith.constant 0 : i32
        %max3A_189 = vector.broadcast %max3A : i32 to vector<16xi32>
        %max3A_190 = arith.maxsi %sub3A_188, %max3A_189 : vector<16xi32>
        %min3A = arith.constant 12287 : i32
        %min3A_191 = vector.broadcast %min3A : i32 to vector<16xi32>
        %min3A_192 = arith.minsi %max3A_190, %min3A_191 : vector<16xi32>
        %shift_right_logical3A_193 = arith.constant 7 : i32
        %shift_right_logical3A_194 = vector.broadcast %shift_right_logical3A_193 : i32 to vector<16xi32>
        %shift_right_logical3A_195 = arith.shrui %min3A_192, %shift_right_logical3A_194 : vector<16xi32>
        %and3A_196 = arith.constant 127 : i32
        %and3A_197 = vector.broadcast %and3A_196 : i32 to vector<16xi32>
        %and3A_198 = arith.andi %min3A_192, %and3A_197 : vector<16xi32>
        %jit3A = arith.constant 65537 : i32
        %jit3A_199 = arith.constant 1 : i32
        %broadcast_in_dim3A_200 = vector.broadcast %jit3A : i32 to vector<16xi32>
        %broadcast_in_dim3A_201 = vector.broadcast %jit3A_199 : i32 to vector<16xi32>
        %select_n3A_202 = arith.select %gt3A_178, %broadcast_in_dim3A_200, %broadcast_in_dim3A_201 : vector<16xi1>, vector<16xi32>
        %gt3A_203 = arith.constant 0 : i32
        %gt3A_204 = vector.broadcast %gt3A_203 : i32 to vector<16xi32>
        %gt3A_205 = arith.cmpi sgt, %get3A_116, %gt3A_204 : vector<16xi32>
        %sub3A_206 = arith.constant 1.000000e+00 : f32
        %sub3A_207 = vector.broadcast %sub3A_206 : f32 to vector<16xf32>
        %sub3A_208 = arith.subf %sub3A_207, %get3A_111 : vector<16xf32>
        %add3A_209 = arith.constant 1.000000e+00 : f32
        %add3A_210 = vector.broadcast %add3A_209 : f32 to vector<16xf32>
        %add3A_211 = arith.addf %add3A_210, %get3A_111 : vector<16xf32>
        %select_n3A_212 = arith.select %gt3A_205, %sub3A_208, %add3A_211 : vector<16xi1>, vector<16xf32>
        %bitcast_convert_type3A_213 = tpu.bitcast %select_n3A_212 : vector<16xf32> -> vector<16xi32>
        %shift_right_arithmetic3A_214 = arith.constant 15 : i32
        %shift_right_arithmetic3A_215 = vector.broadcast %shift_right_arithmetic3A_214 : i32 to vector<16xi32>
        %shift_right_arithmetic3A_216 = arith.shrsi %bitcast_convert_type3A_213, %shift_right_arithmetic3A_215 : vector<16xi32>
        %sub3A_217 = arith.constant 24576 : i32
        %sub3A_218 = vector.broadcast %sub3A_217 : i32 to vector<16xi32>
        %sub3A_219 = arith.subi %shift_right_arithmetic3A_216, %sub3A_218 : vector<16xi32>
        %max3A_220 = arith.constant 0 : i32
        %max3A_221 = vector.broadcast %max3A_220 : i32 to vector<16xi32>
        %max3A_222 = arith.maxsi %sub3A_219, %max3A_221 : vector<16xi32>
        %min3A_223 = arith.constant 12287 : i32
        %min3A_224 = vector.broadcast %min3A_223 : i32 to vector<16xi32>
        %min3A_225 = arith.minsi %max3A_222, %min3A_224 : vector<16xi32>
        %shift_right_logical3A_226 = arith.constant 7 : i32
        %shift_right_logical3A_227 = vector.broadcast %shift_right_logical3A_226 : i32 to vector<16xi32>
        %shift_right_logical3A_228 = arith.shrui %min3A_225, %shift_right_logical3A_227 : vector<16xi32>
        %and3A_229 = arith.constant 127 : i32
        %and3A_230 = vector.broadcast %and3A_229 : i32 to vector<16xi32>
        %and3A_231 = arith.andi %min3A_225, %and3A_230 : vector<16xi32>
        %jit3A_232 = arith.constant 65537 : i32
        %jit3A_233 = arith.constant 1 : i32
        %broadcast_in_dim3A_234 = vector.broadcast %jit3A_232 : i32 to vector<16xi32>
        %broadcast_in_dim3A_235 = vector.broadcast %jit3A_233 : i32 to vector<16xi32>
        %select_n3A_236 = arith.select %gt3A_205, %broadcast_in_dim3A_234, %broadcast_in_dim3A_235 : vector<16xi1>, vector<16xi32>
        %gt3A_237 = arith.constant 0 : i32
        %gt3A_238 = vector.broadcast %gt3A_237 : i32 to vector<16xi32>
        %gt3A_239 = arith.cmpi sgt, %get3A_126, %gt3A_238 : vector<16xi32>
        %sub3A_240 = arith.constant 1.000000e+00 : f32
        %sub3A_241 = vector.broadcast %sub3A_240 : f32 to vector<16xf32>
        %sub3A_242 = arith.subf %sub3A_241, %get3A_121 : vector<16xf32>
        %add3A_243 = arith.constant 1.000000e+00 : f32
        %add3A_244 = vector.broadcast %add3A_243 : f32 to vector<16xf32>
        %add3A_245 = arith.addf %add3A_244, %get3A_121 : vector<16xf32>
        %select_n3A_246 = arith.select %gt3A_239, %sub3A_242, %add3A_245 : vector<16xi1>, vector<16xf32>
        %bitcast_convert_type3A_247 = tpu.bitcast %select_n3A_246 : vector<16xf32> -> vector<16xi32>
        %shift_right_arithmetic3A_248 = arith.constant 15 : i32
        %shift_right_arithmetic3A_249 = vector.broadcast %shift_right_arithmetic3A_248 : i32 to vector<16xi32>
        %shift_right_arithmetic3A_250 = arith.shrsi %bitcast_convert_type3A_247, %shift_right_arithmetic3A_249 : vector<16xi32>
        %sub3A_251 = arith.constant 24576 : i32
        %sub3A_252 = vector.broadcast %sub3A_251 : i32 to vector<16xi32>
        %sub3A_253 = arith.subi %shift_right_arithmetic3A_250, %sub3A_252 : vector<16xi32>
        %max3A_254 = arith.constant 0 : i32
        %max3A_255 = vector.broadcast %max3A_254 : i32 to vector<16xi32>
        %max3A_256 = arith.maxsi %sub3A_253, %max3A_255 : vector<16xi32>
        %min3A_257 = arith.constant 12287 : i32
        %min3A_258 = vector.broadcast %min3A_257 : i32 to vector<16xi32>
        %min3A_259 = arith.minsi %max3A_256, %min3A_258 : vector<16xi32>
        %shift_right_logical3A_260 = arith.constant 7 : i32
        %shift_right_logical3A_261 = vector.broadcast %shift_right_logical3A_260 : i32 to vector<16xi32>
        %shift_right_logical3A_262 = arith.shrui %min3A_259, %shift_right_logical3A_261 : vector<16xi32>
        %and3A_263 = arith.constant 127 : i32
        %and3A_264 = vector.broadcast %and3A_263 : i32 to vector<16xi32>
        %and3A_265 = arith.andi %min3A_259, %and3A_264 : vector<16xi32>
        %jit3A_266 = arith.constant 65537 : i32
        %jit3A_267 = arith.constant 1 : i32
        %broadcast_in_dim3A_268 = vector.broadcast %jit3A_266 : i32 to vector<16xi32>
        %broadcast_in_dim3A_269 = vector.broadcast %jit3A_267 : i32 to vector<16xi32>
        %select_n3A_270 = arith.select %gt3A_239, %broadcast_in_dim3A_268, %broadcast_in_dim3A_269 : vector<16xi1>, vector<16xi32>
        %gt3A_271 = arith.constant 0 : i32
        %gt3A_272 = vector.broadcast %gt3A_271 : i32 to vector<16xi32>
        %gt3A_273 = arith.cmpi sgt, %get3A_136, %gt3A_272 : vector<16xi32>
        %sub3A_274 = arith.constant 1.000000e+00 : f32
        %sub3A_275 = vector.broadcast %sub3A_274 : f32 to vector<16xf32>
        %sub3A_276 = arith.subf %sub3A_275, %get3A_131 : vector<16xf32>
        %add3A_277 = arith.constant 1.000000e+00 : f32
        %add3A_278 = vector.broadcast %add3A_277 : f32 to vector<16xf32>
        %add3A_279 = arith.addf %add3A_278, %get3A_131 : vector<16xf32>
        %select_n3A_280 = arith.select %gt3A_273, %sub3A_276, %add3A_279 : vector<16xi1>, vector<16xf32>
        %bitcast_convert_type3A_281 = tpu.bitcast %select_n3A_280 : vector<16xf32> -> vector<16xi32>
        %shift_right_arithmetic3A_282 = arith.constant 15 : i32
        %shift_right_arithmetic3A_283 = vector.broadcast %shift_right_arithmetic3A_282 : i32 to vector<16xi32>
        %shift_right_arithmetic3A_284 = arith.shrsi %bitcast_convert_type3A_281, %shift_right_arithmetic3A_283 : vector<16xi32>
        %sub3A_285 = arith.constant 24576 : i32
        %sub3A_286 = vector.broadcast %sub3A_285 : i32 to vector<16xi32>
        %sub3A_287 = arith.subi %shift_right_arithmetic3A_284, %sub3A_286 : vector<16xi32>
        %max3A_288 = arith.constant 0 : i32
        %max3A_289 = vector.broadcast %max3A_288 : i32 to vector<16xi32>
        %max3A_290 = arith.maxsi %sub3A_287, %max3A_289 : vector<16xi32>
        %min3A_291 = arith.constant 12287 : i32
        %min3A_292 = vector.broadcast %min3A_291 : i32 to vector<16xi32>
        %min3A_293 = arith.minsi %max3A_290, %min3A_292 : vector<16xi32>
        %shift_right_logical3A_294 = arith.constant 7 : i32
        %shift_right_logical3A_295 = vector.broadcast %shift_right_logical3A_294 : i32 to vector<16xi32>
        %shift_right_logical3A_296 = arith.shrui %min3A_293, %shift_right_logical3A_295 : vector<16xi32>
        %and3A_297 = arith.constant 127 : i32
        %and3A_298 = vector.broadcast %and3A_297 : i32 to vector<16xi32>
        %and3A_299 = arith.andi %min3A_293, %and3A_298 : vector<16xi32>
        %jit3A_300 = arith.constant 65537 : i32
        %jit3A_301 = arith.constant 1 : i32
        %broadcast_in_dim3A_302 = vector.broadcast %jit3A_300 : i32 to vector<16xi32>
        %broadcast_in_dim3A_303 = vector.broadcast %jit3A_301 : i32 to vector<16xi32>
        %select_n3A_304 = arith.select %gt3A_273, %broadcast_in_dim3A_302, %broadcast_in_dim3A_303 : vector<16xi1>, vector<16xi32>
        %gt3A_305 = arith.constant 0 : i32
        %gt3A_306 = vector.broadcast %gt3A_305 : i32 to vector<16xi32>
        %gt3A_307 = arith.cmpi sgt, %get3A_146, %gt3A_306 : vector<16xi32>
        %sub3A_308 = arith.constant 1.000000e+00 : f32
        %sub3A_309 = vector.broadcast %sub3A_308 : f32 to vector<16xf32>
        %sub3A_310 = arith.subf %sub3A_309, %get3A_141 : vector<16xf32>
        %add3A_311 = arith.constant 1.000000e+00 : f32
        %add3A_312 = vector.broadcast %add3A_311 : f32 to vector<16xf32>
        %add3A_313 = arith.addf %add3A_312, %get3A_141 : vector<16xf32>
        %select_n3A_314 = arith.select %gt3A_307, %sub3A_310, %add3A_313 : vector<16xi1>, vector<16xf32>
        %bitcast_convert_type3A_315 = tpu.bitcast %select_n3A_314 : vector<16xf32> -> vector<16xi32>
        %shift_right_arithmetic3A_316 = arith.constant 15 : i32
        %shift_right_arithmetic3A_317 = vector.broadcast %shift_right_arithmetic3A_316 : i32 to vector<16xi32>
        %shift_right_arithmetic3A_318 = arith.shrsi %bitcast_convert_type3A_315, %shift_right_arithmetic3A_317 : vector<16xi32>
        %sub3A_319 = arith.constant 24576 : i32
        %sub3A_320 = vector.broadcast %sub3A_319 : i32 to vector<16xi32>
        %sub3A_321 = arith.subi %shift_right_arithmetic3A_318, %sub3A_320 : vector<16xi32>
        %max3A_322 = arith.constant 0 : i32
        %max3A_323 = vector.broadcast %max3A_322 : i32 to vector<16xi32>
        %max3A_324 = arith.maxsi %sub3A_321, %max3A_323 : vector<16xi32>
        %min3A_325 = arith.constant 12287 : i32
        %min3A_326 = vector.broadcast %min3A_325 : i32 to vector<16xi32>
        %min3A_327 = arith.minsi %max3A_324, %min3A_326 : vector<16xi32>
        %shift_right_logical3A_328 = arith.constant 7 : i32
        %shift_right_logical3A_329 = vector.broadcast %shift_right_logical3A_328 : i32 to vector<16xi32>
        %shift_right_logical3A_330 = arith.shrui %min3A_327, %shift_right_logical3A_329 : vector<16xi32>
        %and3A_331 = arith.constant 127 : i32
        %and3A_332 = vector.broadcast %and3A_331 : i32 to vector<16xi32>
        %and3A_333 = arith.andi %min3A_327, %and3A_332 : vector<16xi32>
        %jit3A_334 = arith.constant 65537 : i32
        %jit3A_335 = arith.constant 1 : i32
        %broadcast_in_dim3A_336 = vector.broadcast %jit3A_334 : i32 to vector<16xi32>
        %broadcast_in_dim3A_337 = vector.broadcast %jit3A_335 : i32 to vector<16xi32>
        %select_n3A_338 = arith.select %gt3A_307, %broadcast_in_dim3A_336, %broadcast_in_dim3A_337 : vector<16xi1>, vector<16xi32>
        %gt3A_339 = arith.constant 0 : i32
        %gt3A_340 = vector.broadcast %gt3A_339 : i32 to vector<16xi32>
        %gt3A_341 = arith.cmpi sgt, %get3A_156, %gt3A_340 : vector<16xi32>
        %sub3A_342 = arith.constant 1.000000e+00 : f32
        %sub3A_343 = vector.broadcast %sub3A_342 : f32 to vector<16xf32>
        %sub3A_344 = arith.subf %sub3A_343, %get3A_151 : vector<16xf32>
        %add3A_345 = arith.constant 1.000000e+00 : f32
        %add3A_346 = vector.broadcast %add3A_345 : f32 to vector<16xf32>
        %add3A_347 = arith.addf %add3A_346, %get3A_151 : vector<16xf32>
        %select_n3A_348 = arith.select %gt3A_341, %sub3A_344, %add3A_347 : vector<16xi1>, vector<16xf32>
        %bitcast_convert_type3A_349 = tpu.bitcast %select_n3A_348 : vector<16xf32> -> vector<16xi32>
        %shift_right_arithmetic3A_350 = arith.constant 15 : i32
        %shift_right_arithmetic3A_351 = vector.broadcast %shift_right_arithmetic3A_350 : i32 to vector<16xi32>
        %shift_right_arithmetic3A_352 = arith.shrsi %bitcast_convert_type3A_349, %shift_right_arithmetic3A_351 : vector<16xi32>
        %sub3A_353 = arith.constant 24576 : i32
        %sub3A_354 = vector.broadcast %sub3A_353 : i32 to vector<16xi32>
        %sub3A_355 = arith.subi %shift_right_arithmetic3A_352, %sub3A_354 : vector<16xi32>
        %max3A_356 = arith.constant 0 : i32
        %max3A_357 = vector.broadcast %max3A_356 : i32 to vector<16xi32>
        %max3A_358 = arith.maxsi %sub3A_355, %max3A_357 : vector<16xi32>
        %min3A_359 = arith.constant 12287 : i32
        %min3A_360 = vector.broadcast %min3A_359 : i32 to vector<16xi32>
        %min3A_361 = arith.minsi %max3A_358, %min3A_360 : vector<16xi32>
        %shift_right_logical3A_362 = arith.constant 7 : i32
        %shift_right_logical3A_363 = vector.broadcast %shift_right_logical3A_362 : i32 to vector<16xi32>
        %shift_right_logical3A_364 = arith.shrui %min3A_361, %shift_right_logical3A_363 : vector<16xi32>
        %and3A_365 = arith.constant 127 : i32
        %and3A_366 = vector.broadcast %and3A_365 : i32 to vector<16xi32>
        %and3A_367 = arith.andi %min3A_361, %and3A_366 : vector<16xi32>
        %jit3A_368 = arith.constant 65537 : i32
        %jit3A_369 = arith.constant 1 : i32
        %broadcast_in_dim3A_370 = vector.broadcast %jit3A_368 : i32 to vector<16xi32>
        %broadcast_in_dim3A_371 = vector.broadcast %jit3A_369 : i32 to vector<16xi32>
        %select_n3A_372 = arith.select %gt3A_341, %broadcast_in_dim3A_370, %broadcast_in_dim3A_371 : vector<16xi1>, vector<16xi32>
        %gt3A_373 = arith.constant 0 : i32
        %gt3A_374 = vector.broadcast %gt3A_373 : i32 to vector<16xi32>
        %gt3A_375 = arith.cmpi sgt, %get3A_166, %gt3A_374 : vector<16xi32>
        %sub3A_376 = arith.constant 1.000000e+00 : f32
        %sub3A_377 = vector.broadcast %sub3A_376 : f32 to vector<16xf32>
        %sub3A_378 = arith.subf %sub3A_377, %get3A_161 : vector<16xf32>
        %add3A_379 = arith.constant 1.000000e+00 : f32
        %add3A_380 = vector.broadcast %add3A_379 : f32 to vector<16xf32>
        %add3A_381 = arith.addf %add3A_380, %get3A_161 : vector<16xf32>
        %select_n3A_382 = arith.select %gt3A_375, %sub3A_378, %add3A_381 : vector<16xi1>, vector<16xf32>
        %bitcast_convert_type3A_383 = tpu.bitcast %select_n3A_382 : vector<16xf32> -> vector<16xi32>
        %shift_right_arithmetic3A_384 = arith.constant 15 : i32
        %shift_right_arithmetic3A_385 = vector.broadcast %shift_right_arithmetic3A_384 : i32 to vector<16xi32>
        %shift_right_arithmetic3A_386 = arith.shrsi %bitcast_convert_type3A_383, %shift_right_arithmetic3A_385 : vector<16xi32>
        %sub3A_387 = arith.constant 24576 : i32
        %sub3A_388 = vector.broadcast %sub3A_387 : i32 to vector<16xi32>
        %sub3A_389 = arith.subi %shift_right_arithmetic3A_386, %sub3A_388 : vector<16xi32>
        %max3A_390 = arith.constant 0 : i32
        %max3A_391 = vector.broadcast %max3A_390 : i32 to vector<16xi32>
        %max3A_392 = arith.maxsi %sub3A_389, %max3A_391 : vector<16xi32>
        %min3A_393 = arith.constant 12287 : i32
        %min3A_394 = vector.broadcast %min3A_393 : i32 to vector<16xi32>
        %min3A_395 = arith.minsi %max3A_392, %min3A_394 : vector<16xi32>
        %shift_right_logical3A_396 = arith.constant 7 : i32
        %shift_right_logical3A_397 = vector.broadcast %shift_right_logical3A_396 : i32 to vector<16xi32>
        %shift_right_logical3A_398 = arith.shrui %min3A_395, %shift_right_logical3A_397 : vector<16xi32>
        %and3A_399 = arith.constant 127 : i32
        %and3A_400 = vector.broadcast %and3A_399 : i32 to vector<16xi32>
        %and3A_401 = arith.andi %min3A_395, %and3A_400 : vector<16xi32>
        %jit3A_402 = arith.constant 65537 : i32
        %jit3A_403 = arith.constant 1 : i32
        %broadcast_in_dim3A_404 = vector.broadcast %jit3A_402 : i32 to vector<16xi32>
        %broadcast_in_dim3A_405 = vector.broadcast %jit3A_403 : i32 to vector<16xi32>
        %select_n3A_406 = arith.select %gt3A_375, %broadcast_in_dim3A_404, %broadcast_in_dim3A_405 : vector<16xi1>, vector<16xi32>
        %gt3A_407 = arith.constant 0 : i32
        %gt3A_408 = vector.broadcast %gt3A_407 : i32 to vector<16xi32>
        %gt3A_409 = arith.cmpi sgt, %get3A_176, %gt3A_408 : vector<16xi32>
        %sub3A_410 = arith.constant 1.000000e+00 : f32
        %sub3A_411 = vector.broadcast %sub3A_410 : f32 to vector<16xf32>
        %sub3A_412 = arith.subf %sub3A_411, %get3A_171 : vector<16xf32>
        %add3A_413 = arith.constant 1.000000e+00 : f32
        %add3A_414 = vector.broadcast %add3A_413 : f32 to vector<16xf32>
        %add3A_415 = arith.addf %add3A_414, %get3A_171 : vector<16xf32>
        %select_n3A_416 = arith.select %gt3A_409, %sub3A_412, %add3A_415 : vector<16xi1>, vector<16xf32>
        %bitcast_convert_type3A_417 = tpu.bitcast %select_n3A_416 : vector<16xf32> -> vector<16xi32>
        %shift_right_arithmetic3A_418 = arith.constant 15 : i32
        %shift_right_arithmetic3A_419 = vector.broadcast %shift_right_arithmetic3A_418 : i32 to vector<16xi32>
        %shift_right_arithmetic3A_420 = arith.shrsi %bitcast_convert_type3A_417, %shift_right_arithmetic3A_419 : vector<16xi32>
        %sub3A_421 = arith.constant 24576 : i32
        %sub3A_422 = vector.broadcast %sub3A_421 : i32 to vector<16xi32>
        %sub3A_423 = arith.subi %shift_right_arithmetic3A_420, %sub3A_422 : vector<16xi32>
        %max3A_424 = arith.constant 0 : i32
        %max3A_425 = vector.broadcast %max3A_424 : i32 to vector<16xi32>
        %max3A_426 = arith.maxsi %sub3A_423, %max3A_425 : vector<16xi32>
        %min3A_427 = arith.constant 12287 : i32
        %min3A_428 = vector.broadcast %min3A_427 : i32 to vector<16xi32>
        %min3A_429 = arith.minsi %max3A_426, %min3A_428 : vector<16xi32>
        %shift_right_logical3A_430 = arith.constant 7 : i32
        %shift_right_logical3A_431 = vector.broadcast %shift_right_logical3A_430 : i32 to vector<16xi32>
        %shift_right_logical3A_432 = arith.shrui %min3A_429, %shift_right_logical3A_431 : vector<16xi32>
        %and3A_433 = arith.constant 127 : i32
        %and3A_434 = vector.broadcast %and3A_433 : i32 to vector<16xi32>
        %and3A_435 = arith.andi %min3A_429, %and3A_434 : vector<16xi32>
        %jit3A_436 = arith.constant 65537 : i32
        %jit3A_437 = arith.constant 1 : i32
        %broadcast_in_dim3A_438 = vector.broadcast %jit3A_436 : i32 to vector<16xi32>
        %broadcast_in_dim3A_439 = vector.broadcast %jit3A_437 : i32 to vector<16xi32>
        %select_n3A_440 = arith.select %gt3A_409, %broadcast_in_dim3A_438, %broadcast_in_dim3A_439 : vector<16xi1>, vector<16xi32>
        tpu.vector_store_idx %arg9[%shift_right_logical3A_195, %and3A_198], %select_n3A_202 {add = true} : memref<96x128xi32, #tpu.memory_space<vmem>>[vector<16xi32>, vector<16xi32>], vector<16xi32>,
        tpu.vector_store_idx %arg10[%shift_right_logical3A_228, %and3A_231], %select_n3A_236 {add = true} : memref<96x128xi32, #tpu.memory_space<vmem>>[vector<16xi32>, vector<16xi32>], vector<16xi32>,
        tpu.vector_store_idx %arg9[%shift_right_logical3A_262, %and3A_265], %select_n3A_270 {add = true} : memref<96x128xi32, #tpu.memory_space<vmem>>[vector<16xi32>, vector<16xi32>], vector<16xi32>,
        tpu.vector_store_idx %arg10[%shift_right_logical3A_296, %and3A_299], %select_n3A_304 {add = true} : memref<96x128xi32, #tpu.memory_space<vmem>>[vector<16xi32>, vector<16xi32>], vector<16xi32>,
        tpu.vector_store_idx %arg9[%shift_right_logical3A_330, %and3A_333], %select_n3A_338 {add = true} : memref<96x128xi32, #tpu.memory_space<vmem>>[vector<16xi32>, vector<16xi32>], vector<16xi32>,
        tpu.vector_store_idx %arg10[%shift_right_logical3A_364, %and3A_367], %select_n3A_372 {add = true} : memref<96x128xi32, #tpu.memory_space<vmem>>[vector<16xi32>, vector<16xi32>], vector<16xi32>,
        tpu.vector_store_idx %arg9[%shift_right_logical3A_398, %and3A_401], %select_n3A_406 {add = true} : memref<96x128xi32, #tpu.memory_space<vmem>>[vector<16xi32>, vector<16xi32>], vector<16xi32>,
        tpu.vector_store_idx %arg10[%shift_right_logical3A_432, %and3A_435], %select_n3A_440 {add = true} : memref<96x128xi32, #tpu.memory_space<vmem>>[vector<16xi32>, vector<16xi32>], vector<16xi32>,
      }
      %scan3A_92 = arith.constant 64 : i32
    }
    %scan3A_33 = arith.constant 4 : i32
    %mul3A_34 = arith.constant 2 : i32
    %mul3A_35 = arith.muli %add3A, %mul3A_34 : i32
    %add3A_36 = arith.constant 0 : i32
    %add3A_37 = arith.addi %mul3A_35, %add3A_36 : i32
    "tpu.region"() ({
      %run_scoped3A = tpu.sem_alloc : memref<!tpu.dma_semaphore, #tpu.memory_space<semaphore_mem>>
      %dma_start3A_42 = arith.constant 0 : i32
      %dma_start3A_43 = arith.constant 0 : i32
      %dma_start3A_44 = tpu.memref_slice %arg4[%add3A_37, %dma_start3A_42, %dma_start3A_43] : memref<64x96x128xi32, #tpu.memory_space<hbm>> -> memref<1x96x128xi32, #tpu.memory_space<hbm>>
      %dma_start3A_45 = tpu.memref_squeeze %dma_start3A_44 : memref<1x96x128xi32, #tpu.memory_space<hbm>> -> memref<96x128xi32, #tpu.memory_space<hbm>>
      %dma_start3A_46 = arith.constant 0 : i32
      %dma_start3A_47 = arith.constant 0 : i32
      %dma_start3A_48 = tpu.memref_slice %arg4[%add3A_37, %dma_start3A_46, %dma_start3A_47] : memref<64x96x128xi32, #tpu.memory_space<hbm>> -> memref<1x96x128xi32, #tpu.memory_space<hbm>>
      %dma_start3A_49 = tpu.memref_squeeze %dma_start3A_48 : memref<1x96x128xi32, #tpu.memory_space<hbm>> -> memref<96x128xi32, #tpu.memory_space<hbm>>
      tpu.enqueue_dma source(%arg9 : memref<96x128xi32, #tpu.memory_space<vmem>>) target(%dma_start3A_49 : memref<96x128xi32, #tpu.memory_space<hbm>>) target_semaphore(%run_scoped3A : memref<!tpu.dma_semaphore, #tpu.memory_space<semaphore_mem>>)
      %dma_wait3A = arith.constant 0 : i32
      %dma_wait3A_50 = arith.constant 0 : i32
      %dma_wait3A_51 = tpu.memref_slice %arg4[%add3A_37, %dma_wait3A, %dma_wait3A_50] : memref<64x96x128xi32, #tpu.memory_space<hbm>> -> memref<1x96x128xi32, #tpu.memory_space<hbm>>
      %dma_wait3A_52 = tpu.memref_squeeze %dma_wait3A_51 : memref<1x96x128xi32, #tpu.memory_space<hbm>> -> memref<96x128xi32, #tpu.memory_space<hbm>>
      %dma_wait3A_53 = arith.constant 0 : i32
      %dma_wait3A_54 = arith.constant 0 : i32
      %dma_wait3A_55 = tpu.memref_slice %arg4[%add3A_37, %dma_wait3A_53, %dma_wait3A_54] : memref<64x96x128xi32, #tpu.memory_space<hbm>> -> memref<1x96x128xi32, #tpu.memory_space<hbm>>
      %dma_wait3A_56 = tpu.memref_squeeze %dma_wait3A_55 : memref<1x96x128xi32, #tpu.memory_space<hbm>> -> memref<96x128xi32, #tpu.memory_space<hbm>>
      tpu.wait_dma2 semaphore(%run_scoped3A : memref<!tpu.dma_semaphore, #tpu.memory_space<semaphore_mem>>) src(%arg9 : memref<96x128xi32, #tpu.memory_space<vmem>>) dst(%dma_wait3A_56 : memref<96x128xi32, #tpu.memory_space<hbm>>)
      tpu.yield
    }) : () -> ()
    %mul3A_38 = arith.constant 2 : i32
    %mul3A_39 = arith.muli %add3A, %mul3A_38 : i32
    %add3A_40 = arith.constant 1 : i32
    %add3A_41 = arith.addi %mul3A_39, %add3A_40 : i32
    "tpu.region"() ({
      %run_scoped3A = tpu.sem_alloc : memref<!tpu.dma_semaphore, #tpu.memory_space<semaphore_mem>>
      %dma_start3A_42 = arith.constant 0 : i32
      %dma_start3A_43 = arith.constant 0 : i32
      %dma_start3A_44 = tpu.memref_slice %arg4[%add3A_41, %dma_start3A_42, %dma_start3A_43] : memref<64x96x128xi32, #tpu.memory_space<hbm>> -> memref<1x96x128xi32, #tpu.memory_space<hbm>>
      %dma_start3A_45 = tpu.memref_squeeze %dma_start3A_44 : memref<1x96x128xi32, #tpu.memory_space<hbm>> -> memref<96x128xi32, #tpu.memory_space<hbm>>
      %dma_start3A_46 = arith.constant 0 : i32
      %dma_start3A_47 = arith.constant 0 : i32
      %dma_start3A_48 = tpu.memref_slice %arg4[%add3A_41, %dma_start3A_46, %dma_start3A_47] : memref<64x96x128xi32, #tpu.memory_space<hbm>> -> memref<1x96x128xi32, #tpu.memory_space<hbm>>
      %dma_start3A_49 = tpu.memref_squeeze %dma_start3A_48 : memref<1x96x128xi32, #tpu.memory_space<hbm>> -> memref<96x128xi32, #tpu.memory_space<hbm>>
      tpu.enqueue_dma source(%arg10 : memref<96x128xi32, #tpu.memory_space<vmem>>) target(%dma_start3A_49 : memref<96x128xi32, #tpu.memory_space<hbm>>) target_semaphore(%run_scoped3A : memref<!tpu.dma_semaphore, #tpu.memory_space<semaphore_mem>>)
      %dma_wait3A = arith.constant 0 : i32
      %dma_wait3A_50 = arith.constant 0 : i32
      %dma_wait3A_51 = tpu.memref_slice %arg4[%add3A_41, %dma_wait3A, %dma_wait3A_50] : memref<64x96x128xi32, #tpu.memory_space<hbm>> -> memref<1x96x128xi32, #tpu.memory_space<hbm>>
      %dma_wait3A_52 = tpu.memref_squeeze %dma_wait3A_51 : memref<1x96x128xi32, #tpu.memory_space<hbm>> -> memref<96x128xi32, #tpu.memory_space<hbm>>
      %dma_wait3A_53 = arith.constant 0 : i32
      %dma_wait3A_54 = arith.constant 0 : i32
      %dma_wait3A_55 = tpu.memref_slice %arg4[%add3A_41, %dma_wait3A_53, %dma_wait3A_54] : memref<64x96x128xi32, #tpu.memory_space<hbm>> -> memref<1x96x128xi32, #tpu.memory_space<hbm>>
      %dma_wait3A_56 = tpu.memref_squeeze %dma_wait3A_55 : memref<1x96x128xi32, #tpu.memory_space<hbm>> -> memref<96x128xi32, #tpu.memory_space<hbm>>
      tpu.wait_dma2 semaphore(%run_scoped3A : memref<!tpu.dma_semaphore, #tpu.memory_space<semaphore_mem>>) src(%arg10 : memref<96x128xi32, #tpu.memory_space<vmem>>) dst(%dma_wait3A_56 : memref<96x128xi32, #tpu.memory_space<hbm>>)
      tpu.yield
    }) : () -> ()
    return
  }
}

module attributes {stable_mosaic.version = 14 : i64} {
  func.func @_finish_body(%arg0: memref<64x96x128xi32, #tpu.memory_space<vmem>>, %arg1: memref<1x1xf32, #tpu.memory_space<vmem>>) attributes {dimension_semantics = [], scalar_prefetch = 0 : i64, scratch_operands = 0 : i64, tpu.core_type = #tpu.core_type<tc>} {
    %iota3A = tpu.iota {dimensions = array<i32: 0>} : vector<96x128xi32>
    %iota3A_0 = tpu.iota {dimensions = array<i32: 1>} : vector<96x128xi32>
    %mul3A = arith.constant 128 : i32
    %mul3A_1 = vector.broadcast %mul3A : i32 to vector<96x128xi32>
    %mul3A_2 = arith.muli %iota3A, %mul3A_1 : vector<96x128xi32>
    %add3A = arith.addi %mul3A_2, %iota3A_0 : vector<96x128xi32>
    %ge3A = arith.constant 1 : i32
    %ge3A_3 = vector.broadcast %ge3A : i32 to vector<96x128xi32>
    %ge3A_4 = arith.cmpi sge, %add3A, %ge3A_3 : vector<96x128xi32>
    %add3A_5 = arith.constant 24576 : i32
    %add3A_6 = vector.broadcast %add3A_5 : i32 to vector<96x128xi32>
    %add3A_7 = arith.addi %add3A, %add3A_6 : vector<96x128xi32>
    %shift_left3A = arith.constant 15 : i32
    %shift_left3A_8 = vector.broadcast %shift_left3A : i32 to vector<96x128xi32>
    %shift_left3A_9 = arith.shli %add3A_7, %shift_left3A_8 : vector<96x128xi32>
    %or3A = arith.constant 16384 : i32
    %or3A_10 = vector.broadcast %or3A : i32 to vector<96x128xi32>
    %or3A_11 = arith.ori %shift_left3A_9, %or3A_10 : vector<96x128xi32>
    %bitcast_convert_type3A = tpu.bitcast %or3A_11 : vector<96x128xi32> -> vector<96x128xf32>
    %iota3A_12 = tpu.iota {dimensions = array<i32: 0>} : vector<128x128xi32>
    %iota3A_13 = tpu.iota {dimensions = array<i32: 1>} : vector<128x128xi32>
    %ge3A_14 = arith.cmpi sge, %iota3A_12, %iota3A_13 : vector<128x128xi32>
    %convert_element_type3A = arith.extui %ge3A_14 : vector<128x128xi1> to vector<128x128xi32>
    %convert_element_type3A_15 = arith.sitofp %convert_element_type3A : vector<128x128xi32> to vector<128x128xf32>
    %iota3A_16 = tpu.iota {dimensions = array<i32: 0>} : vector<96x96xi32>
    %iota3A_17 = tpu.iota {dimensions = array<i32: 1>} : vector<96x96xi32>
    %gt3A = arith.cmpi sgt, %iota3A_17, %iota3A_16 : vector<96x96xi32>
    %convert_element_type3A_18 = arith.extui %gt3A : vector<96x96xi1> to vector<96x96xi32>
    %convert_element_type3A_19 = arith.sitofp %convert_element_type3A_18 : vector<96x96xi32> to vector<96x96xf32>
    %get3A = arith.constant 0 : index
    %get3A_20 = arith.constant 0 : index
    %get3A_21 = arith.constant 0 : index
    %get3A_22 = vector.load %arg0[%get3A, %get3A_20, %get3A_21] : memref<64x96x128xi32, #tpu.memory_space<vmem>>, vector<1x96x128xi32>
    %get3A_23 = vector.shape_cast %get3A_22 : vector<1x96x128xi32> to vector<96x128xi32>
    %and3A = arith.constant 65535 : i32
    %and3A_24 = vector.broadcast %and3A : i32 to vector<96x128xi32>
    %and3A_25 = arith.andi %get3A_23, %and3A_24 : vector<96x128xi32>
    %get3A_26 = arith.constant 0 : index
    %get3A_27 = arith.constant 0 : index
    %get3A_28 = arith.constant 0 : index
    %get3A_29 = vector.load %arg0[%get3A_26, %get3A_27, %get3A_28] : memref<64x96x128xi32, #tpu.memory_space<vmem>>, vector<1x96x128xi32>
    %get3A_30 = vector.shape_cast %get3A_29 : vector<1x96x128xi32> to vector<96x128xi32>
    %shift_right_logical3A = arith.constant 16 : i32
    %shift_right_logical3A_31 = vector.broadcast %shift_right_logical3A : i32 to vector<96x128xi32>
    %shift_right_logical3A_32 = arith.shrui %get3A_30, %shift_right_logical3A_31 : vector<96x128xi32>
    %get3A_33 = arith.constant 1 : index
    %get3A_34 = arith.constant 0 : index
    %get3A_35 = arith.constant 0 : index
    %get3A_36 = vector.load %arg0[%get3A_33, %get3A_34, %get3A_35] : memref<64x96x128xi32, #tpu.memory_space<vmem>>, vector<1x96x128xi32>
    %get3A_37 = vector.shape_cast %get3A_36 : vector<1x96x128xi32> to vector<96x128xi32>
    %and3A_38 = arith.constant 65535 : i32
    %and3A_39 = vector.broadcast %and3A_38 : i32 to vector<96x128xi32>
    %and3A_40 = arith.andi %get3A_37, %and3A_39 : vector<96x128xi32>
    %add3A_41 = arith.addi %and3A_25, %and3A_40 : vector<96x128xi32>
    %get3A_42 = arith.constant 1 : index
    %get3A_43 = arith.constant 0 : index
    %get3A_44 = arith.constant 0 : index
    %get3A_45 = vector.load %arg0[%get3A_42, %get3A_43, %get3A_44] : memref<64x96x128xi32, #tpu.memory_space<vmem>>, vector<1x96x128xi32>
    %get3A_46 = vector.shape_cast %get3A_45 : vector<1x96x128xi32> to vector<96x128xi32>
    %shift_right_logical3A_47 = arith.constant 16 : i32
    %shift_right_logical3A_48 = vector.broadcast %shift_right_logical3A_47 : i32 to vector<96x128xi32>
    %shift_right_logical3A_49 = arith.shrui %get3A_46, %shift_right_logical3A_48 : vector<96x128xi32>
    %add3A_50 = arith.addi %shift_right_logical3A_32, %shift_right_logical3A_49 : vector<96x128xi32>
    %get3A_51 = arith.constant 2 : index
    %get3A_52 = arith.constant 0 : index
    %get3A_53 = arith.constant 0 : index
    %get3A_54 = vector.load %arg0[%get3A_51, %get3A_52, %get3A_53] : memref<64x96x128xi32, #tpu.memory_space<vmem>>, vector<1x96x128xi32>
    %get3A_55 = vector.shape_cast %get3A_54 : vector<1x96x128xi32> to vector<96x128xi32>
    %and3A_56 = arith.constant 65535 : i32
    %and3A_57 = vector.broadcast %and3A_56 : i32 to vector<96x128xi32>
    %and3A_58 = arith.andi %get3A_55, %and3A_57 : vector<96x128xi32>
    %add3A_59 = arith.addi %add3A_41, %and3A_58 : vector<96x128xi32>
    %get3A_60 = arith.constant 2 : index
    %get3A_61 = arith.constant 0 : index
    %get3A_62 = arith.constant 0 : index
    %get3A_63 = vector.load %arg0[%get3A_60, %get3A_61, %get3A_62] : memref<64x96x128xi32, #tpu.memory_space<vmem>>, vector<1x96x128xi32>
    %get3A_64 = vector.shape_cast %get3A_63 : vector<1x96x128xi32> to vector<96x128xi32>
    %shift_right_logical3A_65 = arith.constant 16 : i32
    %shift_right_logical3A_66 = vector.broadcast %shift_right_logical3A_65 : i32 to vector<96x128xi32>
    %shift_right_logical3A_67 = arith.shrui %get3A_64, %shift_right_logical3A_66 : vector<96x128xi32>
    %add3A_68 = arith.addi %add3A_50, %shift_right_logical3A_67 : vector<96x128xi32>
    %get3A_69 = arith.constant 3 : index
    %get3A_70 = arith.constant 0 : index
    %get3A_71 = arith.constant 0 : index
    %get3A_72 = vector.load %arg0[%get3A_69, %get3A_70, %get3A_71] : memref<64x96x128xi32, #tpu.memory_space<vmem>>, vector<1x96x128xi32>
    %get3A_73 = vector.shape_cast %get3A_72 : vector<1x96x128xi32> to vector<96x128xi32>
    %and3A_74 = arith.constant 65535 : i32
    %and3A_75 = vector.broadcast %and3A_74 : i32 to vector<96x128xi32>
    %and3A_76 = arith.andi %get3A_73, %and3A_75 : vector<96x128xi32>
    %add3A_77 = arith.addi %add3A_59, %and3A_76 : vector<96x128xi32>
    %get3A_78 = arith.constant 3 : index
    %get3A_79 = arith.constant 0 : index
    %get3A_80 = arith.constant 0 : index
    %get3A_81 = vector.load %arg0[%get3A_78, %get3A_79, %get3A_80] : memref<64x96x128xi32, #tpu.memory_space<vmem>>, vector<1x96x128xi32>
    %get3A_82 = vector.shape_cast %get3A_81 : vector<1x96x128xi32> to vector<96x128xi32>
    %shift_right_logical3A_83 = arith.constant 16 : i32
    %shift_right_logical3A_84 = vector.broadcast %shift_right_logical3A_83 : i32 to vector<96x128xi32>
    %shift_right_logical3A_85 = arith.shrui %get3A_82, %shift_right_logical3A_84 : vector<96x128xi32>
    %add3A_86 = arith.addi %add3A_68, %shift_right_logical3A_85 : vector<96x128xi32>
    %get3A_87 = arith.constant 4 : index
    %get3A_88 = arith.constant 0 : index
    %get3A_89 = arith.constant 0 : index
    %get3A_90 = vector.load %arg0[%get3A_87, %get3A_88, %get3A_89] : memref<64x96x128xi32, #tpu.memory_space<vmem>>, vector<1x96x128xi32>
    %get3A_91 = vector.shape_cast %get3A_90 : vector<1x96x128xi32> to vector<96x128xi32>
    %and3A_92 = arith.constant 65535 : i32
    %and3A_93 = vector.broadcast %and3A_92 : i32 to vector<96x128xi32>
    %and3A_94 = arith.andi %get3A_91, %and3A_93 : vector<96x128xi32>
    %add3A_95 = arith.addi %add3A_77, %and3A_94 : vector<96x128xi32>
    %get3A_96 = arith.constant 4 : index
    %get3A_97 = arith.constant 0 : index
    %get3A_98 = arith.constant 0 : index
    %get3A_99 = vector.load %arg0[%get3A_96, %get3A_97, %get3A_98] : memref<64x96x128xi32, #tpu.memory_space<vmem>>, vector<1x96x128xi32>
    %get3A_100 = vector.shape_cast %get3A_99 : vector<1x96x128xi32> to vector<96x128xi32>
    %shift_right_logical3A_101 = arith.constant 16 : i32
    %shift_right_logical3A_102 = vector.broadcast %shift_right_logical3A_101 : i32 to vector<96x128xi32>
    %shift_right_logical3A_103 = arith.shrui %get3A_100, %shift_right_logical3A_102 : vector<96x128xi32>
    %add3A_104 = arith.addi %add3A_86, %shift_right_logical3A_103 : vector<96x128xi32>
    %get3A_105 = arith.constant 5 : index
    %get3A_106 = arith.constant 0 : index
    %get3A_107 = arith.constant 0 : index
    %get3A_108 = vector.load %arg0[%get3A_105, %get3A_106, %get3A_107] : memref<64x96x128xi32, #tpu.memory_space<vmem>>, vector<1x96x128xi32>
    %get3A_109 = vector.shape_cast %get3A_108 : vector<1x96x128xi32> to vector<96x128xi32>
    %and3A_110 = arith.constant 65535 : i32
    %and3A_111 = vector.broadcast %and3A_110 : i32 to vector<96x128xi32>
    %and3A_112 = arith.andi %get3A_109, %and3A_111 : vector<96x128xi32>
    %add3A_113 = arith.addi %add3A_95, %and3A_112 : vector<96x128xi32>
    %get3A_114 = arith.constant 5 : index
    %get3A_115 = arith.constant 0 : index
    %get3A_116 = arith.constant 0 : index
    %get3A_117 = vector.load %arg0[%get3A_114, %get3A_115, %get3A_116] : memref<64x96x128xi32, #tpu.memory_space<vmem>>, vector<1x96x128xi32>
    %get3A_118 = vector.shape_cast %get3A_117 : vector<1x96x128xi32> to vector<96x128xi32>
    %shift_right_logical3A_119 = arith.constant 16 : i32
    %shift_right_logical3A_120 = vector.broadcast %shift_right_logical3A_119 : i32 to vector<96x128xi32>
    %shift_right_logical3A_121 = arith.shrui %get3A_118, %shift_right_logical3A_120 : vector<96x128xi32>
    %add3A_122 = arith.addi %add3A_104, %shift_right_logical3A_121 : vector<96x128xi32>
    %get3A_123 = arith.constant 6 : index
    %get3A_124 = arith.constant 0 : index
    %get3A_125 = arith.constant 0 : index
    %get3A_126 = vector.load %arg0[%get3A_123, %get3A_124, %get3A_125] : memref<64x96x128xi32, #tpu.memory_space<vmem>>, vector<1x96x128xi32>
    %get3A_127 = vector.shape_cast %get3A_126 : vector<1x96x128xi32> to vector<96x128xi32>
    %and3A_128 = arith.constant 65535 : i32
    %and3A_129 = vector.broadcast %and3A_128 : i32 to vector<96x128xi32>
    %and3A_130 = arith.andi %get3A_127, %and3A_129 : vector<96x128xi32>
    %add3A_131 = arith.addi %add3A_113, %and3A_130 : vector<96x128xi32>
    %get3A_132 = arith.constant 6 : index
    %get3A_133 = arith.constant 0 : index
    %get3A_134 = arith.constant 0 : index
    %get3A_135 = vector.load %arg0[%get3A_132, %get3A_133, %get3A_134] : memref<64x96x128xi32, #tpu.memory_space<vmem>>, vector<1x96x128xi32>
    %get3A_136 = vector.shape_cast %get3A_135 : vector<1x96x128xi32> to vector<96x128xi32>
    %shift_right_logical3A_137 = arith.constant 16 : i32
    %shift_right_logical3A_138 = vector.broadcast %shift_right_logical3A_137 : i32 to vector<96x128xi32>
    %shift_right_logical3A_139 = arith.shrui %get3A_136, %shift_right_logical3A_138 : vector<96x128xi32>
    %add3A_140 = arith.addi %add3A_122, %shift_right_logical3A_139 : vector<96x128xi32>
    %get3A_141 = arith.constant 7 : index
    %get3A_142 = arith.constant 0 : index
    %get3A_143 = arith.constant 0 : index
    %get3A_144 = vector.load %arg0[%get3A_141, %get3A_142, %get3A_143] : memref<64x96x128xi32, #tpu.memory_space<vmem>>, vector<1x96x128xi32>
    %get3A_145 = vector.shape_cast %get3A_144 : vector<1x96x128xi32> to vector<96x128xi32>
    %and3A_146 = arith.constant 65535 : i32
    %and3A_147 = vector.broadcast %and3A_146 : i32 to vector<96x128xi32>
    %and3A_148 = arith.andi %get3A_145, %and3A_147 : vector<96x128xi32>
    %add3A_149 = arith.addi %add3A_131, %and3A_148 : vector<96x128xi32>
    %get3A_150 = arith.constant 7 : index
    %get3A_151 = arith.constant 0 : index
    %get3A_152 = arith.constant 0 : index
    %get3A_153 = vector.load %arg0[%get3A_150, %get3A_151, %get3A_152] : memref<64x96x128xi32, #tpu.memory_space<vmem>>, vector<1x96x128xi32>
    %get3A_154 = vector.shape_cast %get3A_153 : vector<1x96x128xi32> to vector<96x128xi32>
    %shift_right_logical3A_155 = arith.constant 16 : i32
    %shift_right_logical3A_156 = vector.broadcast %shift_right_logical3A_155 : i32 to vector<96x128xi32>
    %shift_right_logical3A_157 = arith.shrui %get3A_154, %shift_right_logical3A_156 : vector<96x128xi32>
    %add3A_158 = arith.addi %add3A_140, %shift_right_logical3A_157 : vector<96x128xi32>
    %convert_element_type3A_159 = arith.sitofp %add3A_149 : vector<96x128xi32> to vector<96x128xf32>
    %convert_element_type3A_160 = arith.sitofp %add3A_158 : vector<96x128xi32> to vector<96x128xf32>
    %reduce_sum3A = vector.shape_cast %convert_element_type3A_160 : vector<96x128xf32> to vector<1x96x128xf32>
    %reduce_sum3A_161 = arith.constant dense<0.000000e+00> : vector<1xf32>
    %reduce_sum3A_162 = vector.multi_reduction <add>, %reduce_sum3A, %reduce_sum3A_161 [1, 2] : vector<1x96x128xf32> to vector<1xf32>
    %reduce_sum3A_163 = vector.shape_cast %reduce_sum3A_162 : vector<1xf32> to vector<1x1x1xf32>
    %reduce_sum3A_164 = vector.extract %reduce_sum3A_163[0, 0, 0] : f32 from vector<1x1x1xf32>
    %jit3A = arith.constant 0.000000e+00 : f32
    %broadcast_in_dim3A = vector.broadcast %jit3A : f32 to vector<96x128xf32>
    %select_n3A = arith.select %ge3A_4, %convert_element_type3A_159, %broadcast_in_dim3A : vector<96x128xi1>, vector<96x128xf32>
    %jit3A_165 = arith.constant 0.000000e+00 : f32
    %broadcast_in_dim3A_166 = vector.broadcast %jit3A_165 : f32 to vector<96x128xf32>
    %select_n3A_167 = arith.select %ge3A_4, %convert_element_type3A_160, %broadcast_in_dim3A_166 : vector<96x128xi1>, vector<96x128xf32>
    %dot_general3A = arith.constant dense<0.000000e+00> : vector<96x128xf32>
    %dot_general3A_168 = tpu.matmul %select_n3A, %convert_element_type3A_15, %dot_general3A {dimension_numbers = #tpu.dot_dimension_numbers<[1], [0], [0], [1], [0, 0, 1, 1], [], []>, transpose_lhs_hint = false} : vector<96x128xf32>, vector<128x128xf32>, vector<96x128xf32> -> vector<96x128xf32>
    %dot_general3A_169 = arith.constant dense<0.000000e+00> : vector<96x128xf32>
    %dot_general3A_170 = tpu.matmul %select_n3A_167, %convert_element_type3A_15, %dot_general3A_169 {dimension_numbers = #tpu.dot_dimension_numbers<[1], [0], [0], [1], [0, 0, 1, 1], [], []>, transpose_lhs_hint = false} : vector<96x128xf32>, vector<128x128xf32>, vector<96x128xf32> -> vector<96x128xf32>
    %dot_general3A_171 = arith.constant dense<0.000000e+00> : vector<96x128xf32>
    %dot_general3A_172 = tpu.matmul %convert_element_type3A_19, %dot_general3A_168, %dot_general3A_171 {dimension_numbers = #tpu.dot_dimension_numbers<[1], [0], [0], [1], [0, 0, 1, 1], [], []>, transpose_lhs_hint = false} : vector<96x96xf32>, vector<96x128xf32>, vector<96x128xf32> -> vector<96x128xf32>
    %slice3A = vector.extract_strided_slice %dot_general3A_172 {offsets = [0, 0], sizes = [96, 1], strides = [1, 1]} : vector<96x128xf32> to vector<96x1xf32>
    %add3A_173 = vector.broadcast %slice3A : vector<96x1xf32> to vector<96x128xf32>
    %add3A_174 = arith.addf %dot_general3A_168, %add3A_173 : vector<96x128xf32>
    %dot_general3A_175 = arith.constant dense<0.000000e+00> : vector<96x128xf32>
    %dot_general3A_176 = tpu.matmul %convert_element_type3A_19, %dot_general3A_170, %dot_general3A_175 {dimension_numbers = #tpu.dot_dimension_numbers<[1], [0], [0], [1], [0, 0, 1, 1], [], []>, transpose_lhs_hint = false} : vector<96x96xf32>, vector<96x128xf32>, vector<96x128xf32> -> vector<96x128xf32>
    %slice3A_177 = vector.extract_strided_slice %dot_general3A_176 {offsets = [0, 0], sizes = [96, 1], strides = [1, 1]} : vector<96x128xf32> to vector<96x1xf32>
    %add3A_178 = vector.broadcast %slice3A_177 : vector<96x1xf32> to vector<96x128xf32>
    %add3A_179 = arith.addf %dot_general3A_170, %add3A_178 : vector<96x128xf32>
    %gt3A_180 = arith.constant 5.000000e-01 : f32
    %gt3A_181 = vector.broadcast %gt3A_180 : f32 to vector<96x128xf32>
    %gt3A_182 = arith.cmpf ogt, %add3A_174, %gt3A_181 : vector<96x128xf32>
    %add3A_183 = vector.broadcast %reduce_sum3A_164 : f32 to vector<96x128xf32>
    %add3A_184 = arith.addf %add3A_183, %add3A_174 : vector<96x128xf32>
    %sub3A = arith.subf %add3A_184, %add3A_179 : vector<96x128xf32>
    %jit3A_185 = arith.constant 1.000000e+00 : f32
    %broadcast_in_dim3A_186 = vector.broadcast %jit3A_185 : f32 to vector<96x128xf32>
    %select_n3A_187 = arith.select %gt3A_182, %sub3A, %broadcast_in_dim3A_186 : vector<96x128xi1>, vector<96x128xf32>
    %gt3A_188 = arith.constant 5.000000e-01 : f32
    %gt3A_189 = vector.broadcast %gt3A_188 : f32 to vector<96x128xf32>
    %gt3A_190 = arith.cmpf ogt, %add3A_174, %gt3A_189 : vector<96x128xf32>
    %sub3A_191 = vector.broadcast %reduce_sum3A_164 : f32 to vector<96x128xf32>
    %sub3A_192 = arith.subf %sub3A_191, %add3A_179 : vector<96x128xf32>
    %div3A = arith.divf %sub3A_192, %select_n3A_187 : vector<96x128xf32>
    %sub3A_193 = arith.constant 1.000000e+00 : f32
    %sub3A_194 = vector.broadcast %sub3A_193 : f32 to vector<96x128xf32>
    %sub3A_195 = arith.subf %sub3A_194, %div3A : vector<96x128xf32>
    %jit3A_196 = arith.constant 0.000000e+00 : f32
    %broadcast_in_dim3A_197 = vector.broadcast %jit3A_196 : f32 to vector<96x128xf32>
    %select_n3A_198 = arith.select %gt3A_190, %sub3A_195, %broadcast_in_dim3A_197 : vector<96x128xi1>, vector<96x128xf32>
    %sub3A_199 = arith.subf %add3A_174, %select_n3A : vector<96x128xf32>
    %sub3A_200 = arith.subf %add3A_179, %select_n3A_167 : vector<96x128xf32>
    %gt3A_201 = arith.constant 5.000000e-01 : f32
    %gt3A_202 = vector.broadcast %gt3A_201 : f32 to vector<96x128xf32>
    %gt3A_203 = arith.cmpf ogt, %sub3A_199, %gt3A_202 : vector<96x128xf32>
    %add3A_204 = vector.broadcast %reduce_sum3A_164 : f32 to vector<96x128xf32>
    %add3A_205 = arith.addf %add3A_204, %sub3A_199 : vector<96x128xf32>
    %sub3A_206 = arith.subf %add3A_205, %sub3A_200 : vector<96x128xf32>
    %jit3A_207 = arith.constant 1.000000e+00 : f32
    %broadcast_in_dim3A_208 = vector.broadcast %jit3A_207 : f32 to vector<96x128xf32>
    %select_n3A_209 = arith.select %gt3A_203, %sub3A_206, %broadcast_in_dim3A_208 : vector<96x128xi1>, vector<96x128xf32>
    %gt3A_210 = arith.constant 5.000000e-01 : f32
    %gt3A_211 = vector.broadcast %gt3A_210 : f32 to vector<96x128xf32>
    %gt3A_212 = arith.cmpf ogt, %sub3A_199, %gt3A_211 : vector<96x128xf32>
    %sub3A_213 = vector.broadcast %reduce_sum3A_164 : f32 to vector<96x128xf32>
    %sub3A_214 = arith.subf %sub3A_213, %sub3A_200 : vector<96x128xf32>
    %div3A_215 = arith.divf %sub3A_214, %select_n3A_209 : vector<96x128xf32>
    %sub3A_216 = arith.constant 1.000000e+00 : f32
    %sub3A_217 = vector.broadcast %sub3A_216 : f32 to vector<96x128xf32>
    %sub3A_218 = arith.subf %sub3A_217, %div3A_215 : vector<96x128xf32>
    %jit3A_219 = arith.constant 0.000000e+00 : f32
    %broadcast_in_dim3A_220 = vector.broadcast %jit3A_219 : f32 to vector<96x128xf32>
    %select_n3A_221 = arith.select %gt3A_212, %sub3A_218, %broadcast_in_dim3A_220 : vector<96x128xi1>, vector<96x128xf32>
    %gt3A_222 = arith.constant 5.000000e-01 : f32
    %gt3A_223 = vector.broadcast %gt3A_222 : f32 to vector<96x128xf32>
    %gt3A_224 = arith.cmpf ogt, %select_n3A, %gt3A_223 : vector<96x128xf32>
    %and3A_225 = arith.andi %gt3A_224, %ge3A_4 : vector<96x128xi1>
    %sub3A_226 = arith.subf %select_n3A_198, %select_n3A_221 : vector<96x128xf32>
    %mul3A_227 = arith.mulf %bitcast_convert_type3A, %sub3A_226 : vector<96x128xf32>
    %jit3A_228 = arith.constant 0.000000e+00 : f32
    %broadcast_in_dim3A_229 = vector.broadcast %jit3A_228 : f32 to vector<96x128xf32>
    %select_n3A_230 = arith.select %and3A_225, %mul3A_227, %broadcast_in_dim3A_229 : vector<96x128xi1>, vector<96x128xf32>
    %reduce_sum3A_231 = vector.shape_cast %select_n3A_230 : vector<96x128xf32> to vector<1x96x128xf32>
    %reduce_sum3A_232 = arith.constant dense<0.000000e+00> : vector<1xf32>
    %reduce_sum3A_233 = vector.multi_reduction <add>, %reduce_sum3A_231, %reduce_sum3A_232 [1, 2] : vector<1x96x128xf32> to vector<1xf32>
    %reduce_sum3A_234 = vector.shape_cast %reduce_sum3A_233 : vector<1xf32> to vector<1x1x1xf32>
    %reduce_sum3A_235 = vector.extract %reduce_sum3A_234[0, 0, 0] : f32 from vector<1x1x1xf32>
    %add3A_236 = arith.constant 0.000000e+00 : f32
    %add3A_237 = arith.addf %add3A_236, %reduce_sum3A_235 : f32
    %get3A_238 = arith.constant 8 : index
    %get3A_239 = arith.constant 0 : index
    %get3A_240 = arith.constant 0 : index
    %get3A_241 = vector.load %arg0[%get3A_238, %get3A_239, %get3A_240] : memref<64x96x128xi32, #tpu.memory_space<vmem>>, vector<1x96x128xi32>
    %get3A_242 = vector.shape_cast %get3A_241 : vector<1x96x128xi32> to vector<96x128xi32>
    %and3A_243 = arith.constant 65535 : i32
    %and3A_244 = vector.broadcast %and3A_243 : i32 to vector<96x128xi32>
    %and3A_245 = arith.andi %get3A_242, %and3A_244 : vector<96x128xi32>
    %get3A_246 = arith.constant 8 : index
    %get3A_247 = arith.constant 0 : index
    %get3A_248 = arith.constant 0 : index
    %get3A_249 = vector.load %arg0[%get3A_246, %get3A_247, %get3A_248] : memref<64x96x128xi32, #tpu.memory_space<vmem>>, vector<1x96x128xi32>
    %get3A_250 = vector.shape_cast %get3A_249 : vector<1x96x128xi32> to vector<96x128xi32>
    %shift_right_logical3A_251 = arith.constant 16 : i32
    %shift_right_logical3A_252 = vector.broadcast %shift_right_logical3A_251 : i32 to vector<96x128xi32>
    %shift_right_logical3A_253 = arith.shrui %get3A_250, %shift_right_logical3A_252 : vector<96x128xi32>
    %get3A_254 = arith.constant 9 : index
    %get3A_255 = arith.constant 0 : index
    %get3A_256 = arith.constant 0 : index
    %get3A_257 = vector.load %arg0[%get3A_254, %get3A_255, %get3A_256] : memref<64x96x128xi32, #tpu.memory_space<vmem>>, vector<1x96x128xi32>
    %get3A_258 = vector.shape_cast %get3A_257 : vector<1x96x128xi32> to vector<96x128xi32>
    %and3A_259 = arith.constant 65535 : i32
    %and3A_260 = vector.broadcast %and3A_259 : i32 to vector<96x128xi32>
    %and3A_261 = arith.andi %get3A_258, %and3A_260 : vector<96x128xi32>
    %add3A_262 = arith.addi %and3A_245, %and3A_261 : vector<96x128xi32>
    %get3A_263 = arith.constant 9 : index
    %get3A_264 = arith.constant 0 : index
    %get3A_265 = arith.constant 0 : index
    %get3A_266 = vector.load %arg0[%get3A_263, %get3A_264, %get3A_265] : memref<64x96x128xi32, #tpu.memory_space<vmem>>, vector<1x96x128xi32>
    %get3A_267 = vector.shape_cast %get3A_266 : vector<1x96x128xi32> to vector<96x128xi32>
    %shift_right_logical3A_268 = arith.constant 16 : i32
    %shift_right_logical3A_269 = vector.broadcast %shift_right_logical3A_268 : i32 to vector<96x128xi32>
    %shift_right_logical3A_270 = arith.shrui %get3A_267, %shift_right_logical3A_269 : vector<96x128xi32>
    %add3A_271 = arith.addi %shift_right_logical3A_253, %shift_right_logical3A_270 : vector<96x128xi32>
    %get3A_272 = arith.constant 10 : index
    %get3A_273 = arith.constant 0 : index
    %get3A_274 = arith.constant 0 : index
    %get3A_275 = vector.load %arg0[%get3A_272, %get3A_273, %get3A_274] : memref<64x96x128xi32, #tpu.memory_space<vmem>>, vector<1x96x128xi32>
    %get3A_276 = vector.shape_cast %get3A_275 : vector<1x96x128xi32> to vector<96x128xi32>
    %and3A_277 = arith.constant 65535 : i32
    %and3A_278 = vector.broadcast %and3A_277 : i32 to vector<96x128xi32>
    %and3A_279 = arith.andi %get3A_276, %and3A_278 : vector<96x128xi32>
    %add3A_280 = arith.addi %add3A_262, %and3A_279 : vector<96x128xi32>
    %get3A_281 = arith.constant 10 : index
    %get3A_282 = arith.constant 0 : index
    %get3A_283 = arith.constant 0 : index
    %get3A_284 = vector.load %arg0[%get3A_281, %get3A_282, %get3A_283] : memref<64x96x128xi32, #tpu.memory_space<vmem>>, vector<1x96x128xi32>
    %get3A_285 = vector.shape_cast %get3A_284 : vector<1x96x128xi32> to vector<96x128xi32>
    %shift_right_logical3A_286 = arith.constant 16 : i32
    %shift_right_logical3A_287 = vector.broadcast %shift_right_logical3A_286 : i32 to vector<96x128xi32>
    %shift_right_logical3A_288 = arith.shrui %get3A_285, %shift_right_logical3A_287 : vector<96x128xi32>
    %add3A_289 = arith.addi %add3A_271, %shift_right_logical3A_288 : vector<96x128xi32>
    %get3A_290 = arith.constant 11 : index
    %get3A_291 = arith.constant 0 : index
    %get3A_292 = arith.constant 0 : index
    %get3A_293 = vector.load %arg0[%get3A_290, %get3A_291, %get3A_292] : memref<64x96x128xi32, #tpu.memory_space<vmem>>, vector<1x96x128xi32>
    %get3A_294 = vector.shape_cast %get3A_293 : vector<1x96x128xi32> to vector<96x128xi32>
    %and3A_295 = arith.constant 65535 : i32
    %and3A_296 = vector.broadcast %and3A_295 : i32 to vector<96x128xi32>
    %and3A_297 = arith.andi %get3A_294, %and3A_296 : vector<96x128xi32>
    %add3A_298 = arith.addi %add3A_280, %and3A_297 : vector<96x128xi32>
    %get3A_299 = arith.constant 11 : index
    %get3A_300 = arith.constant 0 : index
    %get3A_301 = arith.constant 0 : index
    %get3A_302 = vector.load %arg0[%get3A_299, %get3A_300, %get3A_301] : memref<64x96x128xi32, #tpu.memory_space<vmem>>, vector<1x96x128xi32>
    %get3A_303 = vector.shape_cast %get3A_302 : vector<1x96x128xi32> to vector<96x128xi32>
    %shift_right_logical3A_304 = arith.constant 16 : i32
    %shift_right_logical3A_305 = vector.broadcast %shift_right_logical3A_304 : i32 to vector<96x128xi32>
    %shift_right_logical3A_306 = arith.shrui %get3A_303, %shift_right_logical3A_305 : vector<96x128xi32>
    %add3A_307 = arith.addi %add3A_289, %shift_right_logical3A_306 : vector<96x128xi32>
    %get3A_308 = arith.constant 12 : index
    %get3A_309 = arith.constant 0 : index
    %get3A_310 = arith.constant 0 : index
    %get3A_311 = vector.load %arg0[%get3A_308, %get3A_309, %get3A_310] : memref<64x96x128xi32, #tpu.memory_space<vmem>>, vector<1x96x128xi32>
    %get3A_312 = vector.shape_cast %get3A_311 : vector<1x96x128xi32> to vector<96x128xi32>
    %and3A_313 = arith.constant 65535 : i32
    %and3A_314 = vector.broadcast %and3A_313 : i32 to vector<96x128xi32>
    %and3A_315 = arith.andi %get3A_312, %and3A_314 : vector<96x128xi32>
    %add3A_316 = arith.addi %add3A_298, %and3A_315 : vector<96x128xi32>
    %get3A_317 = arith.constant 12 : index
    %get3A_318 = arith.constant 0 : index
    %get3A_319 = arith.constant 0 : index
    %get3A_320 = vector.load %arg0[%get3A_317, %get3A_318, %get3A_319] : memref<64x96x128xi32, #tpu.memory_space<vmem>>, vector<1x96x128xi32>
    %get3A_321 = vector.shape_cast %get3A_320 : vector<1x96x128xi32> to vector<96x128xi32>
    %shift_right_logical3A_322 = arith.constant 16 : i32
    %shift_right_logical3A_323 = vector.broadcast %shift_right_logical3A_322 : i32 to vector<96x128xi32>
    %shift_right_logical3A_324 = arith.shrui %get3A_321, %shift_right_logical3A_323 : vector<96x128xi32>
    %add3A_325 = arith.addi %add3A_307, %shift_right_logical3A_324 : vector<96x128xi32>
    %get3A_326 = arith.constant 13 : index
    %get3A_327 = arith.constant 0 : index
    %get3A_328 = arith.constant 0 : index
    %get3A_329 = vector.load %arg0[%get3A_326, %get3A_327, %get3A_328] : memref<64x96x128xi32, #tpu.memory_space<vmem>>, vector<1x96x128xi32>
    %get3A_330 = vector.shape_cast %get3A_329 : vector<1x96x128xi32> to vector<96x128xi32>
    %and3A_331 = arith.constant 65535 : i32
    %and3A_332 = vector.broadcast %and3A_331 : i32 to vector<96x128xi32>
    %and3A_333 = arith.andi %get3A_330, %and3A_332 : vector<96x128xi32>
    %add3A_334 = arith.addi %add3A_316, %and3A_333 : vector<96x128xi32>
    %get3A_335 = arith.constant 13 : index
    %get3A_336 = arith.constant 0 : index
    %get3A_337 = arith.constant 0 : index
    %get3A_338 = vector.load %arg0[%get3A_335, %get3A_336, %get3A_337] : memref<64x96x128xi32, #tpu.memory_space<vmem>>, vector<1x96x128xi32>
    %get3A_339 = vector.shape_cast %get3A_338 : vector<1x96x128xi32> to vector<96x128xi32>
    %shift_right_logical3A_340 = arith.constant 16 : i32
    %shift_right_logical3A_341 = vector.broadcast %shift_right_logical3A_340 : i32 to vector<96x128xi32>
    %shift_right_logical3A_342 = arith.shrui %get3A_339, %shift_right_logical3A_341 : vector<96x128xi32>
    %add3A_343 = arith.addi %add3A_325, %shift_right_logical3A_342 : vector<96x128xi32>
    %get3A_344 = arith.constant 14 : index
    %get3A_345 = arith.constant 0 : index
    %get3A_346 = arith.constant 0 : index
    %get3A_347 = vector.load %arg0[%get3A_344, %get3A_345, %get3A_346] : memref<64x96x128xi32, #tpu.memory_space<vmem>>, vector<1x96x128xi32>
    %get3A_348 = vector.shape_cast %get3A_347 : vector<1x96x128xi32> to vector<96x128xi32>
    %and3A_349 = arith.constant 65535 : i32
    %and3A_350 = vector.broadcast %and3A_349 : i32 to vector<96x128xi32>
    %and3A_351 = arith.andi %get3A_348, %and3A_350 : vector<96x128xi32>
    %add3A_352 = arith.addi %add3A_334, %and3A_351 : vector<96x128xi32>
    %get3A_353 = arith.constant 14 : index
    %get3A_354 = arith.constant 0 : index
    %get3A_355 = arith.constant 0 : index
    %get3A_356 = vector.load %arg0[%get3A_353, %get3A_354, %get3A_355] : memref<64x96x128xi32, #tpu.memory_space<vmem>>, vector<1x96x128xi32>
    %get3A_357 = vector.shape_cast %get3A_356 : vector<1x96x128xi32> to vector<96x128xi32>
    %shift_right_logical3A_358 = arith.constant 16 : i32
    %shift_right_logical3A_359 = vector.broadcast %shift_right_logical3A_358 : i32 to vector<96x128xi32>
    %shift_right_logical3A_360 = arith.shrui %get3A_357, %shift_right_logical3A_359 : vector<96x128xi32>
    %add3A_361 = arith.addi %add3A_343, %shift_right_logical3A_360 : vector<96x128xi32>
    %get3A_362 = arith.constant 15 : index
    %get3A_363 = arith.constant 0 : index
    %get3A_364 = arith.constant 0 : index
    %get3A_365 = vector.load %arg0[%get3A_362, %get3A_363, %get3A_364] : memref<64x96x128xi32, #tpu.memory_space<vmem>>, vector<1x96x128xi32>
    %get3A_366 = vector.shape_cast %get3A_365 : vector<1x96x128xi32> to vector<96x128xi32>
    %and3A_367 = arith.constant 65535 : i32
    %and3A_368 = vector.broadcast %and3A_367 : i32 to vector<96x128xi32>
    %and3A_369 = arith.andi %get3A_366, %and3A_368 : vector<96x128xi32>
    %add3A_370 = arith.addi %add3A_352, %and3A_369 : vector<96x128xi32>
    %get3A_371 = arith.constant 15 : index
    %get3A_372 = arith.constant 0 : index
    %get3A_373 = arith.constant 0 : index
    %get3A_374 = vector.load %arg0[%get3A_371, %get3A_372, %get3A_373] : memref<64x96x128xi32, #tpu.memory_space<vmem>>, vector<1x96x128xi32>
    %get3A_375 = vector.shape_cast %get3A_374 : vector<1x96x128xi32> to vector<96x128xi32>
    %shift_right_logical3A_376 = arith.constant 16 : i32
    %shift_right_logical3A_377 = vector.broadcast %shift_right_logical3A_376 : i32 to vector<96x128xi32>
    %shift_right_logical3A_378 = arith.shrui %get3A_375, %shift_right_logical3A_377 : vector<96x128xi32>
    %add3A_379 = arith.addi %add3A_361, %shift_right_logical3A_378 : vector<96x128xi32>
    %convert_element_type3A_380 = arith.sitofp %add3A_370 : vector<96x128xi32> to vector<96x128xf32>
    %convert_element_type3A_381 = arith.sitofp %add3A_379 : vector<96x128xi32> to vector<96x128xf32>
    %reduce_sum3A_382 = vector.shape_cast %convert_element_type3A_381 : vector<96x128xf32> to vector<1x96x128xf32>
    %reduce_sum3A_383 = arith.constant dense<0.000000e+00> : vector<1xf32>
    %reduce_sum3A_384 = vector.multi_reduction <add>, %reduce_sum3A_382, %reduce_sum3A_383 [1, 2] : vector<1x96x128xf32> to vector<1xf32>
    %reduce_sum3A_385 = vector.shape_cast %reduce_sum3A_384 : vector<1xf32> to vector<1x1x1xf32>
    %reduce_sum3A_386 = vector.extract %reduce_sum3A_385[0, 0, 0] : f32 from vector<1x1x1xf32>
    %jit3A_387 = arith.constant 0.000000e+00 : f32
    %broadcast_in_dim3A_388 = vector.broadcast %jit3A_387 : f32 to vector<96x128xf32>
    %select_n3A_389 = arith.select %ge3A_4, %convert_element_type3A_380, %broadcast_in_dim3A_388 : vector<96x128xi1>, vector<96x128xf32>
    %jit3A_390 = arith.constant 0.000000e+00 : f32
    %broadcast_in_dim3A_391 = vector.broadcast %jit3A_390 : f32 to vector<96x128xf32>
    %select_n3A_392 = arith.select %ge3A_4, %convert_element_type3A_381, %broadcast_in_dim3A_391 : vector<96x128xi1>, vector<96x128xf32>
    %dot_general3A_393 = arith.constant dense<0.000000e+00> : vector<96x128xf32>
    %dot_general3A_394 = tpu.matmul %select_n3A_389, %convert_element_type3A_15, %dot_general3A_393 {dimension_numbers = #tpu.dot_dimension_numbers<[1], [0], [0], [1], [0, 0, 1, 1], [], []>, transpose_lhs_hint = false} : vector<96x128xf32>, vector<128x128xf32>, vector<96x128xf32> -> vector<96x128xf32>
    %dot_general3A_395 = arith.constant dense<0.000000e+00> : vector<96x128xf32>
    %dot_general3A_396 = tpu.matmul %select_n3A_392, %convert_element_type3A_15, %dot_general3A_395 {dimension_numbers = #tpu.dot_dimension_numbers<[1], [0], [0], [1], [0, 0, 1, 1], [], []>, transpose_lhs_hint = false} : vector<96x128xf32>, vector<128x128xf32>, vector<96x128xf32> -> vector<96x128xf32>
    %dot_general3A_397 = arith.constant dense<0.000000e+00> : vector<96x128xf32>
    %dot_general3A_398 = tpu.matmul %convert_element_type3A_19, %dot_general3A_394, %dot_general3A_397 {dimension_numbers = #tpu.dot_dimension_numbers<[1], [0], [0], [1], [0, 0, 1, 1], [], []>, transpose_lhs_hint = false} : vector<96x96xf32>, vector<96x128xf32>, vector<96x128xf32> -> vector<96x128xf32>
    %slice3A_399 = vector.extract_strided_slice %dot_general3A_398 {offsets = [0, 0], sizes = [96, 1], strides = [1, 1]} : vector<96x128xf32> to vector<96x1xf32>
    %add3A_400 = vector.broadcast %slice3A_399 : vector<96x1xf32> to vector<96x128xf32>
    %add3A_401 = arith.addf %dot_general3A_394, %add3A_400 : vector<96x128xf32>
    %dot_general3A_402 = arith.constant dense<0.000000e+00> : vector<96x128xf32>
    %dot_general3A_403 = tpu.matmul %convert_element_type3A_19, %dot_general3A_396, %dot_general3A_402 {dimension_numbers = #tpu.dot_dimension_numbers<[1], [0], [0], [1], [0, 0, 1, 1], [], []>, transpose_lhs_hint = false} : vector<96x96xf32>, vector<96x128xf32>, vector<96x128xf32> -> vector<96x128xf32>
    %slice3A_404 = vector.extract_strided_slice %dot_general3A_403 {offsets = [0, 0], sizes = [96, 1], strides = [1, 1]} : vector<96x128xf32> to vector<96x1xf32>
    %add3A_405 = vector.broadcast %slice3A_404 : vector<96x1xf32> to vector<96x128xf32>
    %add3A_406 = arith.addf %dot_general3A_396, %add3A_405 : vector<96x128xf32>
    %gt3A_407 = arith.constant 5.000000e-01 : f32
    %gt3A_408 = vector.broadcast %gt3A_407 : f32 to vector<96x128xf32>
    %gt3A_409 = arith.cmpf ogt, %add3A_401, %gt3A_408 : vector<96x128xf32>
    %add3A_410 = vector.broadcast %reduce_sum3A_386 : f32 to vector<96x128xf32>
    %add3A_411 = arith.addf %add3A_410, %add3A_401 : vector<96x128xf32>
    %sub3A_412 = arith.subf %add3A_411, %add3A_406 : vector<96x128xf32>
    %jit3A_413 = arith.constant 1.000000e+00 : f32
    %broadcast_in_dim3A_414 = vector.broadcast %jit3A_413 : f32 to vector<96x128xf32>
    %select_n3A_415 = arith.select %gt3A_409, %sub3A_412, %broadcast_in_dim3A_414 : vector<96x128xi1>, vector<96x128xf32>
    %gt3A_416 = arith.constant 5.000000e-01 : f32
    %gt3A_417 = vector.broadcast %gt3A_416 : f32 to vector<96x128xf32>
    %gt3A_418 = arith.cmpf ogt, %add3A_401, %gt3A_417 : vector<96x128xf32>
    %sub3A_419 = vector.broadcast %reduce_sum3A_386 : f32 to vector<96x128xf32>
    %sub3A_420 = arith.subf %sub3A_419, %add3A_406 : vector<96x128xf32>
    %div3A_421 = arith.divf %sub3A_420, %select_n3A_415 : vector<96x128xf32>
    %sub3A_422 = arith.constant 1.000000e+00 : f32
    %sub3A_423 = vector.broadcast %sub3A_422 : f32 to vector<96x128xf32>
    %sub3A_424 = arith.subf %sub3A_423, %div3A_421 : vector<96x128xf32>
    %jit3A_425 = arith.constant 0.000000e+00 : f32
    %broadcast_in_dim3A_426 = vector.broadcast %jit3A_425 : f32 to vector<96x128xf32>
    %select_n3A_427 = arith.select %gt3A_418, %sub3A_424, %broadcast_in_dim3A_426 : vector<96x128xi1>, vector<96x128xf32>
    %sub3A_428 = arith.subf %add3A_401, %select_n3A_389 : vector<96x128xf32>
    %sub3A_429 = arith.subf %add3A_406, %select_n3A_392 : vector<96x128xf32>
    %gt3A_430 = arith.constant 5.000000e-01 : f32
    %gt3A_431 = vector.broadcast %gt3A_430 : f32 to vector<96x128xf32>
    %gt3A_432 = arith.cmpf ogt, %sub3A_428, %gt3A_431 : vector<96x128xf32>
    %add3A_433 = vector.broadcast %reduce_sum3A_386 : f32 to vector<96x128xf32>
    %add3A_434 = arith.addf %add3A_433, %sub3A_428 : vector<96x128xf32>
    %sub3A_435 = arith.subf %add3A_434, %sub3A_429 : vector<96x128xf32>
    %jit3A_436 = arith.constant 1.000000e+00 : f32
    %broadcast_in_dim3A_437 = vector.broadcast %jit3A_436 : f32 to vector<96x128xf32>
    %select_n3A_438 = arith.select %gt3A_432, %sub3A_435, %broadcast_in_dim3A_437 : vector<96x128xi1>, vector<96x128xf32>
    %gt3A_439 = arith.constant 5.000000e-01 : f32
    %gt3A_440 = vector.broadcast %gt3A_439 : f32 to vector<96x128xf32>
    %gt3A_441 = arith.cmpf ogt, %sub3A_428, %gt3A_440 : vector<96x128xf32>
    %sub3A_442 = vector.broadcast %reduce_sum3A_386 : f32 to vector<96x128xf32>
    %sub3A_443 = arith.subf %sub3A_442, %sub3A_429 : vector<96x128xf32>
    %div3A_444 = arith.divf %sub3A_443, %select_n3A_438 : vector<96x128xf32>
    %sub3A_445 = arith.constant 1.000000e+00 : f32
    %sub3A_446 = vector.broadcast %sub3A_445 : f32 to vector<96x128xf32>
    %sub3A_447 = arith.subf %sub3A_446, %div3A_444 : vector<96x128xf32>
    %jit3A_448 = arith.constant 0.000000e+00 : f32
    %broadcast_in_dim3A_449 = vector.broadcast %jit3A_448 : f32 to vector<96x128xf32>
    %select_n3A_450 = arith.select %gt3A_441, %sub3A_447, %broadcast_in_dim3A_449 : vector<96x128xi1>, vector<96x128xf32>
    %gt3A_451 = arith.constant 5.000000e-01 : f32
    %gt3A_452 = vector.broadcast %gt3A_451 : f32 to vector<96x128xf32>
    %gt3A_453 = arith.cmpf ogt, %select_n3A_389, %gt3A_452 : vector<96x128xf32>
    %and3A_454 = arith.andi %gt3A_453, %ge3A_4 : vector<96x128xi1>
    %sub3A_455 = arith.subf %select_n3A_427, %select_n3A_450 : vector<96x128xf32>
    %mul3A_456 = arith.mulf %bitcast_convert_type3A, %sub3A_455 : vector<96x128xf32>
    %jit3A_457 = arith.constant 0.000000e+00 : f32
    %broadcast_in_dim3A_458 = vector.broadcast %jit3A_457 : f32 to vector<96x128xf32>
    %select_n3A_459 = arith.select %and3A_454, %mul3A_456, %broadcast_in_dim3A_458 : vector<96x128xi1>, vector<96x128xf32>
    %reduce_sum3A_460 = vector.shape_cast %select_n3A_459 : vector<96x128xf32> to vector<1x96x128xf32>
    %reduce_sum3A_461 = arith.constant dense<0.000000e+00> : vector<1xf32>
    %reduce_sum3A_462 = vector.multi_reduction <add>, %reduce_sum3A_460, %reduce_sum3A_461 [1, 2] : vector<1x96x128xf32> to vector<1xf32>
    %reduce_sum3A_463 = vector.shape_cast %reduce_sum3A_462 : vector<1xf32> to vector<1x1x1xf32>
    %reduce_sum3A_464 = vector.extract %reduce_sum3A_463[0, 0, 0] : f32 from vector<1x1x1xf32>
    %add3A_465 = arith.addf %add3A_237, %reduce_sum3A_464 : f32
    %get3A_466 = arith.constant 16 : index
    %get3A_467 = arith.constant 0 : index
    %get3A_468 = arith.constant 0 : index
    %get3A_469 = vector.load %arg0[%get3A_466, %get3A_467, %get3A_468] : memref<64x96x128xi32, #tpu.memory_space<vmem>>, vector<1x96x128xi32>
    %get3A_470 = vector.shape_cast %get3A_469 : vector<1x96x128xi32> to vector<96x128xi32>
    %and3A_471 = arith.constant 65535 : i32
    %and3A_472 = vector.broadcast %and3A_471 : i32 to vector<96x128xi32>
    %and3A_473 = arith.andi %get3A_470, %and3A_472 : vector<96x128xi32>
    %get3A_474 = arith.constant 16 : index
    %get3A_475 = arith.constant 0 : index
    %get3A_476 = arith.constant 0 : index
    %get3A_477 = vector.load %arg0[%get3A_474, %get3A_475, %get3A_476] : memref<64x96x128xi32, #tpu.memory_space<vmem>>, vector<1x96x128xi32>
    %get3A_478 = vector.shape_cast %get3A_477 : vector<1x96x128xi32> to vector<96x128xi32>
    %shift_right_logical3A_479 = arith.constant 16 : i32
    %shift_right_logical3A_480 = vector.broadcast %shift_right_logical3A_479 : i32 to vector<96x128xi32>
    %shift_right_logical3A_481 = arith.shrui %get3A_478, %shift_right_logical3A_480 : vector<96x128xi32>
    %get3A_482 = arith.constant 17 : index
    %get3A_483 = arith.constant 0 : index
    %get3A_484 = arith.constant 0 : index
    %get3A_485 = vector.load %arg0[%get3A_482, %get3A_483, %get3A_484] : memref<64x96x128xi32, #tpu.memory_space<vmem>>, vector<1x96x128xi32>
    %get3A_486 = vector.shape_cast %get3A_485 : vector<1x96x128xi32> to vector<96x128xi32>
    %and3A_487 = arith.constant 65535 : i32
    %and3A_488 = vector.broadcast %and3A_487 : i32 to vector<96x128xi32>
    %and3A_489 = arith.andi %get3A_486, %and3A_488 : vector<96x128xi32>
    %add3A_490 = arith.addi %and3A_473, %and3A_489 : vector<96x128xi32>
    %get3A_491 = arith.constant 17 : index
    %get3A_492 = arith.constant 0 : index
    %get3A_493 = arith.constant 0 : index
    %get3A_494 = vector.load %arg0[%get3A_491, %get3A_492, %get3A_493] : memref<64x96x128xi32, #tpu.memory_space<vmem>>, vector<1x96x128xi32>
    %get3A_495 = vector.shape_cast %get3A_494 : vector<1x96x128xi32> to vector<96x128xi32>
    %shift_right_logical3A_496 = arith.constant 16 : i32
    %shift_right_logical3A_497 = vector.broadcast %shift_right_logical3A_496 : i32 to vector<96x128xi32>
    %shift_right_logical3A_498 = arith.shrui %get3A_495, %shift_right_logical3A_497 : vector<96x128xi32>
    %add3A_499 = arith.addi %shift_right_logical3A_481, %shift_right_logical3A_498 : vector<96x128xi32>
    %get3A_500 = arith.constant 18 : index
    %get3A_501 = arith.constant 0 : index
    %get3A_502 = arith.constant 0 : index
    %get3A_503 = vector.load %arg0[%get3A_500, %get3A_501, %get3A_502] : memref<64x96x128xi32, #tpu.memory_space<vmem>>, vector<1x96x128xi32>
    %get3A_504 = vector.shape_cast %get3A_503 : vector<1x96x128xi32> to vector<96x128xi32>
    %and3A_505 = arith.constant 65535 : i32
    %and3A_506 = vector.broadcast %and3A_505 : i32 to vector<96x128xi32>
    %and3A_507 = arith.andi %get3A_504, %and3A_506 : vector<96x128xi32>
    %add3A_508 = arith.addi %add3A_490, %and3A_507 : vector<96x128xi32>
    %get3A_509 = arith.constant 18 : index
    %get3A_510 = arith.constant 0 : index
    %get3A_511 = arith.constant 0 : index
    %get3A_512 = vector.load %arg0[%get3A_509, %get3A_510, %get3A_511] : memref<64x96x128xi32, #tpu.memory_space<vmem>>, vector<1x96x128xi32>
    %get3A_513 = vector.shape_cast %get3A_512 : vector<1x96x128xi32> to vector<96x128xi32>
    %shift_right_logical3A_514 = arith.constant 16 : i32
    %shift_right_logical3A_515 = vector.broadcast %shift_right_logical3A_514 : i32 to vector<96x128xi32>
    %shift_right_logical3A_516 = arith.shrui %get3A_513, %shift_right_logical3A_515 : vector<96x128xi32>
    %add3A_517 = arith.addi %add3A_499, %shift_right_logical3A_516 : vector<96x128xi32>
    %get3A_518 = arith.constant 19 : index
    %get3A_519 = arith.constant 0 : index
    %get3A_520 = arith.constant 0 : index
    %get3A_521 = vector.load %arg0[%get3A_518, %get3A_519, %get3A_520] : memref<64x96x128xi32, #tpu.memory_space<vmem>>, vector<1x96x128xi32>
    %get3A_522 = vector.shape_cast %get3A_521 : vector<1x96x128xi32> to vector<96x128xi32>
    %and3A_523 = arith.constant 65535 : i32
    %and3A_524 = vector.broadcast %and3A_523 : i32 to vector<96x128xi32>
    %and3A_525 = arith.andi %get3A_522, %and3A_524 : vector<96x128xi32>
    %add3A_526 = arith.addi %add3A_508, %and3A_525 : vector<96x128xi32>
    %get3A_527 = arith.constant 19 : index
    %get3A_528 = arith.constant 0 : index
    %get3A_529 = arith.constant 0 : index
    %get3A_530 = vector.load %arg0[%get3A_527, %get3A_528, %get3A_529] : memref<64x96x128xi32, #tpu.memory_space<vmem>>, vector<1x96x128xi32>
    %get3A_531 = vector.shape_cast %get3A_530 : vector<1x96x128xi32> to vector<96x128xi32>
    %shift_right_logical3A_532 = arith.constant 16 : i32
    %shift_right_logical3A_533 = vector.broadcast %shift_right_logical3A_532 : i32 to vector<96x128xi32>
    %shift_right_logical3A_534 = arith.shrui %get3A_531, %shift_right_logical3A_533 : vector<96x128xi32>
    %add3A_535 = arith.addi %add3A_517, %shift_right_logical3A_534 : vector<96x128xi32>
    %get3A_536 = arith.constant 20 : index
    %get3A_537 = arith.constant 0 : index
    %get3A_538 = arith.constant 0 : index
    %get3A_539 = vector.load %arg0[%get3A_536, %get3A_537, %get3A_538] : memref<64x96x128xi32, #tpu.memory_space<vmem>>, vector<1x96x128xi32>
    %get3A_540 = vector.shape_cast %get3A_539 : vector<1x96x128xi32> to vector<96x128xi32>
    %and3A_541 = arith.constant 65535 : i32
    %and3A_542 = vector.broadcast %and3A_541 : i32 to vector<96x128xi32>
    %and3A_543 = arith.andi %get3A_540, %and3A_542 : vector<96x128xi32>
    %add3A_544 = arith.addi %add3A_526, %and3A_543 : vector<96x128xi32>
    %get3A_545 = arith.constant 20 : index
    %get3A_546 = arith.constant 0 : index
    %get3A_547 = arith.constant 0 : index
    %get3A_548 = vector.load %arg0[%get3A_545, %get3A_546, %get3A_547] : memref<64x96x128xi32, #tpu.memory_space<vmem>>, vector<1x96x128xi32>
    %get3A_549 = vector.shape_cast %get3A_548 : vector<1x96x128xi32> to vector<96x128xi32>
    %shift_right_logical3A_550 = arith.constant 16 : i32
    %shift_right_logical3A_551 = vector.broadcast %shift_right_logical3A_550 : i32 to vector<96x128xi32>
    %shift_right_logical3A_552 = arith.shrui %get3A_549, %shift_right_logical3A_551 : vector<96x128xi32>
    %add3A_553 = arith.addi %add3A_535, %shift_right_logical3A_552 : vector<96x128xi32>
    %get3A_554 = arith.constant 21 : index
    %get3A_555 = arith.constant 0 : index
    %get3A_556 = arith.constant 0 : index
    %get3A_557 = vector.load %arg0[%get3A_554, %get3A_555, %get3A_556] : memref<64x96x128xi32, #tpu.memory_space<vmem>>, vector<1x96x128xi32>
    %get3A_558 = vector.shape_cast %get3A_557 : vector<1x96x128xi32> to vector<96x128xi32>
    %and3A_559 = arith.constant 65535 : i32
    %and3A_560 = vector.broadcast %and3A_559 : i32 to vector<96x128xi32>
    %and3A_561 = arith.andi %get3A_558, %and3A_560 : vector<96x128xi32>
    %add3A_562 = arith.addi %add3A_544, %and3A_561 : vector<96x128xi32>
    %get3A_563 = arith.constant 21 : index
    %get3A_564 = arith.constant 0 : index
    %get3A_565 = arith.constant 0 : index
    %get3A_566 = vector.load %arg0[%get3A_563, %get3A_564, %get3A_565] : memref<64x96x128xi32, #tpu.memory_space<vmem>>, vector<1x96x128xi32>
    %get3A_567 = vector.shape_cast %get3A_566 : vector<1x96x128xi32> to vector<96x128xi32>
    %shift_right_logical3A_568 = arith.constant 16 : i32
    %shift_right_logical3A_569 = vector.broadcast %shift_right_logical3A_568 : i32 to vector<96x128xi32>
    %shift_right_logical3A_570 = arith.shrui %get3A_567, %shift_right_logical3A_569 : vector<96x128xi32>
    %add3A_571 = arith.addi %add3A_553, %shift_right_logical3A_570 : vector<96x128xi32>
    %get3A_572 = arith.constant 22 : index
    %get3A_573 = arith.constant 0 : index
    %get3A_574 = arith.constant 0 : index
    %get3A_575 = vector.load %arg0[%get3A_572, %get3A_573, %get3A_574] : memref<64x96x128xi32, #tpu.memory_space<vmem>>, vector<1x96x128xi32>
    %get3A_576 = vector.shape_cast %get3A_575 : vector<1x96x128xi32> to vector<96x128xi32>
    %and3A_577 = arith.constant 65535 : i32
    %and3A_578 = vector.broadcast %and3A_577 : i32 to vector<96x128xi32>
    %and3A_579 = arith.andi %get3A_576, %and3A_578 : vector<96x128xi32>
    %add3A_580 = arith.addi %add3A_562, %and3A_579 : vector<96x128xi32>
    %get3A_581 = arith.constant 22 : index
    %get3A_582 = arith.constant 0 : index
    %get3A_583 = arith.constant 0 : index
    %get3A_584 = vector.load %arg0[%get3A_581, %get3A_582, %get3A_583] : memref<64x96x128xi32, #tpu.memory_space<vmem>>, vector<1x96x128xi32>
    %get3A_585 = vector.shape_cast %get3A_584 : vector<1x96x128xi32> to vector<96x128xi32>
    %shift_right_logical3A_586 = arith.constant 16 : i32
    %shift_right_logical3A_587 = vector.broadcast %shift_right_logical3A_586 : i32 to vector<96x128xi32>
    %shift_right_logical3A_588 = arith.shrui %get3A_585, %shift_right_logical3A_587 : vector<96x128xi32>
    %add3A_589 = arith.addi %add3A_571, %shift_right_logical3A_588 : vector<96x128xi32>
    %get3A_590 = arith.constant 23 : index
    %get3A_591 = arith.constant 0 : index
    %get3A_592 = arith.constant 0 : index
    %get3A_593 = vector.load %arg0[%get3A_590, %get3A_591, %get3A_592] : memref<64x96x128xi32, #tpu.memory_space<vmem>>, vector<1x96x128xi32>
    %get3A_594 = vector.shape_cast %get3A_593 : vector<1x96x128xi32> to vector<96x128xi32>
    %and3A_595 = arith.constant 65535 : i32
    %and3A_596 = vector.broadcast %and3A_595 : i32 to vector<96x128xi32>
    %and3A_597 = arith.andi %get3A_594, %and3A_596 : vector<96x128xi32>
    %add3A_598 = arith.addi %add3A_580, %and3A_597 : vector<96x128xi32>
    %get3A_599 = arith.constant 23 : index
    %get3A_600 = arith.constant 0 : index
    %get3A_601 = arith.constant 0 : index
    %get3A_602 = vector.load %arg0[%get3A_599, %get3A_600, %get3A_601] : memref<64x96x128xi32, #tpu.memory_space<vmem>>, vector<1x96x128xi32>
    %get3A_603 = vector.shape_cast %get3A_602 : vector<1x96x128xi32> to vector<96x128xi32>
    %shift_right_logical3A_604 = arith.constant 16 : i32
    %shift_right_logical3A_605 = vector.broadcast %shift_right_logical3A_604 : i32 to vector<96x128xi32>
    %shift_right_logical3A_606 = arith.shrui %get3A_603, %shift_right_logical3A_605 : vector<96x128xi32>
    %add3A_607 = arith.addi %add3A_589, %shift_right_logical3A_606 : vector<96x128xi32>
    %convert_element_type3A_608 = arith.sitofp %add3A_598 : vector<96x128xi32> to vector<96x128xf32>
    %convert_element_type3A_609 = arith.sitofp %add3A_607 : vector<96x128xi32> to vector<96x128xf32>
    %reduce_sum3A_610 = vector.shape_cast %convert_element_type3A_609 : vector<96x128xf32> to vector<1x96x128xf32>
    %reduce_sum3A_611 = arith.constant dense<0.000000e+00> : vector<1xf32>
    %reduce_sum3A_612 = vector.multi_reduction <add>, %reduce_sum3A_610, %reduce_sum3A_611 [1, 2] : vector<1x96x128xf32> to vector<1xf32>
    %reduce_sum3A_613 = vector.shape_cast %reduce_sum3A_612 : vector<1xf32> to vector<1x1x1xf32>
    %reduce_sum3A_614 = vector.extract %reduce_sum3A_613[0, 0, 0] : f32 from vector<1x1x1xf32>
    %jit3A_615 = arith.constant 0.000000e+00 : f32
    %broadcast_in_dim3A_616 = vector.broadcast %jit3A_615 : f32 to vector<96x128xf32>
    %select_n3A_617 = arith.select %ge3A_4, %convert_element_type3A_608, %broadcast_in_dim3A_616 : vector<96x128xi1>, vector<96x128xf32>
    %jit3A_618 = arith.constant 0.000000e+00 : f32
    %broadcast_in_dim3A_619 = vector.broadcast %jit3A_618 : f32 to vector<96x128xf32>
    %select_n3A_620 = arith.select %ge3A_4, %convert_element_type3A_609, %broadcast_in_dim3A_619 : vector<96x128xi1>, vector<96x128xf32>
    %dot_general3A_621 = arith.constant dense<0.000000e+00> : vector<96x128xf32>
    %dot_general3A_622 = tpu.matmul %select_n3A_617, %convert_element_type3A_15, %dot_general3A_621 {dimension_numbers = #tpu.dot_dimension_numbers<[1], [0], [0], [1], [0, 0, 1, 1], [], []>, transpose_lhs_hint = false} : vector<96x128xf32>, vector<128x128xf32>, vector<96x128xf32> -> vector<96x128xf32>
    %dot_general3A_623 = arith.constant dense<0.000000e+00> : vector<96x128xf32>
    %dot_general3A_624 = tpu.matmul %select_n3A_620, %convert_element_type3A_15, %dot_general3A_623 {dimension_numbers = #tpu.dot_dimension_numbers<[1], [0], [0], [1], [0, 0, 1, 1], [], []>, transpose_lhs_hint = false} : vector<96x128xf32>, vector<128x128xf32>, vector<96x128xf32> -> vector<96x128xf32>
    %dot_general3A_625 = arith.constant dense<0.000000e+00> : vector<96x128xf32>
    %dot_general3A_626 = tpu.matmul %convert_element_type3A_19, %dot_general3A_622, %dot_general3A_625 {dimension_numbers = #tpu.dot_dimension_numbers<[1], [0], [0], [1], [0, 0, 1, 1], [], []>, transpose_lhs_hint = false} : vector<96x96xf32>, vector<96x128xf32>, vector<96x128xf32> -> vector<96x128xf32>
    %slice3A_627 = vector.extract_strided_slice %dot_general3A_626 {offsets = [0, 0], sizes = [96, 1], strides = [1, 1]} : vector<96x128xf32> to vector<96x1xf32>
    %add3A_628 = vector.broadcast %slice3A_627 : vector<96x1xf32> to vector<96x128xf32>
    %add3A_629 = arith.addf %dot_general3A_622, %add3A_628 : vector<96x128xf32>
    %dot_general3A_630 = arith.constant dense<0.000000e+00> : vector<96x128xf32>
    %dot_general3A_631 = tpu.matmul %convert_element_type3A_19, %dot_general3A_624, %dot_general3A_630 {dimension_numbers = #tpu.dot_dimension_numbers<[1], [0], [0], [1], [0, 0, 1, 1], [], []>, transpose_lhs_hint = false} : vector<96x96xf32>, vector<96x128xf32>, vector<96x128xf32> -> vector<96x128xf32>
    %slice3A_632 = vector.extract_strided_slice %dot_general3A_631 {offsets = [0, 0], sizes = [96, 1], strides = [1, 1]} : vector<96x128xf32> to vector<96x1xf32>
    %add3A_633 = vector.broadcast %slice3A_632 : vector<96x1xf32> to vector<96x128xf32>
    %add3A_634 = arith.addf %dot_general3A_624, %add3A_633 : vector<96x128xf32>
    %gt3A_635 = arith.constant 5.000000e-01 : f32
    %gt3A_636 = vector.broadcast %gt3A_635 : f32 to vector<96x128xf32>
    %gt3A_637 = arith.cmpf ogt, %add3A_629, %gt3A_636 : vector<96x128xf32>
    %add3A_638 = vector.broadcast %reduce_sum3A_614 : f32 to vector<96x128xf32>
    %add3A_639 = arith.addf %add3A_638, %add3A_629 : vector<96x128xf32>
    %sub3A_640 = arith.subf %add3A_639, %add3A_634 : vector<96x128xf32>
    %jit3A_641 = arith.constant 1.000000e+00 : f32
    %broadcast_in_dim3A_642 = vector.broadcast %jit3A_641 : f32 to vector<96x128xf32>
    %select_n3A_643 = arith.select %gt3A_637, %sub3A_640, %broadcast_in_dim3A_642 : vector<96x128xi1>, vector<96x128xf32>
    %gt3A_644 = arith.constant 5.000000e-01 : f32
    %gt3A_645 = vector.broadcast %gt3A_644 : f32 to vector<96x128xf32>
    %gt3A_646 = arith.cmpf ogt, %add3A_629, %gt3A_645 : vector<96x128xf32>
    %sub3A_647 = vector.broadcast %reduce_sum3A_614 : f32 to vector<96x128xf32>
    %sub3A_648 = arith.subf %sub3A_647, %add3A_634 : vector<96x128xf32>
    %div3A_649 = arith.divf %sub3A_648, %select_n3A_643 : vector<96x128xf32>
    %sub3A_650 = arith.constant 1.000000e+00 : f32
    %sub3A_651 = vector.broadcast %sub3A_650 : f32 to vector<96x128xf32>
    %sub3A_652 = arith.subf %sub3A_651, %div3A_649 : vector<96x128xf32>
    %jit3A_653 = arith.constant 0.000000e+00 : f32
    %broadcast_in_dim3A_654 = vector.broadcast %jit3A_653 : f32 to vector<96x128xf32>
    %select_n3A_655 = arith.select %gt3A_646, %sub3A_652, %broadcast_in_dim3A_654 : vector<96x128xi1>, vector<96x128xf32>
    %sub3A_656 = arith.subf %add3A_629, %select_n3A_617 : vector<96x128xf32>
    %sub3A_657 = arith.subf %add3A_634, %select_n3A_620 : vector<96x128xf32>
    %gt3A_658 = arith.constant 5.000000e-01 : f32
    %gt3A_659 = vector.broadcast %gt3A_658 : f32 to vector<96x128xf32>
    %gt3A_660 = arith.cmpf ogt, %sub3A_656, %gt3A_659 : vector<96x128xf32>
    %add3A_661 = vector.broadcast %reduce_sum3A_614 : f32 to vector<96x128xf32>
    %add3A_662 = arith.addf %add3A_661, %sub3A_656 : vector<96x128xf32>
    %sub3A_663 = arith.subf %add3A_662, %sub3A_657 : vector<96x128xf32>
    %jit3A_664 = arith.constant 1.000000e+00 : f32
    %broadcast_in_dim3A_665 = vector.broadcast %jit3A_664 : f32 to vector<96x128xf32>
    %select_n3A_666 = arith.select %gt3A_660, %sub3A_663, %broadcast_in_dim3A_665 : vector<96x128xi1>, vector<96x128xf32>
    %gt3A_667 = arith.constant 5.000000e-01 : f32
    %gt3A_668 = vector.broadcast %gt3A_667 : f32 to vector<96x128xf32>
    %gt3A_669 = arith.cmpf ogt, %sub3A_656, %gt3A_668 : vector<96x128xf32>
    %sub3A_670 = vector.broadcast %reduce_sum3A_614 : f32 to vector<96x128xf32>
    %sub3A_671 = arith.subf %sub3A_670, %sub3A_657 : vector<96x128xf32>
    %div3A_672 = arith.divf %sub3A_671, %select_n3A_666 : vector<96x128xf32>
    %sub3A_673 = arith.constant 1.000000e+00 : f32
    %sub3A_674 = vector.broadcast %sub3A_673 : f32 to vector<96x128xf32>
    %sub3A_675 = arith.subf %sub3A_674, %div3A_672 : vector<96x128xf32>
    %jit3A_676 = arith.constant 0.000000e+00 : f32
    %broadcast_in_dim3A_677 = vector.broadcast %jit3A_676 : f32 to vector<96x128xf32>
    %select_n3A_678 = arith.select %gt3A_669, %sub3A_675, %broadcast_in_dim3A_677 : vector<96x128xi1>, vector<96x128xf32>
    %gt3A_679 = arith.constant 5.000000e-01 : f32
    %gt3A_680 = vector.broadcast %gt3A_679 : f32 to vector<96x128xf32>
    %gt3A_681 = arith.cmpf ogt, %select_n3A_617, %gt3A_680 : vector<96x128xf32>
    %and3A_682 = arith.andi %gt3A_681, %ge3A_4 : vector<96x128xi1>
    %sub3A_683 = arith.subf %select_n3A_655, %select_n3A_678 : vector<96x128xf32>
    %mul3A_684 = arith.mulf %bitcast_convert_type3A, %sub3A_683 : vector<96x128xf32>
    %jit3A_685 = arith.constant 0.000000e+00 : f32
    %broadcast_in_dim3A_686 = vector.broadcast %jit3A_685 : f32 to vector<96x128xf32>
    %select_n3A_687 = arith.select %and3A_682, %mul3A_684, %broadcast_in_dim3A_686 : vector<96x128xi1>, vector<96x128xf32>
    %reduce_sum3A_688 = vector.shape_cast %select_n3A_687 : vector<96x128xf32> to vector<1x96x128xf32>
    %reduce_sum3A_689 = arith.constant dense<0.000000e+00> : vector<1xf32>
    %reduce_sum3A_690 = vector.multi_reduction <add>, %reduce_sum3A_688, %reduce_sum3A_689 [1, 2] : vector<1x96x128xf32> to vector<1xf32>
    %reduce_sum3A_691 = vector.shape_cast %reduce_sum3A_690 : vector<1xf32> to vector<1x1x1xf32>
    %reduce_sum3A_692 = vector.extract %reduce_sum3A_691[0, 0, 0] : f32 from vector<1x1x1xf32>
    %add3A_693 = arith.addf %add3A_465, %reduce_sum3A_692 : f32
    %get3A_694 = arith.constant 24 : index
    %get3A_695 = arith.constant 0 : index
    %get3A_696 = arith.constant 0 : index
    %get3A_697 = vector.load %arg0[%get3A_694, %get3A_695, %get3A_696] : memref<64x96x128xi32, #tpu.memory_space<vmem>>, vector<1x96x128xi32>
    %get3A_698 = vector.shape_cast %get3A_697 : vector<1x96x128xi32> to vector<96x128xi32>
    %and3A_699 = arith.constant 65535 : i32
    %and3A_700 = vector.broadcast %and3A_699 : i32 to vector<96x128xi32>
    %and3A_701 = arith.andi %get3A_698, %and3A_700 : vector<96x128xi32>
    %get3A_702 = arith.constant 24 : index
    %get3A_703 = arith.constant 0 : index
    %get3A_704 = arith.constant 0 : index
    %get3A_705 = vector.load %arg0[%get3A_702, %get3A_703, %get3A_704] : memref<64x96x128xi32, #tpu.memory_space<vmem>>, vector<1x96x128xi32>
    %get3A_706 = vector.shape_cast %get3A_705 : vector<1x96x128xi32> to vector<96x128xi32>
    %shift_right_logical3A_707 = arith.constant 16 : i32
    %shift_right_logical3A_708 = vector.broadcast %shift_right_logical3A_707 : i32 to vector<96x128xi32>
    %shift_right_logical3A_709 = arith.shrui %get3A_706, %shift_right_logical3A_708 : vector<96x128xi32>
    %get3A_710 = arith.constant 25 : index
    %get3A_711 = arith.constant 0 : index
    %get3A_712 = arith.constant 0 : index
    %get3A_713 = vector.load %arg0[%get3A_710, %get3A_711, %get3A_712] : memref<64x96x128xi32, #tpu.memory_space<vmem>>, vector<1x96x128xi32>
    %get3A_714 = vector.shape_cast %get3A_713 : vector<1x96x128xi32> to vector<96x128xi32>
    %and3A_715 = arith.constant 65535 : i32
    %and3A_716 = vector.broadcast %and3A_715 : i32 to vector<96x128xi32>
    %and3A_717 = arith.andi %get3A_714, %and3A_716 : vector<96x128xi32>
    %add3A_718 = arith.addi %and3A_701, %and3A_717 : vector<96x128xi32>
    %get3A_719 = arith.constant 25 : index
    %get3A_720 = arith.constant 0 : index
    %get3A_721 = arith.constant 0 : index
    %get3A_722 = vector.load %arg0[%get3A_719, %get3A_720, %get3A_721] : memref<64x96x128xi32, #tpu.memory_space<vmem>>, vector<1x96x128xi32>
    %get3A_723 = vector.shape_cast %get3A_722 : vector<1x96x128xi32> to vector<96x128xi32>
    %shift_right_logical3A_724 = arith.constant 16 : i32
    %shift_right_logical3A_725 = vector.broadcast %shift_right_logical3A_724 : i32 to vector<96x128xi32>
    %shift_right_logical3A_726 = arith.shrui %get3A_723, %shift_right_logical3A_725 : vector<96x128xi32>
    %add3A_727 = arith.addi %shift_right_logical3A_709, %shift_right_logical3A_726 : vector<96x128xi32>
    %get3A_728 = arith.constant 26 : index
    %get3A_729 = arith.constant 0 : index
    %get3A_730 = arith.constant 0 : index
    %get3A_731 = vector.load %arg0[%get3A_728, %get3A_729, %get3A_730] : memref<64x96x128xi32, #tpu.memory_space<vmem>>, vector<1x96x128xi32>
    %get3A_732 = vector.shape_cast %get3A_731 : vector<1x96x128xi32> to vector<96x128xi32>
    %and3A_733 = arith.constant 65535 : i32
    %and3A_734 = vector.broadcast %and3A_733 : i32 to vector<96x128xi32>
    %and3A_735 = arith.andi %get3A_732, %and3A_734 : vector<96x128xi32>
    %add3A_736 = arith.addi %add3A_718, %and3A_735 : vector<96x128xi32>
    %get3A_737 = arith.constant 26 : index
    %get3A_738 = arith.constant 0 : index
    %get3A_739 = arith.constant 0 : index
    %get3A_740 = vector.load %arg0[%get3A_737, %get3A_738, %get3A_739] : memref<64x96x128xi32, #tpu.memory_space<vmem>>, vector<1x96x128xi32>
    %get3A_741 = vector.shape_cast %get3A_740 : vector<1x96x128xi32> to vector<96x128xi32>
    %shift_right_logical3A_742 = arith.constant 16 : i32
    %shift_right_logical3A_743 = vector.broadcast %shift_right_logical3A_742 : i32 to vector<96x128xi32>
    %shift_right_logical3A_744 = arith.shrui %get3A_741, %shift_right_logical3A_743 : vector<96x128xi32>
    %add3A_745 = arith.addi %add3A_727, %shift_right_logical3A_744 : vector<96x128xi32>
    %get3A_746 = arith.constant 27 : index
    %get3A_747 = arith.constant 0 : index
    %get3A_748 = arith.constant 0 : index
    %get3A_749 = vector.load %arg0[%get3A_746, %get3A_747, %get3A_748] : memref<64x96x128xi32, #tpu.memory_space<vmem>>, vector<1x96x128xi32>
    %get3A_750 = vector.shape_cast %get3A_749 : vector<1x96x128xi32> to vector<96x128xi32>
    %and3A_751 = arith.constant 65535 : i32
    %and3A_752 = vector.broadcast %and3A_751 : i32 to vector<96x128xi32>
    %and3A_753 = arith.andi %get3A_750, %and3A_752 : vector<96x128xi32>
    %add3A_754 = arith.addi %add3A_736, %and3A_753 : vector<96x128xi32>
    %get3A_755 = arith.constant 27 : index
    %get3A_756 = arith.constant 0 : index
    %get3A_757 = arith.constant 0 : index
    %get3A_758 = vector.load %arg0[%get3A_755, %get3A_756, %get3A_757] : memref<64x96x128xi32, #tpu.memory_space<vmem>>, vector<1x96x128xi32>
    %get3A_759 = vector.shape_cast %get3A_758 : vector<1x96x128xi32> to vector<96x128xi32>
    %shift_right_logical3A_760 = arith.constant 16 : i32
    %shift_right_logical3A_761 = vector.broadcast %shift_right_logical3A_760 : i32 to vector<96x128xi32>
    %shift_right_logical3A_762 = arith.shrui %get3A_759, %shift_right_logical3A_761 : vector<96x128xi32>
    %add3A_763 = arith.addi %add3A_745, %shift_right_logical3A_762 : vector<96x128xi32>
    %get3A_764 = arith.constant 28 : index
    %get3A_765 = arith.constant 0 : index
    %get3A_766 = arith.constant 0 : index
    %get3A_767 = vector.load %arg0[%get3A_764, %get3A_765, %get3A_766] : memref<64x96x128xi32, #tpu.memory_space<vmem>>, vector<1x96x128xi32>
    %get3A_768 = vector.shape_cast %get3A_767 : vector<1x96x128xi32> to vector<96x128xi32>
    %and3A_769 = arith.constant 65535 : i32
    %and3A_770 = vector.broadcast %and3A_769 : i32 to vector<96x128xi32>
    %and3A_771 = arith.andi %get3A_768, %and3A_770 : vector<96x128xi32>
    %add3A_772 = arith.addi %add3A_754, %and3A_771 : vector<96x128xi32>
    %get3A_773 = arith.constant 28 : index
    %get3A_774 = arith.constant 0 : index
    %get3A_775 = arith.constant 0 : index
    %get3A_776 = vector.load %arg0[%get3A_773, %get3A_774, %get3A_775] : memref<64x96x128xi32, #tpu.memory_space<vmem>>, vector<1x96x128xi32>
    %get3A_777 = vector.shape_cast %get3A_776 : vector<1x96x128xi32> to vector<96x128xi32>
    %shift_right_logical3A_778 = arith.constant 16 : i32
    %shift_right_logical3A_779 = vector.broadcast %shift_right_logical3A_778 : i32 to vector<96x128xi32>
    %shift_right_logical3A_780 = arith.shrui %get3A_777, %shift_right_logical3A_779 : vector<96x128xi32>
    %add3A_781 = arith.addi %add3A_763, %shift_right_logical3A_780 : vector<96x128xi32>
    %get3A_782 = arith.constant 29 : index
    %get3A_783 = arith.constant 0 : index
    %get3A_784 = arith.constant 0 : index
    %get3A_785 = vector.load %arg0[%get3A_782, %get3A_783, %get3A_784] : memref<64x96x128xi32, #tpu.memory_space<vmem>>, vector<1x96x128xi32>
    %get3A_786 = vector.shape_cast %get3A_785 : vector<1x96x128xi32> to vector<96x128xi32>
    %and3A_787 = arith.constant 65535 : i32
    %and3A_788 = vector.broadcast %and3A_787 : i32 to vector<96x128xi32>
    %and3A_789 = arith.andi %get3A_786, %and3A_788 : vector<96x128xi32>
    %add3A_790 = arith.addi %add3A_772, %and3A_789 : vector<96x128xi32>
    %get3A_791 = arith.constant 29 : index
    %get3A_792 = arith.constant 0 : index
    %get3A_793 = arith.constant 0 : index
    %get3A_794 = vector.load %arg0[%get3A_791, %get3A_792, %get3A_793] : memref<64x96x128xi32, #tpu.memory_space<vmem>>, vector<1x96x128xi32>
    %get3A_795 = vector.shape_cast %get3A_794 : vector<1x96x128xi32> to vector<96x128xi32>
    %shift_right_logical3A_796 = arith.constant 16 : i32
    %shift_right_logical3A_797 = vector.broadcast %shift_right_logical3A_796 : i32 to vector<96x128xi32>
    %shift_right_logical3A_798 = arith.shrui %get3A_795, %shift_right_logical3A_797 : vector<96x128xi32>
    %add3A_799 = arith.addi %add3A_781, %shift_right_logical3A_798 : vector<96x128xi32>
    %get3A_800 = arith.constant 30 : index
    %get3A_801 = arith.constant 0 : index
    %get3A_802 = arith.constant 0 : index
    %get3A_803 = vector.load %arg0[%get3A_800, %get3A_801, %get3A_802] : memref<64x96x128xi32, #tpu.memory_space<vmem>>, vector<1x96x128xi32>
    %get3A_804 = vector.shape_cast %get3A_803 : vector<1x96x128xi32> to vector<96x128xi32>
    %and3A_805 = arith.constant 65535 : i32
    %and3A_806 = vector.broadcast %and3A_805 : i32 to vector<96x128xi32>
    %and3A_807 = arith.andi %get3A_804, %and3A_806 : vector<96x128xi32>
    %add3A_808 = arith.addi %add3A_790, %and3A_807 : vector<96x128xi32>
    %get3A_809 = arith.constant 30 : index
    %get3A_810 = arith.constant 0 : index
    %get3A_811 = arith.constant 0 : index
    %get3A_812 = vector.load %arg0[%get3A_809, %get3A_810, %get3A_811] : memref<64x96x128xi32, #tpu.memory_space<vmem>>, vector<1x96x128xi32>
    %get3A_813 = vector.shape_cast %get3A_812 : vector<1x96x128xi32> to vector<96x128xi32>
    %shift_right_logical3A_814 = arith.constant 16 : i32
    %shift_right_logical3A_815 = vector.broadcast %shift_right_logical3A_814 : i32 to vector<96x128xi32>
    %shift_right_logical3A_816 = arith.shrui %get3A_813, %shift_right_logical3A_815 : vector<96x128xi32>
    %add3A_817 = arith.addi %add3A_799, %shift_right_logical3A_816 : vector<96x128xi32>
    %get3A_818 = arith.constant 31 : index
    %get3A_819 = arith.constant 0 : index
    %get3A_820 = arith.constant 0 : index
    %get3A_821 = vector.load %arg0[%get3A_818, %get3A_819, %get3A_820] : memref<64x96x128xi32, #tpu.memory_space<vmem>>, vector<1x96x128xi32>
    %get3A_822 = vector.shape_cast %get3A_821 : vector<1x96x128xi32> to vector<96x128xi32>
    %and3A_823 = arith.constant 65535 : i32
    %and3A_824 = vector.broadcast %and3A_823 : i32 to vector<96x128xi32>
    %and3A_825 = arith.andi %get3A_822, %and3A_824 : vector<96x128xi32>
    %add3A_826 = arith.addi %add3A_808, %and3A_825 : vector<96x128xi32>
    %get3A_827 = arith.constant 31 : index
    %get3A_828 = arith.constant 0 : index
    %get3A_829 = arith.constant 0 : index
    %get3A_830 = vector.load %arg0[%get3A_827, %get3A_828, %get3A_829] : memref<64x96x128xi32, #tpu.memory_space<vmem>>, vector<1x96x128xi32>
    %get3A_831 = vector.shape_cast %get3A_830 : vector<1x96x128xi32> to vector<96x128xi32>
    %shift_right_logical3A_832 = arith.constant 16 : i32
    %shift_right_logical3A_833 = vector.broadcast %shift_right_logical3A_832 : i32 to vector<96x128xi32>
    %shift_right_logical3A_834 = arith.shrui %get3A_831, %shift_right_logical3A_833 : vector<96x128xi32>
    %add3A_835 = arith.addi %add3A_817, %shift_right_logical3A_834 : vector<96x128xi32>
    %convert_element_type3A_836 = arith.sitofp %add3A_826 : vector<96x128xi32> to vector<96x128xf32>
    %convert_element_type3A_837 = arith.sitofp %add3A_835 : vector<96x128xi32> to vector<96x128xf32>
    %reduce_sum3A_838 = vector.shape_cast %convert_element_type3A_837 : vector<96x128xf32> to vector<1x96x128xf32>
    %reduce_sum3A_839 = arith.constant dense<0.000000e+00> : vector<1xf32>
    %reduce_sum3A_840 = vector.multi_reduction <add>, %reduce_sum3A_838, %reduce_sum3A_839 [1, 2] : vector<1x96x128xf32> to vector<1xf32>
    %reduce_sum3A_841 = vector.shape_cast %reduce_sum3A_840 : vector<1xf32> to vector<1x1x1xf32>
    %reduce_sum3A_842 = vector.extract %reduce_sum3A_841[0, 0, 0] : f32 from vector<1x1x1xf32>
    %jit3A_843 = arith.constant 0.000000e+00 : f32
    %broadcast_in_dim3A_844 = vector.broadcast %jit3A_843 : f32 to vector<96x128xf32>
    %select_n3A_845 = arith.select %ge3A_4, %convert_element_type3A_836, %broadcast_in_dim3A_844 : vector<96x128xi1>, vector<96x128xf32>
    %jit3A_846 = arith.constant 0.000000e+00 : f32
    %broadcast_in_dim3A_847 = vector.broadcast %jit3A_846 : f32 to vector<96x128xf32>
    %select_n3A_848 = arith.select %ge3A_4, %convert_element_type3A_837, %broadcast_in_dim3A_847 : vector<96x128xi1>, vector<96x128xf32>
    %dot_general3A_849 = arith.constant dense<0.000000e+00> : vector<96x128xf32>
    %dot_general3A_850 = tpu.matmul %select_n3A_845, %convert_element_type3A_15, %dot_general3A_849 {dimension_numbers = #tpu.dot_dimension_numbers<[1], [0], [0], [1], [0, 0, 1, 1], [], []>, transpose_lhs_hint = false} : vector<96x128xf32>, vector<128x128xf32>, vector<96x128xf32> -> vector<96x128xf32>
    %dot_general3A_851 = arith.constant dense<0.000000e+00> : vector<96x128xf32>
    %dot_general3A_852 = tpu.matmul %select_n3A_848, %convert_element_type3A_15, %dot_general3A_851 {dimension_numbers = #tpu.dot_dimension_numbers<[1], [0], [0], [1], [0, 0, 1, 1], [], []>, transpose_lhs_hint = false} : vector<96x128xf32>, vector<128x128xf32>, vector<96x128xf32> -> vector<96x128xf32>
    %dot_general3A_853 = arith.constant dense<0.000000e+00> : vector<96x128xf32>
    %dot_general3A_854 = tpu.matmul %convert_element_type3A_19, %dot_general3A_850, %dot_general3A_853 {dimension_numbers = #tpu.dot_dimension_numbers<[1], [0], [0], [1], [0, 0, 1, 1], [], []>, transpose_lhs_hint = false} : vector<96x96xf32>, vector<96x128xf32>, vector<96x128xf32> -> vector<96x128xf32>
    %slice3A_855 = vector.extract_strided_slice %dot_general3A_854 {offsets = [0, 0], sizes = [96, 1], strides = [1, 1]} : vector<96x128xf32> to vector<96x1xf32>
    %add3A_856 = vector.broadcast %slice3A_855 : vector<96x1xf32> to vector<96x128xf32>
    %add3A_857 = arith.addf %dot_general3A_850, %add3A_856 : vector<96x128xf32>
    %dot_general3A_858 = arith.constant dense<0.000000e+00> : vector<96x128xf32>
    %dot_general3A_859 = tpu.matmul %convert_element_type3A_19, %dot_general3A_852, %dot_general3A_858 {dimension_numbers = #tpu.dot_dimension_numbers<[1], [0], [0], [1], [0, 0, 1, 1], [], []>, transpose_lhs_hint = false} : vector<96x96xf32>, vector<96x128xf32>, vector<96x128xf32> -> vector<96x128xf32>
    %slice3A_860 = vector.extract_strided_slice %dot_general3A_859 {offsets = [0, 0], sizes = [96, 1], strides = [1, 1]} : vector<96x128xf32> to vector<96x1xf32>
    %add3A_861 = vector.broadcast %slice3A_860 : vector<96x1xf32> to vector<96x128xf32>
    %add3A_862 = arith.addf %dot_general3A_852, %add3A_861 : vector<96x128xf32>
    %gt3A_863 = arith.constant 5.000000e-01 : f32
    %gt3A_864 = vector.broadcast %gt3A_863 : f32 to vector<96x128xf32>
    %gt3A_865 = arith.cmpf ogt, %add3A_857, %gt3A_864 : vector<96x128xf32>
    %add3A_866 = vector.broadcast %reduce_sum3A_842 : f32 to vector<96x128xf32>
    %add3A_867 = arith.addf %add3A_866, %add3A_857 : vector<96x128xf32>
    %sub3A_868 = arith.subf %add3A_867, %add3A_862 : vector<96x128xf32>
    %jit3A_869 = arith.constant 1.000000e+00 : f32
    %broadcast_in_dim3A_870 = vector.broadcast %jit3A_869 : f32 to vector<96x128xf32>
    %select_n3A_871 = arith.select %gt3A_865, %sub3A_868, %broadcast_in_dim3A_870 : vector<96x128xi1>, vector<96x128xf32>
    %gt3A_872 = arith.constant 5.000000e-01 : f32
    %gt3A_873 = vector.broadcast %gt3A_872 : f32 to vector<96x128xf32>
    %gt3A_874 = arith.cmpf ogt, %add3A_857, %gt3A_873 : vector<96x128xf32>
    %sub3A_875 = vector.broadcast %reduce_sum3A_842 : f32 to vector<96x128xf32>
    %sub3A_876 = arith.subf %sub3A_875, %add3A_862 : vector<96x128xf32>
    %div3A_877 = arith.divf %sub3A_876, %select_n3A_871 : vector<96x128xf32>
    %sub3A_878 = arith.constant 1.000000e+00 : f32
    %sub3A_879 = vector.broadcast %sub3A_878 : f32 to vector<96x128xf32>
    %sub3A_880 = arith.subf %sub3A_879, %div3A_877 : vector<96x128xf32>
    %jit3A_881 = arith.constant 0.000000e+00 : f32
    %broadcast_in_dim3A_882 = vector.broadcast %jit3A_881 : f32 to vector<96x128xf32>
    %select_n3A_883 = arith.select %gt3A_874, %sub3A_880, %broadcast_in_dim3A_882 : vector<96x128xi1>, vector<96x128xf32>
    %sub3A_884 = arith.subf %add3A_857, %select_n3A_845 : vector<96x128xf32>
    %sub3A_885 = arith.subf %add3A_862, %select_n3A_848 : vector<96x128xf32>
    %gt3A_886 = arith.constant 5.000000e-01 : f32
    %gt3A_887 = vector.broadcast %gt3A_886 : f32 to vector<96x128xf32>
    %gt3A_888 = arith.cmpf ogt, %sub3A_884, %gt3A_887 : vector<96x128xf32>
    %add3A_889 = vector.broadcast %reduce_sum3A_842 : f32 to vector<96x128xf32>
    %add3A_890 = arith.addf %add3A_889, %sub3A_884 : vector<96x128xf32>
    %sub3A_891 = arith.subf %add3A_890, %sub3A_885 : vector<96x128xf32>
    %jit3A_892 = arith.constant 1.000000e+00 : f32
    %broadcast_in_dim3A_893 = vector.broadcast %jit3A_892 : f32 to vector<96x128xf32>
    %select_n3A_894 = arith.select %gt3A_888, %sub3A_891, %broadcast_in_dim3A_893 : vector<96x128xi1>, vector<96x128xf32>
    %gt3A_895 = arith.constant 5.000000e-01 : f32
    %gt3A_896 = vector.broadcast %gt3A_895 : f32 to vector<96x128xf32>
    %gt3A_897 = arith.cmpf ogt, %sub3A_884, %gt3A_896 : vector<96x128xf32>
    %sub3A_898 = vector.broadcast %reduce_sum3A_842 : f32 to vector<96x128xf32>
    %sub3A_899 = arith.subf %sub3A_898, %sub3A_885 : vector<96x128xf32>
    %div3A_900 = arith.divf %sub3A_899, %select_n3A_894 : vector<96x128xf32>
    %sub3A_901 = arith.constant 1.000000e+00 : f32
    %sub3A_902 = vector.broadcast %sub3A_901 : f32 to vector<96x128xf32>
    %sub3A_903 = arith.subf %sub3A_902, %div3A_900 : vector<96x128xf32>
    %jit3A_904 = arith.constant 0.000000e+00 : f32
    %broadcast_in_dim3A_905 = vector.broadcast %jit3A_904 : f32 to vector<96x128xf32>
    %select_n3A_906 = arith.select %gt3A_897, %sub3A_903, %broadcast_in_dim3A_905 : vector<96x128xi1>, vector<96x128xf32>
    %gt3A_907 = arith.constant 5.000000e-01 : f32
    %gt3A_908 = vector.broadcast %gt3A_907 : f32 to vector<96x128xf32>
    %gt3A_909 = arith.cmpf ogt, %select_n3A_845, %gt3A_908 : vector<96x128xf32>
    %and3A_910 = arith.andi %gt3A_909, %ge3A_4 : vector<96x128xi1>
    %sub3A_911 = arith.subf %select_n3A_883, %select_n3A_906 : vector<96x128xf32>
    %mul3A_912 = arith.mulf %bitcast_convert_type3A, %sub3A_911 : vector<96x128xf32>
    %jit3A_913 = arith.constant 0.000000e+00 : f32
    %broadcast_in_dim3A_914 = vector.broadcast %jit3A_913 : f32 to vector<96x128xf32>
    %select_n3A_915 = arith.select %and3A_910, %mul3A_912, %broadcast_in_dim3A_914 : vector<96x128xi1>, vector<96x128xf32>
    %reduce_sum3A_916 = vector.shape_cast %select_n3A_915 : vector<96x128xf32> to vector<1x96x128xf32>
    %reduce_sum3A_917 = arith.constant dense<0.000000e+00> : vector<1xf32>
    %reduce_sum3A_918 = vector.multi_reduction <add>, %reduce_sum3A_916, %reduce_sum3A_917 [1, 2] : vector<1x96x128xf32> to vector<1xf32>
    %reduce_sum3A_919 = vector.shape_cast %reduce_sum3A_918 : vector<1xf32> to vector<1x1x1xf32>
    %reduce_sum3A_920 = vector.extract %reduce_sum3A_919[0, 0, 0] : f32 from vector<1x1x1xf32>
    %add3A_921 = arith.addf %add3A_693, %reduce_sum3A_920 : f32
    %get3A_922 = arith.constant 32 : index
    %get3A_923 = arith.constant 0 : index
    %get3A_924 = arith.constant 0 : index
    %get3A_925 = vector.load %arg0[%get3A_922, %get3A_923, %get3A_924] : memref<64x96x128xi32, #tpu.memory_space<vmem>>, vector<1x96x128xi32>
    %get3A_926 = vector.shape_cast %get3A_925 : vector<1x96x128xi32> to vector<96x128xi32>
    %and3A_927 = arith.constant 65535 : i32
    %and3A_928 = vector.broadcast %and3A_927 : i32 to vector<96x128xi32>
    %and3A_929 = arith.andi %get3A_926, %and3A_928 : vector<96x128xi32>
    %get3A_930 = arith.constant 32 : index
    %get3A_931 = arith.constant 0 : index
    %get3A_932 = arith.constant 0 : index
    %get3A_933 = vector.load %arg0[%get3A_930, %get3A_931, %get3A_932] : memref<64x96x128xi32, #tpu.memory_space<vmem>>, vector<1x96x128xi32>
    %get3A_934 = vector.shape_cast %get3A_933 : vector<1x96x128xi32> to vector<96x128xi32>
    %shift_right_logical3A_935 = arith.constant 16 : i32
    %shift_right_logical3A_936 = vector.broadcast %shift_right_logical3A_935 : i32 to vector<96x128xi32>
    %shift_right_logical3A_937 = arith.shrui %get3A_934, %shift_right_logical3A_936 : vector<96x128xi32>
    %get3A_938 = arith.constant 33 : index
    %get3A_939 = arith.constant 0 : index
    %get3A_940 = arith.constant 0 : index
    %get3A_941 = vector.load %arg0[%get3A_938, %get3A_939, %get3A_940] : memref<64x96x128xi32, #tpu.memory_space<vmem>>, vector<1x96x128xi32>
    %get3A_942 = vector.shape_cast %get3A_941 : vector<1x96x128xi32> to vector<96x128xi32>
    %and3A_943 = arith.constant 65535 : i32
    %and3A_944 = vector.broadcast %and3A_943 : i32 to vector<96x128xi32>
    %and3A_945 = arith.andi %get3A_942, %and3A_944 : vector<96x128xi32>
    %add3A_946 = arith.addi %and3A_929, %and3A_945 : vector<96x128xi32>
    %get3A_947 = arith.constant 33 : index
    %get3A_948 = arith.constant 0 : index
    %get3A_949 = arith.constant 0 : index
    %get3A_950 = vector.load %arg0[%get3A_947, %get3A_948, %get3A_949] : memref<64x96x128xi32, #tpu.memory_space<vmem>>, vector<1x96x128xi32>
    %get3A_951 = vector.shape_cast %get3A_950 : vector<1x96x128xi32> to vector<96x128xi32>
    %shift_right_logical3A_952 = arith.constant 16 : i32
    %shift_right_logical3A_953 = vector.broadcast %shift_right_logical3A_952 : i32 to vector<96x128xi32>
    %shift_right_logical3A_954 = arith.shrui %get3A_951, %shift_right_logical3A_953 : vector<96x128xi32>
    %add3A_955 = arith.addi %shift_right_logical3A_937, %shift_right_logical3A_954 : vector<96x128xi32>
    %get3A_956 = arith.constant 34 : index
    %get3A_957 = arith.constant 0 : index
    %get3A_958 = arith.constant 0 : index
    %get3A_959 = vector.load %arg0[%get3A_956, %get3A_957, %get3A_958] : memref<64x96x128xi32, #tpu.memory_space<vmem>>, vector<1x96x128xi32>
    %get3A_960 = vector.shape_cast %get3A_959 : vector<1x96x128xi32> to vector<96x128xi32>
    %and3A_961 = arith.constant 65535 : i32
    %and3A_962 = vector.broadcast %and3A_961 : i32 to vector<96x128xi32>
    %and3A_963 = arith.andi %get3A_960, %and3A_962 : vector<96x128xi32>
    %add3A_964 = arith.addi %add3A_946, %and3A_963 : vector<96x128xi32>
    %get3A_965 = arith.constant 34 : index
    %get3A_966 = arith.constant 0 : index
    %get3A_967 = arith.constant 0 : index
    %get3A_968 = vector.load %arg0[%get3A_965, %get3A_966, %get3A_967] : memref<64x96x128xi32, #tpu.memory_space<vmem>>, vector<1x96x128xi32>
    %get3A_969 = vector.shape_cast %get3A_968 : vector<1x96x128xi32> to vector<96x128xi32>
    %shift_right_logical3A_970 = arith.constant 16 : i32
    %shift_right_logical3A_971 = vector.broadcast %shift_right_logical3A_970 : i32 to vector<96x128xi32>
    %shift_right_logical3A_972 = arith.shrui %get3A_969, %shift_right_logical3A_971 : vector<96x128xi32>
    %add3A_973 = arith.addi %add3A_955, %shift_right_logical3A_972 : vector<96x128xi32>
    %get3A_974 = arith.constant 35 : index
    %get3A_975 = arith.constant 0 : index
    %get3A_976 = arith.constant 0 : index
    %get3A_977 = vector.load %arg0[%get3A_974, %get3A_975, %get3A_976] : memref<64x96x128xi32, #tpu.memory_space<vmem>>, vector<1x96x128xi32>
    %get3A_978 = vector.shape_cast %get3A_977 : vector<1x96x128xi32> to vector<96x128xi32>
    %and3A_979 = arith.constant 65535 : i32
    %and3A_980 = vector.broadcast %and3A_979 : i32 to vector<96x128xi32>
    %and3A_981 = arith.andi %get3A_978, %and3A_980 : vector<96x128xi32>
    %add3A_982 = arith.addi %add3A_964, %and3A_981 : vector<96x128xi32>
    %get3A_983 = arith.constant 35 : index
    %get3A_984 = arith.constant 0 : index
    %get3A_985 = arith.constant 0 : index
    %get3A_986 = vector.load %arg0[%get3A_983, %get3A_984, %get3A_985] : memref<64x96x128xi32, #tpu.memory_space<vmem>>, vector<1x96x128xi32>
    %get3A_987 = vector.shape_cast %get3A_986 : vector<1x96x128xi32> to vector<96x128xi32>
    %shift_right_logical3A_988 = arith.constant 16 : i32
    %shift_right_logical3A_989 = vector.broadcast %shift_right_logical3A_988 : i32 to vector<96x128xi32>
    %shift_right_logical3A_990 = arith.shrui %get3A_987, %shift_right_logical3A_989 : vector<96x128xi32>
    %add3A_991 = arith.addi %add3A_973, %shift_right_logical3A_990 : vector<96x128xi32>
    %get3A_992 = arith.constant 36 : index
    %get3A_993 = arith.constant 0 : index
    %get3A_994 = arith.constant 0 : index
    %get3A_995 = vector.load %arg0[%get3A_992, %get3A_993, %get3A_994] : memref<64x96x128xi32, #tpu.memory_space<vmem>>, vector<1x96x128xi32>
    %get3A_996 = vector.shape_cast %get3A_995 : vector<1x96x128xi32> to vector<96x128xi32>
    %and3A_997 = arith.constant 65535 : i32
    %and3A_998 = vector.broadcast %and3A_997 : i32 to vector<96x128xi32>
    %and3A_999 = arith.andi %get3A_996, %and3A_998 : vector<96x128xi32>
    %add3A_1000 = arith.addi %add3A_982, %and3A_999 : vector<96x128xi32>
    %get3A_1001 = arith.constant 36 : index
    %get3A_1002 = arith.constant 0 : index
    %get3A_1003 = arith.constant 0 : index
    %get3A_1004 = vector.load %arg0[%get3A_1001, %get3A_1002, %get3A_1003] : memref<64x96x128xi32, #tpu.memory_space<vmem>>, vector<1x96x128xi32>
    %get3A_1005 = vector.shape_cast %get3A_1004 : vector<1x96x128xi32> to vector<96x128xi32>
    %shift_right_logical3A_1006 = arith.constant 16 : i32
    %shift_right_logical3A_1007 = vector.broadcast %shift_right_logical3A_1006 : i32 to vector<96x128xi32>
    %shift_right_logical3A_1008 = arith.shrui %get3A_1005, %shift_right_logical3A_1007 : vector<96x128xi32>
    %add3A_1009 = arith.addi %add3A_991, %shift_right_logical3A_1008 : vector<96x128xi32>
    %get3A_1010 = arith.constant 37 : index
    %get3A_1011 = arith.constant 0 : index
    %get3A_1012 = arith.constant 0 : index
    %get3A_1013 = vector.load %arg0[%get3A_1010, %get3A_1011, %get3A_1012] : memref<64x96x128xi32, #tpu.memory_space<vmem>>, vector<1x96x128xi32>
    %get3A_1014 = vector.shape_cast %get3A_1013 : vector<1x96x128xi32> to vector<96x128xi32>
    %and3A_1015 = arith.constant 65535 : i32
    %and3A_1016 = vector.broadcast %and3A_1015 : i32 to vector<96x128xi32>
    %and3A_1017 = arith.andi %get3A_1014, %and3A_1016 : vector<96x128xi32>
    %add3A_1018 = arith.addi %add3A_1000, %and3A_1017 : vector<96x128xi32>
    %get3A_1019 = arith.constant 37 : index
    %get3A_1020 = arith.constant 0 : index
    %get3A_1021 = arith.constant 0 : index
    %get3A_1022 = vector.load %arg0[%get3A_1019, %get3A_1020, %get3A_1021] : memref<64x96x128xi32, #tpu.memory_space<vmem>>, vector<1x96x128xi32>
    %get3A_1023 = vector.shape_cast %get3A_1022 : vector<1x96x128xi32> to vector<96x128xi32>
    %shift_right_logical3A_1024 = arith.constant 16 : i32
    %shift_right_logical3A_1025 = vector.broadcast %shift_right_logical3A_1024 : i32 to vector<96x128xi32>
    %shift_right_logical3A_1026 = arith.shrui %get3A_1023, %shift_right_logical3A_1025 : vector<96x128xi32>
    %add3A_1027 = arith.addi %add3A_1009, %shift_right_logical3A_1026 : vector<96x128xi32>
    %get3A_1028 = arith.constant 38 : index
    %get3A_1029 = arith.constant 0 : index
    %get3A_1030 = arith.constant 0 : index
    %get3A_1031 = vector.load %arg0[%get3A_1028, %get3A_1029, %get3A_1030] : memref<64x96x128xi32, #tpu.memory_space<vmem>>, vector<1x96x128xi32>
    %get3A_1032 = vector.shape_cast %get3A_1031 : vector<1x96x128xi32> to vector<96x128xi32>
    %and3A_1033 = arith.constant 65535 : i32
    %and3A_1034 = vector.broadcast %and3A_1033 : i32 to vector<96x128xi32>
    %and3A_1035 = arith.andi %get3A_1032, %and3A_1034 : vector<96x128xi32>
    %add3A_1036 = arith.addi %add3A_1018, %and3A_1035 : vector<96x128xi32>
    %get3A_1037 = arith.constant 38 : index
    %get3A_1038 = arith.constant 0 : index
    %get3A_1039 = arith.constant 0 : index
    %get3A_1040 = vector.load %arg0[%get3A_1037, %get3A_1038, %get3A_1039] : memref<64x96x128xi32, #tpu.memory_space<vmem>>, vector<1x96x128xi32>
    %get3A_1041 = vector.shape_cast %get3A_1040 : vector<1x96x128xi32> to vector<96x128xi32>
    %shift_right_logical3A_1042 = arith.constant 16 : i32
    %shift_right_logical3A_1043 = vector.broadcast %shift_right_logical3A_1042 : i32 to vector<96x128xi32>
    %shift_right_logical3A_1044 = arith.shrui %get3A_1041, %shift_right_logical3A_1043 : vector<96x128xi32>
    %add3A_1045 = arith.addi %add3A_1027, %shift_right_logical3A_1044 : vector<96x128xi32>
    %get3A_1046 = arith.constant 39 : index
    %get3A_1047 = arith.constant 0 : index
    %get3A_1048 = arith.constant 0 : index
    %get3A_1049 = vector.load %arg0[%get3A_1046, %get3A_1047, %get3A_1048] : memref<64x96x128xi32, #tpu.memory_space<vmem>>, vector<1x96x128xi32>
    %get3A_1050 = vector.shape_cast %get3A_1049 : vector<1x96x128xi32> to vector<96x128xi32>
    %and3A_1051 = arith.constant 65535 : i32
    %and3A_1052 = vector.broadcast %and3A_1051 : i32 to vector<96x128xi32>
    %and3A_1053 = arith.andi %get3A_1050, %and3A_1052 : vector<96x128xi32>
    %add3A_1054 = arith.addi %add3A_1036, %and3A_1053 : vector<96x128xi32>
    %get3A_1055 = arith.constant 39 : index
    %get3A_1056 = arith.constant 0 : index
    %get3A_1057 = arith.constant 0 : index
    %get3A_1058 = vector.load %arg0[%get3A_1055, %get3A_1056, %get3A_1057] : memref<64x96x128xi32, #tpu.memory_space<vmem>>, vector<1x96x128xi32>
    %get3A_1059 = vector.shape_cast %get3A_1058 : vector<1x96x128xi32> to vector<96x128xi32>
    %shift_right_logical3A_1060 = arith.constant 16 : i32
    %shift_right_logical3A_1061 = vector.broadcast %shift_right_logical3A_1060 : i32 to vector<96x128xi32>
    %shift_right_logical3A_1062 = arith.shrui %get3A_1059, %shift_right_logical3A_1061 : vector<96x128xi32>
    %add3A_1063 = arith.addi %add3A_1045, %shift_right_logical3A_1062 : vector<96x128xi32>
    %convert_element_type3A_1064 = arith.sitofp %add3A_1054 : vector<96x128xi32> to vector<96x128xf32>
    %convert_element_type3A_1065 = arith.sitofp %add3A_1063 : vector<96x128xi32> to vector<96x128xf32>
    %reduce_sum3A_1066 = vector.shape_cast %convert_element_type3A_1065 : vector<96x128xf32> to vector<1x96x128xf32>
    %reduce_sum3A_1067 = arith.constant dense<0.000000e+00> : vector<1xf32>
    %reduce_sum3A_1068 = vector.multi_reduction <add>, %reduce_sum3A_1066, %reduce_sum3A_1067 [1, 2] : vector<1x96x128xf32> to vector<1xf32>
    %reduce_sum3A_1069 = vector.shape_cast %reduce_sum3A_1068 : vector<1xf32> to vector<1x1x1xf32>
    %reduce_sum3A_1070 = vector.extract %reduce_sum3A_1069[0, 0, 0] : f32 from vector<1x1x1xf32>
    %jit3A_1071 = arith.constant 0.000000e+00 : f32
    %broadcast_in_dim3A_1072 = vector.broadcast %jit3A_1071 : f32 to vector<96x128xf32>
    %select_n3A_1073 = arith.select %ge3A_4, %convert_element_type3A_1064, %broadcast_in_dim3A_1072 : vector<96x128xi1>, vector<96x128xf32>
    %jit3A_1074 = arith.constant 0.000000e+00 : f32
    %broadcast_in_dim3A_1075 = vector.broadcast %jit3A_1074 : f32 to vector<96x128xf32>
    %select_n3A_1076 = arith.select %ge3A_4, %convert_element_type3A_1065, %broadcast_in_dim3A_1075 : vector<96x128xi1>, vector<96x128xf32>
    %dot_general3A_1077 = arith.constant dense<0.000000e+00> : vector<96x128xf32>
    %dot_general3A_1078 = tpu.matmul %select_n3A_1073, %convert_element_type3A_15, %dot_general3A_1077 {dimension_numbers = #tpu.dot_dimension_numbers<[1], [0], [0], [1], [0, 0, 1, 1], [], []>, transpose_lhs_hint = false} : vector<96x128xf32>, vector<128x128xf32>, vector<96x128xf32> -> vector<96x128xf32>
    %dot_general3A_1079 = arith.constant dense<0.000000e+00> : vector<96x128xf32>
    %dot_general3A_1080 = tpu.matmul %select_n3A_1076, %convert_element_type3A_15, %dot_general3A_1079 {dimension_numbers = #tpu.dot_dimension_numbers<[1], [0], [0], [1], [0, 0, 1, 1], [], []>, transpose_lhs_hint = false} : vector<96x128xf32>, vector<128x128xf32>, vector<96x128xf32> -> vector<96x128xf32>
    %dot_general3A_1081 = arith.constant dense<0.000000e+00> : vector<96x128xf32>
    %dot_general3A_1082 = tpu.matmul %convert_element_type3A_19, %dot_general3A_1078, %dot_general3A_1081 {dimension_numbers = #tpu.dot_dimension_numbers<[1], [0], [0], [1], [0, 0, 1, 1], [], []>, transpose_lhs_hint = false} : vector<96x96xf32>, vector<96x128xf32>, vector<96x128xf32> -> vector<96x128xf32>
    %slice3A_1083 = vector.extract_strided_slice %dot_general3A_1082 {offsets = [0, 0], sizes = [96, 1], strides = [1, 1]} : vector<96x128xf32> to vector<96x1xf32>
    %add3A_1084 = vector.broadcast %slice3A_1083 : vector<96x1xf32> to vector<96x128xf32>
    %add3A_1085 = arith.addf %dot_general3A_1078, %add3A_1084 : vector<96x128xf32>
    %dot_general3A_1086 = arith.constant dense<0.000000e+00> : vector<96x128xf32>
    %dot_general3A_1087 = tpu.matmul %convert_element_type3A_19, %dot_general3A_1080, %dot_general3A_1086 {dimension_numbers = #tpu.dot_dimension_numbers<[1], [0], [0], [1], [0, 0, 1, 1], [], []>, transpose_lhs_hint = false} : vector<96x96xf32>, vector<96x128xf32>, vector<96x128xf32> -> vector<96x128xf32>
    %slice3A_1088 = vector.extract_strided_slice %dot_general3A_1087 {offsets = [0, 0], sizes = [96, 1], strides = [1, 1]} : vector<96x128xf32> to vector<96x1xf32>
    %add3A_1089 = vector.broadcast %slice3A_1088 : vector<96x1xf32> to vector<96x128xf32>
    %add3A_1090 = arith.addf %dot_general3A_1080, %add3A_1089 : vector<96x128xf32>
    %gt3A_1091 = arith.constant 5.000000e-01 : f32
    %gt3A_1092 = vector.broadcast %gt3A_1091 : f32 to vector<96x128xf32>
    %gt3A_1093 = arith.cmpf ogt, %add3A_1085, %gt3A_1092 : vector<96x128xf32>
    %add3A_1094 = vector.broadcast %reduce_sum3A_1070 : f32 to vector<96x128xf32>
    %add3A_1095 = arith.addf %add3A_1094, %add3A_1085 : vector<96x128xf32>
    %sub3A_1096 = arith.subf %add3A_1095, %add3A_1090 : vector<96x128xf32>
    %jit3A_1097 = arith.constant 1.000000e+00 : f32
    %broadcast_in_dim3A_1098 = vector.broadcast %jit3A_1097 : f32 to vector<96x128xf32>
    %select_n3A_1099 = arith.select %gt3A_1093, %sub3A_1096, %broadcast_in_dim3A_1098 : vector<96x128xi1>, vector<96x128xf32>
    %gt3A_1100 = arith.constant 5.000000e-01 : f32
    %gt3A_1101 = vector.broadcast %gt3A_1100 : f32 to vector<96x128xf32>
    %gt3A_1102 = arith.cmpf ogt, %add3A_1085, %gt3A_1101 : vector<96x128xf32>
    %sub3A_1103 = vector.broadcast %reduce_sum3A_1070 : f32 to vector<96x128xf32>
    %sub3A_1104 = arith.subf %sub3A_1103, %add3A_1090 : vector<96x128xf32>
    %div3A_1105 = arith.divf %sub3A_1104, %select_n3A_1099 : vector<96x128xf32>
    %sub3A_1106 = arith.constant 1.000000e+00 : f32
    %sub3A_1107 = vector.broadcast %sub3A_1106 : f32 to vector<96x128xf32>
    %sub3A_1108 = arith.subf %sub3A_1107, %div3A_1105 : vector<96x128xf32>
    %jit3A_1109 = arith.constant 0.000000e+00 : f32
    %broadcast_in_dim3A_1110 = vector.broadcast %jit3A_1109 : f32 to vector<96x128xf32>
    %select_n3A_1111 = arith.select %gt3A_1102, %sub3A_1108, %broadcast_in_dim3A_1110 : vector<96x128xi1>, vector<96x128xf32>
    %sub3A_1112 = arith.subf %add3A_1085, %select_n3A_1073 : vector<96x128xf32>
    %sub3A_1113 = arith.subf %add3A_1090, %select_n3A_1076 : vector<96x128xf32>
    %gt3A_1114 = arith.constant 5.000000e-01 : f32
    %gt3A_1115 = vector.broadcast %gt3A_1114 : f32 to vector<96x128xf32>
    %gt3A_1116 = arith.cmpf ogt, %sub3A_1112, %gt3A_1115 : vector<96x128xf32>
    %add3A_1117 = vector.broadcast %reduce_sum3A_1070 : f32 to vector<96x128xf32>
    %add3A_1118 = arith.addf %add3A_1117, %sub3A_1112 : vector<96x128xf32>
    %sub3A_1119 = arith.subf %add3A_1118, %sub3A_1113 : vector<96x128xf32>
    %jit3A_1120 = arith.constant 1.000000e+00 : f32
    %broadcast_in_dim3A_1121 = vector.broadcast %jit3A_1120 : f32 to vector<96x128xf32>
    %select_n3A_1122 = arith.select %gt3A_1116, %sub3A_1119, %broadcast_in_dim3A_1121 : vector<96x128xi1>, vector<96x128xf32>
    %gt3A_1123 = arith.constant 5.000000e-01 : f32
    %gt3A_1124 = vector.broadcast %gt3A_1123 : f32 to vector<96x128xf32>
    %gt3A_1125 = arith.cmpf ogt, %sub3A_1112, %gt3A_1124 : vector<96x128xf32>
    %sub3A_1126 = vector.broadcast %reduce_sum3A_1070 : f32 to vector<96x128xf32>
    %sub3A_1127 = arith.subf %sub3A_1126, %sub3A_1113 : vector<96x128xf32>
    %div3A_1128 = arith.divf %sub3A_1127, %select_n3A_1122 : vector<96x128xf32>
    %sub3A_1129 = arith.constant 1.000000e+00 : f32
    %sub3A_1130 = vector.broadcast %sub3A_1129 : f32 to vector<96x128xf32>
    %sub3A_1131 = arith.subf %sub3A_1130, %div3A_1128 : vector<96x128xf32>
    %jit3A_1132 = arith.constant 0.000000e+00 : f32
    %broadcast_in_dim3A_1133 = vector.broadcast %jit3A_1132 : f32 to vector<96x128xf32>
    %select_n3A_1134 = arith.select %gt3A_1125, %sub3A_1131, %broadcast_in_dim3A_1133 : vector<96x128xi1>, vector<96x128xf32>
    %gt3A_1135 = arith.constant 5.000000e-01 : f32
    %gt3A_1136 = vector.broadcast %gt3A_1135 : f32 to vector<96x128xf32>
    %gt3A_1137 = arith.cmpf ogt, %select_n3A_1073, %gt3A_1136 : vector<96x128xf32>
    %and3A_1138 = arith.andi %gt3A_1137, %ge3A_4 : vector<96x128xi1>
    %sub3A_1139 = arith.subf %select_n3A_1111, %select_n3A_1134 : vector<96x128xf32>
    %mul3A_1140 = arith.mulf %bitcast_convert_type3A, %sub3A_1139 : vector<96x128xf32>
    %jit3A_1141 = arith.constant 0.000000e+00 : f32
    %broadcast_in_dim3A_1142 = vector.broadcast %jit3A_1141 : f32 to vector<96x128xf32>
    %select_n3A_1143 = arith.select %and3A_1138, %mul3A_1140, %broadcast_in_dim3A_1142 : vector<96x128xi1>, vector<96x128xf32>
    %reduce_sum3A_1144 = vector.shape_cast %select_n3A_1143 : vector<96x128xf32> to vector<1x96x128xf32>
    %reduce_sum3A_1145 = arith.constant dense<0.000000e+00> : vector<1xf32>
    %reduce_sum3A_1146 = vector.multi_reduction <add>, %reduce_sum3A_1144, %reduce_sum3A_1145 [1, 2] : vector<1x96x128xf32> to vector<1xf32>
    %reduce_sum3A_1147 = vector.shape_cast %reduce_sum3A_1146 : vector<1xf32> to vector<1x1x1xf32>
    %reduce_sum3A_1148 = vector.extract %reduce_sum3A_1147[0, 0, 0] : f32 from vector<1x1x1xf32>
    %add3A_1149 = arith.addf %add3A_921, %reduce_sum3A_1148 : f32
    %get3A_1150 = arith.constant 40 : index
    %get3A_1151 = arith.constant 0 : index
    %get3A_1152 = arith.constant 0 : index
    %get3A_1153 = vector.load %arg0[%get3A_1150, %get3A_1151, %get3A_1152] : memref<64x96x128xi32, #tpu.memory_space<vmem>>, vector<1x96x128xi32>
    %get3A_1154 = vector.shape_cast %get3A_1153 : vector<1x96x128xi32> to vector<96x128xi32>
    %and3A_1155 = arith.constant 65535 : i32
    %and3A_1156 = vector.broadcast %and3A_1155 : i32 to vector<96x128xi32>
    %and3A_1157 = arith.andi %get3A_1154, %and3A_1156 : vector<96x128xi32>
    %get3A_1158 = arith.constant 40 : index
    %get3A_1159 = arith.constant 0 : index
    %get3A_1160 = arith.constant 0 : index
    %get3A_1161 = vector.load %arg0[%get3A_1158, %get3A_1159, %get3A_1160] : memref<64x96x128xi32, #tpu.memory_space<vmem>>, vector<1x96x128xi32>
    %get3A_1162 = vector.shape_cast %get3A_1161 : vector<1x96x128xi32> to vector<96x128xi32>
    %shift_right_logical3A_1163 = arith.constant 16 : i32
    %shift_right_logical3A_1164 = vector.broadcast %shift_right_logical3A_1163 : i32 to vector<96x128xi32>
    %shift_right_logical3A_1165 = arith.shrui %get3A_1162, %shift_right_logical3A_1164 : vector<96x128xi32>
    %get3A_1166 = arith.constant 41 : index
    %get3A_1167 = arith.constant 0 : index
    %get3A_1168 = arith.constant 0 : index
    %get3A_1169 = vector.load %arg0[%get3A_1166, %get3A_1167, %get3A_1168] : memref<64x96x128xi32, #tpu.memory_space<vmem>>, vector<1x96x128xi32>
    %get3A_1170 = vector.shape_cast %get3A_1169 : vector<1x96x128xi32> to vector<96x128xi32>
    %and3A_1171 = arith.constant 65535 : i32
    %and3A_1172 = vector.broadcast %and3A_1171 : i32 to vector<96x128xi32>
    %and3A_1173 = arith.andi %get3A_1170, %and3A_1172 : vector<96x128xi32>
    %add3A_1174 = arith.addi %and3A_1157, %and3A_1173 : vector<96x128xi32>
    %get3A_1175 = arith.constant 41 : index
    %get3A_1176 = arith.constant 0 : index
    %get3A_1177 = arith.constant 0 : index
    %get3A_1178 = vector.load %arg0[%get3A_1175, %get3A_1176, %get3A_1177] : memref<64x96x128xi32, #tpu.memory_space<vmem>>, vector<1x96x128xi32>
    %get3A_1179 = vector.shape_cast %get3A_1178 : vector<1x96x128xi32> to vector<96x128xi32>
    %shift_right_logical3A_1180 = arith.constant 16 : i32
    %shift_right_logical3A_1181 = vector.broadcast %shift_right_logical3A_1180 : i32 to vector<96x128xi32>
    %shift_right_logical3A_1182 = arith.shrui %get3A_1179, %shift_right_logical3A_1181 : vector<96x128xi32>
    %add3A_1183 = arith.addi %shift_right_logical3A_1165, %shift_right_logical3A_1182 : vector<96x128xi32>
    %get3A_1184 = arith.constant 42 : index
    %get3A_1185 = arith.constant 0 : index
    %get3A_1186 = arith.constant 0 : index
    %get3A_1187 = vector.load %arg0[%get3A_1184, %get3A_1185, %get3A_1186] : memref<64x96x128xi32, #tpu.memory_space<vmem>>, vector<1x96x128xi32>
    %get3A_1188 = vector.shape_cast %get3A_1187 : vector<1x96x128xi32> to vector<96x128xi32>
    %and3A_1189 = arith.constant 65535 : i32
    %and3A_1190 = vector.broadcast %and3A_1189 : i32 to vector<96x128xi32>
    %and3A_1191 = arith.andi %get3A_1188, %and3A_1190 : vector<96x128xi32>
    %add3A_1192 = arith.addi %add3A_1174, %and3A_1191 : vector<96x128xi32>
    %get3A_1193 = arith.constant 42 : index
    %get3A_1194 = arith.constant 0 : index
    %get3A_1195 = arith.constant 0 : index
    %get3A_1196 = vector.load %arg0[%get3A_1193, %get3A_1194, %get3A_1195] : memref<64x96x128xi32, #tpu.memory_space<vmem>>, vector<1x96x128xi32>
    %get3A_1197 = vector.shape_cast %get3A_1196 : vector<1x96x128xi32> to vector<96x128xi32>
    %shift_right_logical3A_1198 = arith.constant 16 : i32
    %shift_right_logical3A_1199 = vector.broadcast %shift_right_logical3A_1198 : i32 to vector<96x128xi32>
    %shift_right_logical3A_1200 = arith.shrui %get3A_1197, %shift_right_logical3A_1199 : vector<96x128xi32>
    %add3A_1201 = arith.addi %add3A_1183, %shift_right_logical3A_1200 : vector<96x128xi32>
    %get3A_1202 = arith.constant 43 : index
    %get3A_1203 = arith.constant 0 : index
    %get3A_1204 = arith.constant 0 : index
    %get3A_1205 = vector.load %arg0[%get3A_1202, %get3A_1203, %get3A_1204] : memref<64x96x128xi32, #tpu.memory_space<vmem>>, vector<1x96x128xi32>
    %get3A_1206 = vector.shape_cast %get3A_1205 : vector<1x96x128xi32> to vector<96x128xi32>
    %and3A_1207 = arith.constant 65535 : i32
    %and3A_1208 = vector.broadcast %and3A_1207 : i32 to vector<96x128xi32>
    %and3A_1209 = arith.andi %get3A_1206, %and3A_1208 : vector<96x128xi32>
    %add3A_1210 = arith.addi %add3A_1192, %and3A_1209 : vector<96x128xi32>
    %get3A_1211 = arith.constant 43 : index
    %get3A_1212 = arith.constant 0 : index
    %get3A_1213 = arith.constant 0 : index
    %get3A_1214 = vector.load %arg0[%get3A_1211, %get3A_1212, %get3A_1213] : memref<64x96x128xi32, #tpu.memory_space<vmem>>, vector<1x96x128xi32>
    %get3A_1215 = vector.shape_cast %get3A_1214 : vector<1x96x128xi32> to vector<96x128xi32>
    %shift_right_logical3A_1216 = arith.constant 16 : i32
    %shift_right_logical3A_1217 = vector.broadcast %shift_right_logical3A_1216 : i32 to vector<96x128xi32>
    %shift_right_logical3A_1218 = arith.shrui %get3A_1215, %shift_right_logical3A_1217 : vector<96x128xi32>
    %add3A_1219 = arith.addi %add3A_1201, %shift_right_logical3A_1218 : vector<96x128xi32>
    %get3A_1220 = arith.constant 44 : index
    %get3A_1221 = arith.constant 0 : index
    %get3A_1222 = arith.constant 0 : index
    %get3A_1223 = vector.load %arg0[%get3A_1220, %get3A_1221, %get3A_1222] : memref<64x96x128xi32, #tpu.memory_space<vmem>>, vector<1x96x128xi32>
    %get3A_1224 = vector.shape_cast %get3A_1223 : vector<1x96x128xi32> to vector<96x128xi32>
    %and3A_1225 = arith.constant 65535 : i32
    %and3A_1226 = vector.broadcast %and3A_1225 : i32 to vector<96x128xi32>
    %and3A_1227 = arith.andi %get3A_1224, %and3A_1226 : vector<96x128xi32>
    %add3A_1228 = arith.addi %add3A_1210, %and3A_1227 : vector<96x128xi32>
    %get3A_1229 = arith.constant 44 : index
    %get3A_1230 = arith.constant 0 : index
    %get3A_1231 = arith.constant 0 : index
    %get3A_1232 = vector.load %arg0[%get3A_1229, %get3A_1230, %get3A_1231] : memref<64x96x128xi32, #tpu.memory_space<vmem>>, vector<1x96x128xi32>
    %get3A_1233 = vector.shape_cast %get3A_1232 : vector<1x96x128xi32> to vector<96x128xi32>
    %shift_right_logical3A_1234 = arith.constant 16 : i32
    %shift_right_logical3A_1235 = vector.broadcast %shift_right_logical3A_1234 : i32 to vector<96x128xi32>
    %shift_right_logical3A_1236 = arith.shrui %get3A_1233, %shift_right_logical3A_1235 : vector<96x128xi32>
    %add3A_1237 = arith.addi %add3A_1219, %shift_right_logical3A_1236 : vector<96x128xi32>
    %get3A_1238 = arith.constant 45 : index
    %get3A_1239 = arith.constant 0 : index
    %get3A_1240 = arith.constant 0 : index
    %get3A_1241 = vector.load %arg0[%get3A_1238, %get3A_1239, %get3A_1240] : memref<64x96x128xi32, #tpu.memory_space<vmem>>, vector<1x96x128xi32>
    %get3A_1242 = vector.shape_cast %get3A_1241 : vector<1x96x128xi32> to vector<96x128xi32>
    %and3A_1243 = arith.constant 65535 : i32
    %and3A_1244 = vector.broadcast %and3A_1243 : i32 to vector<96x128xi32>
    %and3A_1245 = arith.andi %get3A_1242, %and3A_1244 : vector<96x128xi32>
    %add3A_1246 = arith.addi %add3A_1228, %and3A_1245 : vector<96x128xi32>
    %get3A_1247 = arith.constant 45 : index
    %get3A_1248 = arith.constant 0 : index
    %get3A_1249 = arith.constant 0 : index
    %get3A_1250 = vector.load %arg0[%get3A_1247, %get3A_1248, %get3A_1249] : memref<64x96x128xi32, #tpu.memory_space<vmem>>, vector<1x96x128xi32>
    %get3A_1251 = vector.shape_cast %get3A_1250 : vector<1x96x128xi32> to vector<96x128xi32>
    %shift_right_logical3A_1252 = arith.constant 16 : i32
    %shift_right_logical3A_1253 = vector.broadcast %shift_right_logical3A_1252 : i32 to vector<96x128xi32>
    %shift_right_logical3A_1254 = arith.shrui %get3A_1251, %shift_right_logical3A_1253 : vector<96x128xi32>
    %add3A_1255 = arith.addi %add3A_1237, %shift_right_logical3A_1254 : vector<96x128xi32>
    %get3A_1256 = arith.constant 46 : index
    %get3A_1257 = arith.constant 0 : index
    %get3A_1258 = arith.constant 0 : index
    %get3A_1259 = vector.load %arg0[%get3A_1256, %get3A_1257, %get3A_1258] : memref<64x96x128xi32, #tpu.memory_space<vmem>>, vector<1x96x128xi32>
    %get3A_1260 = vector.shape_cast %get3A_1259 : vector<1x96x128xi32> to vector<96x128xi32>
    %and3A_1261 = arith.constant 65535 : i32
    %and3A_1262 = vector.broadcast %and3A_1261 : i32 to vector<96x128xi32>
    %and3A_1263 = arith.andi %get3A_1260, %and3A_1262 : vector<96x128xi32>
    %add3A_1264 = arith.addi %add3A_1246, %and3A_1263 : vector<96x128xi32>
    %get3A_1265 = arith.constant 46 : index
    %get3A_1266 = arith.constant 0 : index
    %get3A_1267 = arith.constant 0 : index
    %get3A_1268 = vector.load %arg0[%get3A_1265, %get3A_1266, %get3A_1267] : memref<64x96x128xi32, #tpu.memory_space<vmem>>, vector<1x96x128xi32>
    %get3A_1269 = vector.shape_cast %get3A_1268 : vector<1x96x128xi32> to vector<96x128xi32>
    %shift_right_logical3A_1270 = arith.constant 16 : i32
    %shift_right_logical3A_1271 = vector.broadcast %shift_right_logical3A_1270 : i32 to vector<96x128xi32>
    %shift_right_logical3A_1272 = arith.shrui %get3A_1269, %shift_right_logical3A_1271 : vector<96x128xi32>
    %add3A_1273 = arith.addi %add3A_1255, %shift_right_logical3A_1272 : vector<96x128xi32>
    %get3A_1274 = arith.constant 47 : index
    %get3A_1275 = arith.constant 0 : index
    %get3A_1276 = arith.constant 0 : index
    %get3A_1277 = vector.load %arg0[%get3A_1274, %get3A_1275, %get3A_1276] : memref<64x96x128xi32, #tpu.memory_space<vmem>>, vector<1x96x128xi32>
    %get3A_1278 = vector.shape_cast %get3A_1277 : vector<1x96x128xi32> to vector<96x128xi32>
    %and3A_1279 = arith.constant 65535 : i32
    %and3A_1280 = vector.broadcast %and3A_1279 : i32 to vector<96x128xi32>
    %and3A_1281 = arith.andi %get3A_1278, %and3A_1280 : vector<96x128xi32>
    %add3A_1282 = arith.addi %add3A_1264, %and3A_1281 : vector<96x128xi32>
    %get3A_1283 = arith.constant 47 : index
    %get3A_1284 = arith.constant 0 : index
    %get3A_1285 = arith.constant 0 : index
    %get3A_1286 = vector.load %arg0[%get3A_1283, %get3A_1284, %get3A_1285] : memref<64x96x128xi32, #tpu.memory_space<vmem>>, vector<1x96x128xi32>
    %get3A_1287 = vector.shape_cast %get3A_1286 : vector<1x96x128xi32> to vector<96x128xi32>
    %shift_right_logical3A_1288 = arith.constant 16 : i32
    %shift_right_logical3A_1289 = vector.broadcast %shift_right_logical3A_1288 : i32 to vector<96x128xi32>
    %shift_right_logical3A_1290 = arith.shrui %get3A_1287, %shift_right_logical3A_1289 : vector<96x128xi32>
    %add3A_1291 = arith.addi %add3A_1273, %shift_right_logical3A_1290 : vector<96x128xi32>
    %convert_element_type3A_1292 = arith.sitofp %add3A_1282 : vector<96x128xi32> to vector<96x128xf32>
    %convert_element_type3A_1293 = arith.sitofp %add3A_1291 : vector<96x128xi32> to vector<96x128xf32>
    %reduce_sum3A_1294 = vector.shape_cast %convert_element_type3A_1293 : vector<96x128xf32> to vector<1x96x128xf32>
    %reduce_sum3A_1295 = arith.constant dense<0.000000e+00> : vector<1xf32>
    %reduce_sum3A_1296 = vector.multi_reduction <add>, %reduce_sum3A_1294, %reduce_sum3A_1295 [1, 2] : vector<1x96x128xf32> to vector<1xf32>
    %reduce_sum3A_1297 = vector.shape_cast %reduce_sum3A_1296 : vector<1xf32> to vector<1x1x1xf32>
    %reduce_sum3A_1298 = vector.extract %reduce_sum3A_1297[0, 0, 0] : f32 from vector<1x1x1xf32>
    %jit3A_1299 = arith.constant 0.000000e+00 : f32
    %broadcast_in_dim3A_1300 = vector.broadcast %jit3A_1299 : f32 to vector<96x128xf32>
    %select_n3A_1301 = arith.select %ge3A_4, %convert_element_type3A_1292, %broadcast_in_dim3A_1300 : vector<96x128xi1>, vector<96x128xf32>
    %jit3A_1302 = arith.constant 0.000000e+00 : f32
    %broadcast_in_dim3A_1303 = vector.broadcast %jit3A_1302 : f32 to vector<96x128xf32>
    %select_n3A_1304 = arith.select %ge3A_4, %convert_element_type3A_1293, %broadcast_in_dim3A_1303 : vector<96x128xi1>, vector<96x128xf32>
    %dot_general3A_1305 = arith.constant dense<0.000000e+00> : vector<96x128xf32>
    %dot_general3A_1306 = tpu.matmul %select_n3A_1301, %convert_element_type3A_15, %dot_general3A_1305 {dimension_numbers = #tpu.dot_dimension_numbers<[1], [0], [0], [1], [0, 0, 1, 1], [], []>, transpose_lhs_hint = false} : vector<96x128xf32>, vector<128x128xf32>, vector<96x128xf32> -> vector<96x128xf32>
    %dot_general3A_1307 = arith.constant dense<0.000000e+00> : vector<96x128xf32>
    %dot_general3A_1308 = tpu.matmul %select_n3A_1304, %convert_element_type3A_15, %dot_general3A_1307 {dimension_numbers = #tpu.dot_dimension_numbers<[1], [0], [0], [1], [0, 0, 1, 1], [], []>, transpose_lhs_hint = false} : vector<96x128xf32>, vector<128x128xf32>, vector<96x128xf32> -> vector<96x128xf32>
    %dot_general3A_1309 = arith.constant dense<0.000000e+00> : vector<96x128xf32>
    %dot_general3A_1310 = tpu.matmul %convert_element_type3A_19, %dot_general3A_1306, %dot_general3A_1309 {dimension_numbers = #tpu.dot_dimension_numbers<[1], [0], [0], [1], [0, 0, 1, 1], [], []>, transpose_lhs_hint = false} : vector<96x96xf32>, vector<96x128xf32>, vector<96x128xf32> -> vector<96x128xf32>
    %slice3A_1311 = vector.extract_strided_slice %dot_general3A_1310 {offsets = [0, 0], sizes = [96, 1], strides = [1, 1]} : vector<96x128xf32> to vector<96x1xf32>
    %add3A_1312 = vector.broadcast %slice3A_1311 : vector<96x1xf32> to vector<96x128xf32>
    %add3A_1313 = arith.addf %dot_general3A_1306, %add3A_1312 : vector<96x128xf32>
    %dot_general3A_1314 = arith.constant dense<0.000000e+00> : vector<96x128xf32>
    %dot_general3A_1315 = tpu.matmul %convert_element_type3A_19, %dot_general3A_1308, %dot_general3A_1314 {dimension_numbers = #tpu.dot_dimension_numbers<[1], [0], [0], [1], [0, 0, 1, 1], [], []>, transpose_lhs_hint = false} : vector<96x96xf32>, vector<96x128xf32>, vector<96x128xf32> -> vector<96x128xf32>
    %slice3A_1316 = vector.extract_strided_slice %dot_general3A_1315 {offsets = [0, 0], sizes = [96, 1], strides = [1, 1]} : vector<96x128xf32> to vector<96x1xf32>
    %add3A_1317 = vector.broadcast %slice3A_1316 : vector<96x1xf32> to vector<96x128xf32>
    %add3A_1318 = arith.addf %dot_general3A_1308, %add3A_1317 : vector<96x128xf32>
    %gt3A_1319 = arith.constant 5.000000e-01 : f32
    %gt3A_1320 = vector.broadcast %gt3A_1319 : f32 to vector<96x128xf32>
    %gt3A_1321 = arith.cmpf ogt, %add3A_1313, %gt3A_1320 : vector<96x128xf32>
    %add3A_1322 = vector.broadcast %reduce_sum3A_1298 : f32 to vector<96x128xf32>
    %add3A_1323 = arith.addf %add3A_1322, %add3A_1313 : vector<96x128xf32>
    %sub3A_1324 = arith.subf %add3A_1323, %add3A_1318 : vector<96x128xf32>
    %jit3A_1325 = arith.constant 1.000000e+00 : f32
    %broadcast_in_dim3A_1326 = vector.broadcast %jit3A_1325 : f32 to vector<96x128xf32>
    %select_n3A_1327 = arith.select %gt3A_1321, %sub3A_1324, %broadcast_in_dim3A_1326 : vector<96x128xi1>, vector<96x128xf32>
    %gt3A_1328 = arith.constant 5.000000e-01 : f32
    %gt3A_1329 = vector.broadcast %gt3A_1328 : f32 to vector<96x128xf32>
    %gt3A_1330 = arith.cmpf ogt, %add3A_1313, %gt3A_1329 : vector<96x128xf32>
    %sub3A_1331 = vector.broadcast %reduce_sum3A_1298 : f32 to vector<96x128xf32>
    %sub3A_1332 = arith.subf %sub3A_1331, %add3A_1318 : vector<96x128xf32>
    %div3A_1333 = arith.divf %sub3A_1332, %select_n3A_1327 : vector<96x128xf32>
    %sub3A_1334 = arith.constant 1.000000e+00 : f32
    %sub3A_1335 = vector.broadcast %sub3A_1334 : f32 to vector<96x128xf32>
    %sub3A_1336 = arith.subf %sub3A_1335, %div3A_1333 : vector<96x128xf32>
    %jit3A_1337 = arith.constant 0.000000e+00 : f32
    %broadcast_in_dim3A_1338 = vector.broadcast %jit3A_1337 : f32 to vector<96x128xf32>
    %select_n3A_1339 = arith.select %gt3A_1330, %sub3A_1336, %broadcast_in_dim3A_1338 : vector<96x128xi1>, vector<96x128xf32>
    %sub3A_1340 = arith.subf %add3A_1313, %select_n3A_1301 : vector<96x128xf32>
    %sub3A_1341 = arith.subf %add3A_1318, %select_n3A_1304 : vector<96x128xf32>
    %gt3A_1342 = arith.constant 5.000000e-01 : f32
    %gt3A_1343 = vector.broadcast %gt3A_1342 : f32 to vector<96x128xf32>
    %gt3A_1344 = arith.cmpf ogt, %sub3A_1340, %gt3A_1343 : vector<96x128xf32>
    %add3A_1345 = vector.broadcast %reduce_sum3A_1298 : f32 to vector<96x128xf32>
    %add3A_1346 = arith.addf %add3A_1345, %sub3A_1340 : vector<96x128xf32>
    %sub3A_1347 = arith.subf %add3A_1346, %sub3A_1341 : vector<96x128xf32>
    %jit3A_1348 = arith.constant 1.000000e+00 : f32
    %broadcast_in_dim3A_1349 = vector.broadcast %jit3A_1348 : f32 to vector<96x128xf32>
    %select_n3A_1350 = arith.select %gt3A_1344, %sub3A_1347, %broadcast_in_dim3A_1349 : vector<96x128xi1>, vector<96x128xf32>
    %gt3A_1351 = arith.constant 5.000000e-01 : f32
    %gt3A_1352 = vector.broadcast %gt3A_1351 : f32 to vector<96x128xf32>
    %gt3A_1353 = arith.cmpf ogt, %sub3A_1340, %gt3A_1352 : vector<96x128xf32>
    %sub3A_1354 = vector.broadcast %reduce_sum3A_1298 : f32 to vector<96x128xf32>
    %sub3A_1355 = arith.subf %sub3A_1354, %sub3A_1341 : vector<96x128xf32>
    %div3A_1356 = arith.divf %sub3A_1355, %select_n3A_1350 : vector<96x128xf32>
    %sub3A_1357 = arith.constant 1.000000e+00 : f32
    %sub3A_1358 = vector.broadcast %sub3A_1357 : f32 to vector<96x128xf32>
    %sub3A_1359 = arith.subf %sub3A_1358, %div3A_1356 : vector<96x128xf32>
    %jit3A_1360 = arith.constant 0.000000e+00 : f32
    %broadcast_in_dim3A_1361 = vector.broadcast %jit3A_1360 : f32 to vector<96x128xf32>
    %select_n3A_1362 = arith.select %gt3A_1353, %sub3A_1359, %broadcast_in_dim3A_1361 : vector<96x128xi1>, vector<96x128xf32>
    %gt3A_1363 = arith.constant 5.000000e-01 : f32
    %gt3A_1364 = vector.broadcast %gt3A_1363 : f32 to vector<96x128xf32>
    %gt3A_1365 = arith.cmpf ogt, %select_n3A_1301, %gt3A_1364 : vector<96x128xf32>
    %and3A_1366 = arith.andi %gt3A_1365, %ge3A_4 : vector<96x128xi1>
    %sub3A_1367 = arith.subf %select_n3A_1339, %select_n3A_1362 : vector<96x128xf32>
    %mul3A_1368 = arith.mulf %bitcast_convert_type3A, %sub3A_1367 : vector<96x128xf32>
    %jit3A_1369 = arith.constant 0.000000e+00 : f32
    %broadcast_in_dim3A_1370 = vector.broadcast %jit3A_1369 : f32 to vector<96x128xf32>
    %select_n3A_1371 = arith.select %and3A_1366, %mul3A_1368, %broadcast_in_dim3A_1370 : vector<96x128xi1>, vector<96x128xf32>
    %reduce_sum3A_1372 = vector.shape_cast %select_n3A_1371 : vector<96x128xf32> to vector<1x96x128xf32>
    %reduce_sum3A_1373 = arith.constant dense<0.000000e+00> : vector<1xf32>
    %reduce_sum3A_1374 = vector.multi_reduction <add>, %reduce_sum3A_1372, %reduce_sum3A_1373 [1, 2] : vector<1x96x128xf32> to vector<1xf32>
    %reduce_sum3A_1375 = vector.shape_cast %reduce_sum3A_1374 : vector<1xf32> to vector<1x1x1xf32>
    %reduce_sum3A_1376 = vector.extract %reduce_sum3A_1375[0, 0, 0] : f32 from vector<1x1x1xf32>
    %add3A_1377 = arith.addf %add3A_1149, %reduce_sum3A_1376 : f32
    %get3A_1378 = arith.constant 48 : index
    %get3A_1379 = arith.constant 0 : index
    %get3A_1380 = arith.constant 0 : index
    %get3A_1381 = vector.load %arg0[%get3A_1378, %get3A_1379, %get3A_1380] : memref<64x96x128xi32, #tpu.memory_space<vmem>>, vector<1x96x128xi32>
    %get3A_1382 = vector.shape_cast %get3A_1381 : vector<1x96x128xi32> to vector<96x128xi32>
    %and3A_1383 = arith.constant 65535 : i32
    %and3A_1384 = vector.broadcast %and3A_1383 : i32 to vector<96x128xi32>
    %and3A_1385 = arith.andi %get3A_1382, %and3A_1384 : vector<96x128xi32>
    %get3A_1386 = arith.constant 48 : index
    %get3A_1387 = arith.constant 0 : index
    %get3A_1388 = arith.constant 0 : index
    %get3A_1389 = vector.load %arg0[%get3A_1386, %get3A_1387, %get3A_1388] : memref<64x96x128xi32, #tpu.memory_space<vmem>>, vector<1x96x128xi32>
    %get3A_1390 = vector.shape_cast %get3A_1389 : vector<1x96x128xi32> to vector<96x128xi32>
    %shift_right_logical3A_1391 = arith.constant 16 : i32
    %shift_right_logical3A_1392 = vector.broadcast %shift_right_logical3A_1391 : i32 to vector<96x128xi32>
    %shift_right_logical3A_1393 = arith.shrui %get3A_1390, %shift_right_logical3A_1392 : vector<96x128xi32>
    %get3A_1394 = arith.constant 49 : index
    %get3A_1395 = arith.constant 0 : index
    %get3A_1396 = arith.constant 0 : index
    %get3A_1397 = vector.load %arg0[%get3A_1394, %get3A_1395, %get3A_1396] : memref<64x96x128xi32, #tpu.memory_space<vmem>>, vector<1x96x128xi32>
    %get3A_1398 = vector.shape_cast %get3A_1397 : vector<1x96x128xi32> to vector<96x128xi32>
    %and3A_1399 = arith.constant 65535 : i32
    %and3A_1400 = vector.broadcast %and3A_1399 : i32 to vector<96x128xi32>
    %and3A_1401 = arith.andi %get3A_1398, %and3A_1400 : vector<96x128xi32>
    %add3A_1402 = arith.addi %and3A_1385, %and3A_1401 : vector<96x128xi32>
    %get3A_1403 = arith.constant 49 : index
    %get3A_1404 = arith.constant 0 : index
    %get3A_1405 = arith.constant 0 : index
    %get3A_1406 = vector.load %arg0[%get3A_1403, %get3A_1404, %get3A_1405] : memref<64x96x128xi32, #tpu.memory_space<vmem>>, vector<1x96x128xi32>
    %get3A_1407 = vector.shape_cast %get3A_1406 : vector<1x96x128xi32> to vector<96x128xi32>
    %shift_right_logical3A_1408 = arith.constant 16 : i32
    %shift_right_logical3A_1409 = vector.broadcast %shift_right_logical3A_1408 : i32 to vector<96x128xi32>
    %shift_right_logical3A_1410 = arith.shrui %get3A_1407, %shift_right_logical3A_1409 : vector<96x128xi32>
    %add3A_1411 = arith.addi %shift_right_logical3A_1393, %shift_right_logical3A_1410 : vector<96x128xi32>
    %get3A_1412 = arith.constant 50 : index
    %get3A_1413 = arith.constant 0 : index
    %get3A_1414 = arith.constant 0 : index
    %get3A_1415 = vector.load %arg0[%get3A_1412, %get3A_1413, %get3A_1414] : memref<64x96x128xi32, #tpu.memory_space<vmem>>, vector<1x96x128xi32>
    %get3A_1416 = vector.shape_cast %get3A_1415 : vector<1x96x128xi32> to vector<96x128xi32>
    %and3A_1417 = arith.constant 65535 : i32
    %and3A_1418 = vector.broadcast %and3A_1417 : i32 to vector<96x128xi32>
    %and3A_1419 = arith.andi %get3A_1416, %and3A_1418 : vector<96x128xi32>
    %add3A_1420 = arith.addi %add3A_1402, %and3A_1419 : vector<96x128xi32>
    %get3A_1421 = arith.constant 50 : index
    %get3A_1422 = arith.constant 0 : index
    %get3A_1423 = arith.constant 0 : index
    %get3A_1424 = vector.load %arg0[%get3A_1421, %get3A_1422, %get3A_1423] : memref<64x96x128xi32, #tpu.memory_space<vmem>>, vector<1x96x128xi32>
    %get3A_1425 = vector.shape_cast %get3A_1424 : vector<1x96x128xi32> to vector<96x128xi32>
    %shift_right_logical3A_1426 = arith.constant 16 : i32
    %shift_right_logical3A_1427 = vector.broadcast %shift_right_logical3A_1426 : i32 to vector<96x128xi32>
    %shift_right_logical3A_1428 = arith.shrui %get3A_1425, %shift_right_logical3A_1427 : vector<96x128xi32>
    %add3A_1429 = arith.addi %add3A_1411, %shift_right_logical3A_1428 : vector<96x128xi32>
    %get3A_1430 = arith.constant 51 : index
    %get3A_1431 = arith.constant 0 : index
    %get3A_1432 = arith.constant 0 : index
    %get3A_1433 = vector.load %arg0[%get3A_1430, %get3A_1431, %get3A_1432] : memref<64x96x128xi32, #tpu.memory_space<vmem>>, vector<1x96x128xi32>
    %get3A_1434 = vector.shape_cast %get3A_1433 : vector<1x96x128xi32> to vector<96x128xi32>
    %and3A_1435 = arith.constant 65535 : i32
    %and3A_1436 = vector.broadcast %and3A_1435 : i32 to vector<96x128xi32>
    %and3A_1437 = arith.andi %get3A_1434, %and3A_1436 : vector<96x128xi32>
    %add3A_1438 = arith.addi %add3A_1420, %and3A_1437 : vector<96x128xi32>
    %get3A_1439 = arith.constant 51 : index
    %get3A_1440 = arith.constant 0 : index
    %get3A_1441 = arith.constant 0 : index
    %get3A_1442 = vector.load %arg0[%get3A_1439, %get3A_1440, %get3A_1441] : memref<64x96x128xi32, #tpu.memory_space<vmem>>, vector<1x96x128xi32>
    %get3A_1443 = vector.shape_cast %get3A_1442 : vector<1x96x128xi32> to vector<96x128xi32>
    %shift_right_logical3A_1444 = arith.constant 16 : i32
    %shift_right_logical3A_1445 = vector.broadcast %shift_right_logical3A_1444 : i32 to vector<96x128xi32>
    %shift_right_logical3A_1446 = arith.shrui %get3A_1443, %shift_right_logical3A_1445 : vector<96x128xi32>
    %add3A_1447 = arith.addi %add3A_1429, %shift_right_logical3A_1446 : vector<96x128xi32>
    %get3A_1448 = arith.constant 52 : index
    %get3A_1449 = arith.constant 0 : index
    %get3A_1450 = arith.constant 0 : index
    %get3A_1451 = vector.load %arg0[%get3A_1448, %get3A_1449, %get3A_1450] : memref<64x96x128xi32, #tpu.memory_space<vmem>>, vector<1x96x128xi32>
    %get3A_1452 = vector.shape_cast %get3A_1451 : vector<1x96x128xi32> to vector<96x128xi32>
    %and3A_1453 = arith.constant 65535 : i32
    %and3A_1454 = vector.broadcast %and3A_1453 : i32 to vector<96x128xi32>
    %and3A_1455 = arith.andi %get3A_1452, %and3A_1454 : vector<96x128xi32>
    %add3A_1456 = arith.addi %add3A_1438, %and3A_1455 : vector<96x128xi32>
    %get3A_1457 = arith.constant 52 : index
    %get3A_1458 = arith.constant 0 : index
    %get3A_1459 = arith.constant 0 : index
    %get3A_1460 = vector.load %arg0[%get3A_1457, %get3A_1458, %get3A_1459] : memref<64x96x128xi32, #tpu.memory_space<vmem>>, vector<1x96x128xi32>
    %get3A_1461 = vector.shape_cast %get3A_1460 : vector<1x96x128xi32> to vector<96x128xi32>
    %shift_right_logical3A_1462 = arith.constant 16 : i32
    %shift_right_logical3A_1463 = vector.broadcast %shift_right_logical3A_1462 : i32 to vector<96x128xi32>
    %shift_right_logical3A_1464 = arith.shrui %get3A_1461, %shift_right_logical3A_1463 : vector<96x128xi32>
    %add3A_1465 = arith.addi %add3A_1447, %shift_right_logical3A_1464 : vector<96x128xi32>
    %get3A_1466 = arith.constant 53 : index
    %get3A_1467 = arith.constant 0 : index
    %get3A_1468 = arith.constant 0 : index
    %get3A_1469 = vector.load %arg0[%get3A_1466, %get3A_1467, %get3A_1468] : memref<64x96x128xi32, #tpu.memory_space<vmem>>, vector<1x96x128xi32>
    %get3A_1470 = vector.shape_cast %get3A_1469 : vector<1x96x128xi32> to vector<96x128xi32>
    %and3A_1471 = arith.constant 65535 : i32
    %and3A_1472 = vector.broadcast %and3A_1471 : i32 to vector<96x128xi32>
    %and3A_1473 = arith.andi %get3A_1470, %and3A_1472 : vector<96x128xi32>
    %add3A_1474 = arith.addi %add3A_1456, %and3A_1473 : vector<96x128xi32>
    %get3A_1475 = arith.constant 53 : index
    %get3A_1476 = arith.constant 0 : index
    %get3A_1477 = arith.constant 0 : index
    %get3A_1478 = vector.load %arg0[%get3A_1475, %get3A_1476, %get3A_1477] : memref<64x96x128xi32, #tpu.memory_space<vmem>>, vector<1x96x128xi32>
    %get3A_1479 = vector.shape_cast %get3A_1478 : vector<1x96x128xi32> to vector<96x128xi32>
    %shift_right_logical3A_1480 = arith.constant 16 : i32
    %shift_right_logical3A_1481 = vector.broadcast %shift_right_logical3A_1480 : i32 to vector<96x128xi32>
    %shift_right_logical3A_1482 = arith.shrui %get3A_1479, %shift_right_logical3A_1481 : vector<96x128xi32>
    %add3A_1483 = arith.addi %add3A_1465, %shift_right_logical3A_1482 : vector<96x128xi32>
    %get3A_1484 = arith.constant 54 : index
    %get3A_1485 = arith.constant 0 : index
    %get3A_1486 = arith.constant 0 : index
    %get3A_1487 = vector.load %arg0[%get3A_1484, %get3A_1485, %get3A_1486] : memref<64x96x128xi32, #tpu.memory_space<vmem>>, vector<1x96x128xi32>
    %get3A_1488 = vector.shape_cast %get3A_1487 : vector<1x96x128xi32> to vector<96x128xi32>
    %and3A_1489 = arith.constant 65535 : i32
    %and3A_1490 = vector.broadcast %and3A_1489 : i32 to vector<96x128xi32>
    %and3A_1491 = arith.andi %get3A_1488, %and3A_1490 : vector<96x128xi32>
    %add3A_1492 = arith.addi %add3A_1474, %and3A_1491 : vector<96x128xi32>
    %get3A_1493 = arith.constant 54 : index
    %get3A_1494 = arith.constant 0 : index
    %get3A_1495 = arith.constant 0 : index
    %get3A_1496 = vector.load %arg0[%get3A_1493, %get3A_1494, %get3A_1495] : memref<64x96x128xi32, #tpu.memory_space<vmem>>, vector<1x96x128xi32>
    %get3A_1497 = vector.shape_cast %get3A_1496 : vector<1x96x128xi32> to vector<96x128xi32>
    %shift_right_logical3A_1498 = arith.constant 16 : i32
    %shift_right_logical3A_1499 = vector.broadcast %shift_right_logical3A_1498 : i32 to vector<96x128xi32>
    %shift_right_logical3A_1500 = arith.shrui %get3A_1497, %shift_right_logical3A_1499 : vector<96x128xi32>
    %add3A_1501 = arith.addi %add3A_1483, %shift_right_logical3A_1500 : vector<96x128xi32>
    %get3A_1502 = arith.constant 55 : index
    %get3A_1503 = arith.constant 0 : index
    %get3A_1504 = arith.constant 0 : index
    %get3A_1505 = vector.load %arg0[%get3A_1502, %get3A_1503, %get3A_1504] : memref<64x96x128xi32, #tpu.memory_space<vmem>>, vector<1x96x128xi32>
    %get3A_1506 = vector.shape_cast %get3A_1505 : vector<1x96x128xi32> to vector<96x128xi32>
    %and3A_1507 = arith.constant 65535 : i32
    %and3A_1508 = vector.broadcast %and3A_1507 : i32 to vector<96x128xi32>
    %and3A_1509 = arith.andi %get3A_1506, %and3A_1508 : vector<96x128xi32>
    %add3A_1510 = arith.addi %add3A_1492, %and3A_1509 : vector<96x128xi32>
    %get3A_1511 = arith.constant 55 : index
    %get3A_1512 = arith.constant 0 : index
    %get3A_1513 = arith.constant 0 : index
    %get3A_1514 = vector.load %arg0[%get3A_1511, %get3A_1512, %get3A_1513] : memref<64x96x128xi32, #tpu.memory_space<vmem>>, vector<1x96x128xi32>
    %get3A_1515 = vector.shape_cast %get3A_1514 : vector<1x96x128xi32> to vector<96x128xi32>
    %shift_right_logical3A_1516 = arith.constant 16 : i32
    %shift_right_logical3A_1517 = vector.broadcast %shift_right_logical3A_1516 : i32 to vector<96x128xi32>
    %shift_right_logical3A_1518 = arith.shrui %get3A_1515, %shift_right_logical3A_1517 : vector<96x128xi32>
    %add3A_1519 = arith.addi %add3A_1501, %shift_right_logical3A_1518 : vector<96x128xi32>
    %convert_element_type3A_1520 = arith.sitofp %add3A_1510 : vector<96x128xi32> to vector<96x128xf32>
    %convert_element_type3A_1521 = arith.sitofp %add3A_1519 : vector<96x128xi32> to vector<96x128xf32>
    %reduce_sum3A_1522 = vector.shape_cast %convert_element_type3A_1521 : vector<96x128xf32> to vector<1x96x128xf32>
    %reduce_sum3A_1523 = arith.constant dense<0.000000e+00> : vector<1xf32>
    %reduce_sum3A_1524 = vector.multi_reduction <add>, %reduce_sum3A_1522, %reduce_sum3A_1523 [1, 2] : vector<1x96x128xf32> to vector<1xf32>
    %reduce_sum3A_1525 = vector.shape_cast %reduce_sum3A_1524 : vector<1xf32> to vector<1x1x1xf32>
    %reduce_sum3A_1526 = vector.extract %reduce_sum3A_1525[0, 0, 0] : f32 from vector<1x1x1xf32>
    %jit3A_1527 = arith.constant 0.000000e+00 : f32
    %broadcast_in_dim3A_1528 = vector.broadcast %jit3A_1527 : f32 to vector<96x128xf32>
    %select_n3A_1529 = arith.select %ge3A_4, %convert_element_type3A_1520, %broadcast_in_dim3A_1528 : vector<96x128xi1>, vector<96x128xf32>
    %jit3A_1530 = arith.constant 0.000000e+00 : f32
    %broadcast_in_dim3A_1531 = vector.broadcast %jit3A_1530 : f32 to vector<96x128xf32>
    %select_n3A_1532 = arith.select %ge3A_4, %convert_element_type3A_1521, %broadcast_in_dim3A_1531 : vector<96x128xi1>, vector<96x128xf32>
    %dot_general3A_1533 = arith.constant dense<0.000000e+00> : vector<96x128xf32>
    %dot_general3A_1534 = tpu.matmul %select_n3A_1529, %convert_element_type3A_15, %dot_general3A_1533 {dimension_numbers = #tpu.dot_dimension_numbers<[1], [0], [0], [1], [0, 0, 1, 1], [], []>, transpose_lhs_hint = false} : vector<96x128xf32>, vector<128x128xf32>, vector<96x128xf32> -> vector<96x128xf32>
    %dot_general3A_1535 = arith.constant dense<0.000000e+00> : vector<96x128xf32>
    %dot_general3A_1536 = tpu.matmul %select_n3A_1532, %convert_element_type3A_15, %dot_general3A_1535 {dimension_numbers = #tpu.dot_dimension_numbers<[1], [0], [0], [1], [0, 0, 1, 1], [], []>, transpose_lhs_hint = false} : vector<96x128xf32>, vector<128x128xf32>, vector<96x128xf32> -> vector<96x128xf32>
    %dot_general3A_1537 = arith.constant dense<0.000000e+00> : vector<96x128xf32>
    %dot_general3A_1538 = tpu.matmul %convert_element_type3A_19, %dot_general3A_1534, %dot_general3A_1537 {dimension_numbers = #tpu.dot_dimension_numbers<[1], [0], [0], [1], [0, 0, 1, 1], [], []>, transpose_lhs_hint = false} : vector<96x96xf32>, vector<96x128xf32>, vector<96x128xf32> -> vector<96x128xf32>
    %slice3A_1539 = vector.extract_strided_slice %dot_general3A_1538 {offsets = [0, 0], sizes = [96, 1], strides = [1, 1]} : vector<96x128xf32> to vector<96x1xf32>
    %add3A_1540 = vector.broadcast %slice3A_1539 : vector<96x1xf32> to vector<96x128xf32>
    %add3A_1541 = arith.addf %dot_general3A_1534, %add3A_1540 : vector<96x128xf32>
    %dot_general3A_1542 = arith.constant dense<0.000000e+00> : vector<96x128xf32>
    %dot_general3A_1543 = tpu.matmul %convert_element_type3A_19, %dot_general3A_1536, %dot_general3A_1542 {dimension_numbers = #tpu.dot_dimension_numbers<[1], [0], [0], [1], [0, 0, 1, 1], [], []>, transpose_lhs_hint = false} : vector<96x96xf32>, vector<96x128xf32>, vector<96x128xf32> -> vector<96x128xf32>
    %slice3A_1544 = vector.extract_strided_slice %dot_general3A_1543 {offsets = [0, 0], sizes = [96, 1], strides = [1, 1]} : vector<96x128xf32> to vector<96x1xf32>
    %add3A_1545 = vector.broadcast %slice3A_1544 : vector<96x1xf32> to vector<96x128xf32>
    %add3A_1546 = arith.addf %dot_general3A_1536, %add3A_1545 : vector<96x128xf32>
    %gt3A_1547 = arith.constant 5.000000e-01 : f32
    %gt3A_1548 = vector.broadcast %gt3A_1547 : f32 to vector<96x128xf32>
    %gt3A_1549 = arith.cmpf ogt, %add3A_1541, %gt3A_1548 : vector<96x128xf32>
    %add3A_1550 = vector.broadcast %reduce_sum3A_1526 : f32 to vector<96x128xf32>
    %add3A_1551 = arith.addf %add3A_1550, %add3A_1541 : vector<96x128xf32>
    %sub3A_1552 = arith.subf %add3A_1551, %add3A_1546 : vector<96x128xf32>
    %jit3A_1553 = arith.constant 1.000000e+00 : f32
    %broadcast_in_dim3A_1554 = vector.broadcast %jit3A_1553 : f32 to vector<96x128xf32>
    %select_n3A_1555 = arith.select %gt3A_1549, %sub3A_1552, %broadcast_in_dim3A_1554 : vector<96x128xi1>, vector<96x128xf32>
    %gt3A_1556 = arith.constant 5.000000e-01 : f32
    %gt3A_1557 = vector.broadcast %gt3A_1556 : f32 to vector<96x128xf32>
    %gt3A_1558 = arith.cmpf ogt, %add3A_1541, %gt3A_1557 : vector<96x128xf32>
    %sub3A_1559 = vector.broadcast %reduce_sum3A_1526 : f32 to vector<96x128xf32>
    %sub3A_1560 = arith.subf %sub3A_1559, %add3A_1546 : vector<96x128xf32>
    %div3A_1561 = arith.divf %sub3A_1560, %select_n3A_1555 : vector<96x128xf32>
    %sub3A_1562 = arith.constant 1.000000e+00 : f32
    %sub3A_1563 = vector.broadcast %sub3A_1562 : f32 to vector<96x128xf32>
    %sub3A_1564 = arith.subf %sub3A_1563, %div3A_1561 : vector<96x128xf32>
    %jit3A_1565 = arith.constant 0.000000e+00 : f32
    %broadcast_in_dim3A_1566 = vector.broadcast %jit3A_1565 : f32 to vector<96x128xf32>
    %select_n3A_1567 = arith.select %gt3A_1558, %sub3A_1564, %broadcast_in_dim3A_1566 : vector<96x128xi1>, vector<96x128xf32>
    %sub3A_1568 = arith.subf %add3A_1541, %select_n3A_1529 : vector<96x128xf32>
    %sub3A_1569 = arith.subf %add3A_1546, %select_n3A_1532 : vector<96x128xf32>
    %gt3A_1570 = arith.constant 5.000000e-01 : f32
    %gt3A_1571 = vector.broadcast %gt3A_1570 : f32 to vector<96x128xf32>
    %gt3A_1572 = arith.cmpf ogt, %sub3A_1568, %gt3A_1571 : vector<96x128xf32>
    %add3A_1573 = vector.broadcast %reduce_sum3A_1526 : f32 to vector<96x128xf32>
    %add3A_1574 = arith.addf %add3A_1573, %sub3A_1568 : vector<96x128xf32>
    %sub3A_1575 = arith.subf %add3A_1574, %sub3A_1569 : vector<96x128xf32>
    %jit3A_1576 = arith.constant 1.000000e+00 : f32
    %broadcast_in_dim3A_1577 = vector.broadcast %jit3A_1576 : f32 to vector<96x128xf32>
    %select_n3A_1578 = arith.select %gt3A_1572, %sub3A_1575, %broadcast_in_dim3A_1577 : vector<96x128xi1>, vector<96x128xf32>
    %gt3A_1579 = arith.constant 5.000000e-01 : f32
    %gt3A_1580 = vector.broadcast %gt3A_1579 : f32 to vector<96x128xf32>
    %gt3A_1581 = arith.cmpf ogt, %sub3A_1568, %gt3A_1580 : vector<96x128xf32>
    %sub3A_1582 = vector.broadcast %reduce_sum3A_1526 : f32 to vector<96x128xf32>
    %sub3A_1583 = arith.subf %sub3A_1582, %sub3A_1569 : vector<96x128xf32>
    %div3A_1584 = arith.divf %sub3A_1583, %select_n3A_1578 : vector<96x128xf32>
    %sub3A_1585 = arith.constant 1.000000e+00 : f32
    %sub3A_1586 = vector.broadcast %sub3A_1585 : f32 to vector<96x128xf32>
    %sub3A_1587 = arith.subf %sub3A_1586, %div3A_1584 : vector<96x128xf32>
    %jit3A_1588 = arith.constant 0.000000e+00 : f32
    %broadcast_in_dim3A_1589 = vector.broadcast %jit3A_1588 : f32 to vector<96x128xf32>
    %select_n3A_1590 = arith.select %gt3A_1581, %sub3A_1587, %broadcast_in_dim3A_1589 : vector<96x128xi1>, vector<96x128xf32>
    %gt3A_1591 = arith.constant 5.000000e-01 : f32
    %gt3A_1592 = vector.broadcast %gt3A_1591 : f32 to vector<96x128xf32>
    %gt3A_1593 = arith.cmpf ogt, %select_n3A_1529, %gt3A_1592 : vector<96x128xf32>
    %and3A_1594 = arith.andi %gt3A_1593, %ge3A_4 : vector<96x128xi1>
    %sub3A_1595 = arith.subf %select_n3A_1567, %select_n3A_1590 : vector<96x128xf32>
    %mul3A_1596 = arith.mulf %bitcast_convert_type3A, %sub3A_1595 : vector<96x128xf32>
    %jit3A_1597 = arith.constant 0.000000e+00 : f32
    %broadcast_in_dim3A_1598 = vector.broadcast %jit3A_1597 : f32 to vector<96x128xf32>
    %select_n3A_1599 = arith.select %and3A_1594, %mul3A_1596, %broadcast_in_dim3A_1598 : vector<96x128xi1>, vector<96x128xf32>
    %reduce_sum3A_1600 = vector.shape_cast %select_n3A_1599 : vector<96x128xf32> to vector<1x96x128xf32>
    %reduce_sum3A_1601 = arith.constant dense<0.000000e+00> : vector<1xf32>
    %reduce_sum3A_1602 = vector.multi_reduction <add>, %reduce_sum3A_1600, %reduce_sum3A_1601 [1, 2] : vector<1x96x128xf32> to vector<1xf32>
    %reduce_sum3A_1603 = vector.shape_cast %reduce_sum3A_1602 : vector<1xf32> to vector<1x1x1xf32>
    %reduce_sum3A_1604 = vector.extract %reduce_sum3A_1603[0, 0, 0] : f32 from vector<1x1x1xf32>
    %add3A_1605 = arith.addf %add3A_1377, %reduce_sum3A_1604 : f32
    %get3A_1606 = arith.constant 56 : index
    %get3A_1607 = arith.constant 0 : index
    %get3A_1608 = arith.constant 0 : index
    %get3A_1609 = vector.load %arg0[%get3A_1606, %get3A_1607, %get3A_1608] : memref<64x96x128xi32, #tpu.memory_space<vmem>>, vector<1x96x128xi32>
    %get3A_1610 = vector.shape_cast %get3A_1609 : vector<1x96x128xi32> to vector<96x128xi32>
    %and3A_1611 = arith.constant 65535 : i32
    %and3A_1612 = vector.broadcast %and3A_1611 : i32 to vector<96x128xi32>
    %and3A_1613 = arith.andi %get3A_1610, %and3A_1612 : vector<96x128xi32>
    %get3A_1614 = arith.constant 56 : index
    %get3A_1615 = arith.constant 0 : index
    %get3A_1616 = arith.constant 0 : index
    %get3A_1617 = vector.load %arg0[%get3A_1614, %get3A_1615, %get3A_1616] : memref<64x96x128xi32, #tpu.memory_space<vmem>>, vector<1x96x128xi32>
    %get3A_1618 = vector.shape_cast %get3A_1617 : vector<1x96x128xi32> to vector<96x128xi32>
    %shift_right_logical3A_1619 = arith.constant 16 : i32
    %shift_right_logical3A_1620 = vector.broadcast %shift_right_logical3A_1619 : i32 to vector<96x128xi32>
    %shift_right_logical3A_1621 = arith.shrui %get3A_1618, %shift_right_logical3A_1620 : vector<96x128xi32>
    %get3A_1622 = arith.constant 57 : index
    %get3A_1623 = arith.constant 0 : index
    %get3A_1624 = arith.constant 0 : index
    %get3A_1625 = vector.load %arg0[%get3A_1622, %get3A_1623, %get3A_1624] : memref<64x96x128xi32, #tpu.memory_space<vmem>>, vector<1x96x128xi32>
    %get3A_1626 = vector.shape_cast %get3A_1625 : vector<1x96x128xi32> to vector<96x128xi32>
    %and3A_1627 = arith.constant 65535 : i32
    %and3A_1628 = vector.broadcast %and3A_1627 : i32 to vector<96x128xi32>
    %and3A_1629 = arith.andi %get3A_1626, %and3A_1628 : vector<96x128xi32>
    %add3A_1630 = arith.addi %and3A_1613, %and3A_1629 : vector<96x128xi32>
    %get3A_1631 = arith.constant 57 : index
    %get3A_1632 = arith.constant 0 : index
    %get3A_1633 = arith.constant 0 : index
    %get3A_1634 = vector.load %arg0[%get3A_1631, %get3A_1632, %get3A_1633] : memref<64x96x128xi32, #tpu.memory_space<vmem>>, vector<1x96x128xi32>
    %get3A_1635 = vector.shape_cast %get3A_1634 : vector<1x96x128xi32> to vector<96x128xi32>
    %shift_right_logical3A_1636 = arith.constant 16 : i32
    %shift_right_logical3A_1637 = vector.broadcast %shift_right_logical3A_1636 : i32 to vector<96x128xi32>
    %shift_right_logical3A_1638 = arith.shrui %get3A_1635, %shift_right_logical3A_1637 : vector<96x128xi32>
    %add3A_1639 = arith.addi %shift_right_logical3A_1621, %shift_right_logical3A_1638 : vector<96x128xi32>
    %get3A_1640 = arith.constant 58 : index
    %get3A_1641 = arith.constant 0 : index
    %get3A_1642 = arith.constant 0 : index
    %get3A_1643 = vector.load %arg0[%get3A_1640, %get3A_1641, %get3A_1642] : memref<64x96x128xi32, #tpu.memory_space<vmem>>, vector<1x96x128xi32>
    %get3A_1644 = vector.shape_cast %get3A_1643 : vector<1x96x128xi32> to vector<96x128xi32>
    %and3A_1645 = arith.constant 65535 : i32
    %and3A_1646 = vector.broadcast %and3A_1645 : i32 to vector<96x128xi32>
    %and3A_1647 = arith.andi %get3A_1644, %and3A_1646 : vector<96x128xi32>
    %add3A_1648 = arith.addi %add3A_1630, %and3A_1647 : vector<96x128xi32>
    %get3A_1649 = arith.constant 58 : index
    %get3A_1650 = arith.constant 0 : index
    %get3A_1651 = arith.constant 0 : index
    %get3A_1652 = vector.load %arg0[%get3A_1649, %get3A_1650, %get3A_1651] : memref<64x96x128xi32, #tpu.memory_space<vmem>>, vector<1x96x128xi32>
    %get3A_1653 = vector.shape_cast %get3A_1652 : vector<1x96x128xi32> to vector<96x128xi32>
    %shift_right_logical3A_1654 = arith.constant 16 : i32
    %shift_right_logical3A_1655 = vector.broadcast %shift_right_logical3A_1654 : i32 to vector<96x128xi32>
    %shift_right_logical3A_1656 = arith.shrui %get3A_1653, %shift_right_logical3A_1655 : vector<96x128xi32>
    %add3A_1657 = arith.addi %add3A_1639, %shift_right_logical3A_1656 : vector<96x128xi32>
    %get3A_1658 = arith.constant 59 : index
    %get3A_1659 = arith.constant 0 : index
    %get3A_1660 = arith.constant 0 : index
    %get3A_1661 = vector.load %arg0[%get3A_1658, %get3A_1659, %get3A_1660] : memref<64x96x128xi32, #tpu.memory_space<vmem>>, vector<1x96x128xi32>
    %get3A_1662 = vector.shape_cast %get3A_1661 : vector<1x96x128xi32> to vector<96x128xi32>
    %and3A_1663 = arith.constant 65535 : i32
    %and3A_1664 = vector.broadcast %and3A_1663 : i32 to vector<96x128xi32>
    %and3A_1665 = arith.andi %get3A_1662, %and3A_1664 : vector<96x128xi32>
    %add3A_1666 = arith.addi %add3A_1648, %and3A_1665 : vector<96x128xi32>
    %get3A_1667 = arith.constant 59 : index
    %get3A_1668 = arith.constant 0 : index
    %get3A_1669 = arith.constant 0 : index
    %get3A_1670 = vector.load %arg0[%get3A_1667, %get3A_1668, %get3A_1669] : memref<64x96x128xi32, #tpu.memory_space<vmem>>, vector<1x96x128xi32>
    %get3A_1671 = vector.shape_cast %get3A_1670 : vector<1x96x128xi32> to vector<96x128xi32>
    %shift_right_logical3A_1672 = arith.constant 16 : i32
    %shift_right_logical3A_1673 = vector.broadcast %shift_right_logical3A_1672 : i32 to vector<96x128xi32>
    %shift_right_logical3A_1674 = arith.shrui %get3A_1671, %shift_right_logical3A_1673 : vector<96x128xi32>
    %add3A_1675 = arith.addi %add3A_1657, %shift_right_logical3A_1674 : vector<96x128xi32>
    %get3A_1676 = arith.constant 60 : index
    %get3A_1677 = arith.constant 0 : index
    %get3A_1678 = arith.constant 0 : index
    %get3A_1679 = vector.load %arg0[%get3A_1676, %get3A_1677, %get3A_1678] : memref<64x96x128xi32, #tpu.memory_space<vmem>>, vector<1x96x128xi32>
    %get3A_1680 = vector.shape_cast %get3A_1679 : vector<1x96x128xi32> to vector<96x128xi32>
    %and3A_1681 = arith.constant 65535 : i32
    %and3A_1682 = vector.broadcast %and3A_1681 : i32 to vector<96x128xi32>
    %and3A_1683 = arith.andi %get3A_1680, %and3A_1682 : vector<96x128xi32>
    %add3A_1684 = arith.addi %add3A_1666, %and3A_1683 : vector<96x128xi32>
    %get3A_1685 = arith.constant 60 : index
    %get3A_1686 = arith.constant 0 : index
    %get3A_1687 = arith.constant 0 : index
    %get3A_1688 = vector.load %arg0[%get3A_1685, %get3A_1686, %get3A_1687] : memref<64x96x128xi32, #tpu.memory_space<vmem>>, vector<1x96x128xi32>
    %get3A_1689 = vector.shape_cast %get3A_1688 : vector<1x96x128xi32> to vector<96x128xi32>
    %shift_right_logical3A_1690 = arith.constant 16 : i32
    %shift_right_logical3A_1691 = vector.broadcast %shift_right_logical3A_1690 : i32 to vector<96x128xi32>
    %shift_right_logical3A_1692 = arith.shrui %get3A_1689, %shift_right_logical3A_1691 : vector<96x128xi32>
    %add3A_1693 = arith.addi %add3A_1675, %shift_right_logical3A_1692 : vector<96x128xi32>
    %get3A_1694 = arith.constant 61 : index
    %get3A_1695 = arith.constant 0 : index
    %get3A_1696 = arith.constant 0 : index
    %get3A_1697 = vector.load %arg0[%get3A_1694, %get3A_1695, %get3A_1696] : memref<64x96x128xi32, #tpu.memory_space<vmem>>, vector<1x96x128xi32>
    %get3A_1698 = vector.shape_cast %get3A_1697 : vector<1x96x128xi32> to vector<96x128xi32>
    %and3A_1699 = arith.constant 65535 : i32
    %and3A_1700 = vector.broadcast %and3A_1699 : i32 to vector<96x128xi32>
    %and3A_1701 = arith.andi %get3A_1698, %and3A_1700 : vector<96x128xi32>
    %add3A_1702 = arith.addi %add3A_1684, %and3A_1701 : vector<96x128xi32>
    %get3A_1703 = arith.constant 61 : index
    %get3A_1704 = arith.constant 0 : index
    %get3A_1705 = arith.constant 0 : index
    %get3A_1706 = vector.load %arg0[%get3A_1703, %get3A_1704, %get3A_1705] : memref<64x96x128xi32, #tpu.memory_space<vmem>>, vector<1x96x128xi32>
    %get3A_1707 = vector.shape_cast %get3A_1706 : vector<1x96x128xi32> to vector<96x128xi32>
    %shift_right_logical3A_1708 = arith.constant 16 : i32
    %shift_right_logical3A_1709 = vector.broadcast %shift_right_logical3A_1708 : i32 to vector<96x128xi32>
    %shift_right_logical3A_1710 = arith.shrui %get3A_1707, %shift_right_logical3A_1709 : vector<96x128xi32>
    %add3A_1711 = arith.addi %add3A_1693, %shift_right_logical3A_1710 : vector<96x128xi32>
    %get3A_1712 = arith.constant 62 : index
    %get3A_1713 = arith.constant 0 : index
    %get3A_1714 = arith.constant 0 : index
    %get3A_1715 = vector.load %arg0[%get3A_1712, %get3A_1713, %get3A_1714] : memref<64x96x128xi32, #tpu.memory_space<vmem>>, vector<1x96x128xi32>
    %get3A_1716 = vector.shape_cast %get3A_1715 : vector<1x96x128xi32> to vector<96x128xi32>
    %and3A_1717 = arith.constant 65535 : i32
    %and3A_1718 = vector.broadcast %and3A_1717 : i32 to vector<96x128xi32>
    %and3A_1719 = arith.andi %get3A_1716, %and3A_1718 : vector<96x128xi32>
    %add3A_1720 = arith.addi %add3A_1702, %and3A_1719 : vector<96x128xi32>
    %get3A_1721 = arith.constant 62 : index
    %get3A_1722 = arith.constant 0 : index
    %get3A_1723 = arith.constant 0 : index
    %get3A_1724 = vector.load %arg0[%get3A_1721, %get3A_1722, %get3A_1723] : memref<64x96x128xi32, #tpu.memory_space<vmem>>, vector<1x96x128xi32>
    %get3A_1725 = vector.shape_cast %get3A_1724 : vector<1x96x128xi32> to vector<96x128xi32>
    %shift_right_logical3A_1726 = arith.constant 16 : i32
    %shift_right_logical3A_1727 = vector.broadcast %shift_right_logical3A_1726 : i32 to vector<96x128xi32>
    %shift_right_logical3A_1728 = arith.shrui %get3A_1725, %shift_right_logical3A_1727 : vector<96x128xi32>
    %add3A_1729 = arith.addi %add3A_1711, %shift_right_logical3A_1728 : vector<96x128xi32>
    %get3A_1730 = arith.constant 63 : index
    %get3A_1731 = arith.constant 0 : index
    %get3A_1732 = arith.constant 0 : index
    %get3A_1733 = vector.load %arg0[%get3A_1730, %get3A_1731, %get3A_1732] : memref<64x96x128xi32, #tpu.memory_space<vmem>>, vector<1x96x128xi32>
    %get3A_1734 = vector.shape_cast %get3A_1733 : vector<1x96x128xi32> to vector<96x128xi32>
    %and3A_1735 = arith.constant 65535 : i32
    %and3A_1736 = vector.broadcast %and3A_1735 : i32 to vector<96x128xi32>
    %and3A_1737 = arith.andi %get3A_1734, %and3A_1736 : vector<96x128xi32>
    %add3A_1738 = arith.addi %add3A_1720, %and3A_1737 : vector<96x128xi32>
    %get3A_1739 = arith.constant 63 : index
    %get3A_1740 = arith.constant 0 : index
    %get3A_1741 = arith.constant 0 : index
    %get3A_1742 = vector.load %arg0[%get3A_1739, %get3A_1740, %get3A_1741] : memref<64x96x128xi32, #tpu.memory_space<vmem>>, vector<1x96x128xi32>
    %get3A_1743 = vector.shape_cast %get3A_1742 : vector<1x96x128xi32> to vector<96x128xi32>
    %shift_right_logical3A_1744 = arith.constant 16 : i32
    %shift_right_logical3A_1745 = vector.broadcast %shift_right_logical3A_1744 : i32 to vector<96x128xi32>
    %shift_right_logical3A_1746 = arith.shrui %get3A_1743, %shift_right_logical3A_1745 : vector<96x128xi32>
    %add3A_1747 = arith.addi %add3A_1729, %shift_right_logical3A_1746 : vector<96x128xi32>
    %convert_element_type3A_1748 = arith.sitofp %add3A_1738 : vector<96x128xi32> to vector<96x128xf32>
    %convert_element_type3A_1749 = arith.sitofp %add3A_1747 : vector<96x128xi32> to vector<96x128xf32>
    %reduce_sum3A_1750 = vector.shape_cast %convert_element_type3A_1749 : vector<96x128xf32> to vector<1x96x128xf32>
    %reduce_sum3A_1751 = arith.constant dense<0.000000e+00> : vector<1xf32>
    %reduce_sum3A_1752 = vector.multi_reduction <add>, %reduce_sum3A_1750, %reduce_sum3A_1751 [1, 2] : vector<1x96x128xf32> to vector<1xf32>
    %reduce_sum3A_1753 = vector.shape_cast %reduce_sum3A_1752 : vector<1xf32> to vector<1x1x1xf32>
    %reduce_sum3A_1754 = vector.extract %reduce_sum3A_1753[0, 0, 0] : f32 from vector<1x1x1xf32>
    %jit3A_1755 = arith.constant 0.000000e+00 : f32
    %broadcast_in_dim3A_1756 = vector.broadcast %jit3A_1755 : f32 to vector<96x128xf32>
    %select_n3A_1757 = arith.select %ge3A_4, %convert_element_type3A_1748, %broadcast_in_dim3A_1756 : vector<96x128xi1>, vector<96x128xf32>
    %jit3A_1758 = arith.constant 0.000000e+00 : f32
    %broadcast_in_dim3A_1759 = vector.broadcast %jit3A_1758 : f32 to vector<96x128xf32>
    %select_n3A_1760 = arith.select %ge3A_4, %convert_element_type3A_1749, %broadcast_in_dim3A_1759 : vector<96x128xi1>, vector<96x128xf32>
    %dot_general3A_1761 = arith.constant dense<0.000000e+00> : vector<96x128xf32>
    %dot_general3A_1762 = tpu.matmul %select_n3A_1757, %convert_element_type3A_15, %dot_general3A_1761 {dimension_numbers = #tpu.dot_dimension_numbers<[1], [0], [0], [1], [0, 0, 1, 1], [], []>, transpose_lhs_hint = false} : vector<96x128xf32>, vector<128x128xf32>, vector<96x128xf32> -> vector<96x128xf32>
    %dot_general3A_1763 = arith.constant dense<0.000000e+00> : vector<96x128xf32>
    %dot_general3A_1764 = tpu.matmul %select_n3A_1760, %convert_element_type3A_15, %dot_general3A_1763 {dimension_numbers = #tpu.dot_dimension_numbers<[1], [0], [0], [1], [0, 0, 1, 1], [], []>, transpose_lhs_hint = false} : vector<96x128xf32>, vector<128x128xf32>, vector<96x128xf32> -> vector<96x128xf32>
    %dot_general3A_1765 = arith.constant dense<0.000000e+00> : vector<96x128xf32>
    %dot_general3A_1766 = tpu.matmul %convert_element_type3A_19, %dot_general3A_1762, %dot_general3A_1765 {dimension_numbers = #tpu.dot_dimension_numbers<[1], [0], [0], [1], [0, 0, 1, 1], [], []>, transpose_lhs_hint = false} : vector<96x96xf32>, vector<96x128xf32>, vector<96x128xf32> -> vector<96x128xf32>
    %slice3A_1767 = vector.extract_strided_slice %dot_general3A_1766 {offsets = [0, 0], sizes = [96, 1], strides = [1, 1]} : vector<96x128xf32> to vector<96x1xf32>
    %add3A_1768 = vector.broadcast %slice3A_1767 : vector<96x1xf32> to vector<96x128xf32>
    %add3A_1769 = arith.addf %dot_general3A_1762, %add3A_1768 : vector<96x128xf32>
    %dot_general3A_1770 = arith.constant dense<0.000000e+00> : vector<96x128xf32>
    %dot_general3A_1771 = tpu.matmul %convert_element_type3A_19, %dot_general3A_1764, %dot_general3A_1770 {dimension_numbers = #tpu.dot_dimension_numbers<[1], [0], [0], [1], [0, 0, 1, 1], [], []>, transpose_lhs_hint = false} : vector<96x96xf32>, vector<96x128xf32>, vector<96x128xf32> -> vector<96x128xf32>
    %slice3A_1772 = vector.extract_strided_slice %dot_general3A_1771 {offsets = [0, 0], sizes = [96, 1], strides = [1, 1]} : vector<96x128xf32> to vector<96x1xf32>
    %add3A_1773 = vector.broadcast %slice3A_1772 : vector<96x1xf32> to vector<96x128xf32>
    %add3A_1774 = arith.addf %dot_general3A_1764, %add3A_1773 : vector<96x128xf32>
    %gt3A_1775 = arith.constant 5.000000e-01 : f32
    %gt3A_1776 = vector.broadcast %gt3A_1775 : f32 to vector<96x128xf32>
    %gt3A_1777 = arith.cmpf ogt, %add3A_1769, %gt3A_1776 : vector<96x128xf32>
    %add3A_1778 = vector.broadcast %reduce_sum3A_1754 : f32 to vector<96x128xf32>
    %add3A_1779 = arith.addf %add3A_1778, %add3A_1769 : vector<96x128xf32>
    %sub3A_1780 = arith.subf %add3A_1779, %add3A_1774 : vector<96x128xf32>
    %jit3A_1781 = arith.constant 1.000000e+00 : f32
    %broadcast_in_dim3A_1782 = vector.broadcast %jit3A_1781 : f32 to vector<96x128xf32>
    %select_n3A_1783 = arith.select %gt3A_1777, %sub3A_1780, %broadcast_in_dim3A_1782 : vector<96x128xi1>, vector<96x128xf32>
    %gt3A_1784 = arith.constant 5.000000e-01 : f32
    %gt3A_1785 = vector.broadcast %gt3A_1784 : f32 to vector<96x128xf32>
    %gt3A_1786 = arith.cmpf ogt, %add3A_1769, %gt3A_1785 : vector<96x128xf32>
    %sub3A_1787 = vector.broadcast %reduce_sum3A_1754 : f32 to vector<96x128xf32>
    %sub3A_1788 = arith.subf %sub3A_1787, %add3A_1774 : vector<96x128xf32>
    %div3A_1789 = arith.divf %sub3A_1788, %select_n3A_1783 : vector<96x128xf32>
    %sub3A_1790 = arith.constant 1.000000e+00 : f32
    %sub3A_1791 = vector.broadcast %sub3A_1790 : f32 to vector<96x128xf32>
    %sub3A_1792 = arith.subf %sub3A_1791, %div3A_1789 : vector<96x128xf32>
    %jit3A_1793 = arith.constant 0.000000e+00 : f32
    %broadcast_in_dim3A_1794 = vector.broadcast %jit3A_1793 : f32 to vector<96x128xf32>
    %select_n3A_1795 = arith.select %gt3A_1786, %sub3A_1792, %broadcast_in_dim3A_1794 : vector<96x128xi1>, vector<96x128xf32>
    %sub3A_1796 = arith.subf %add3A_1769, %select_n3A_1757 : vector<96x128xf32>
    %sub3A_1797 = arith.subf %add3A_1774, %select_n3A_1760 : vector<96x128xf32>
    %gt3A_1798 = arith.constant 5.000000e-01 : f32
    %gt3A_1799 = vector.broadcast %gt3A_1798 : f32 to vector<96x128xf32>
    %gt3A_1800 = arith.cmpf ogt, %sub3A_1796, %gt3A_1799 : vector<96x128xf32>
    %add3A_1801 = vector.broadcast %reduce_sum3A_1754 : f32 to vector<96x128xf32>
    %add3A_1802 = arith.addf %add3A_1801, %sub3A_1796 : vector<96x128xf32>
    %sub3A_1803 = arith.subf %add3A_1802, %sub3A_1797 : vector<96x128xf32>
    %jit3A_1804 = arith.constant 1.000000e+00 : f32
    %broadcast_in_dim3A_1805 = vector.broadcast %jit3A_1804 : f32 to vector<96x128xf32>
    %select_n3A_1806 = arith.select %gt3A_1800, %sub3A_1803, %broadcast_in_dim3A_1805 : vector<96x128xi1>, vector<96x128xf32>
    %gt3A_1807 = arith.constant 5.000000e-01 : f32
    %gt3A_1808 = vector.broadcast %gt3A_1807 : f32 to vector<96x128xf32>
    %gt3A_1809 = arith.cmpf ogt, %sub3A_1796, %gt3A_1808 : vector<96x128xf32>
    %sub3A_1810 = vector.broadcast %reduce_sum3A_1754 : f32 to vector<96x128xf32>
    %sub3A_1811 = arith.subf %sub3A_1810, %sub3A_1797 : vector<96x128xf32>
    %div3A_1812 = arith.divf %sub3A_1811, %select_n3A_1806 : vector<96x128xf32>
    %sub3A_1813 = arith.constant 1.000000e+00 : f32
    %sub3A_1814 = vector.broadcast %sub3A_1813 : f32 to vector<96x128xf32>
    %sub3A_1815 = arith.subf %sub3A_1814, %div3A_1812 : vector<96x128xf32>
    %jit3A_1816 = arith.constant 0.000000e+00 : f32
    %broadcast_in_dim3A_1817 = vector.broadcast %jit3A_1816 : f32 to vector<96x128xf32>
    %select_n3A_1818 = arith.select %gt3A_1809, %sub3A_1815, %broadcast_in_dim3A_1817 : vector<96x128xi1>, vector<96x128xf32>
    %gt3A_1819 = arith.constant 5.000000e-01 : f32
    %gt3A_1820 = vector.broadcast %gt3A_1819 : f32 to vector<96x128xf32>
    %gt3A_1821 = arith.cmpf ogt, %select_n3A_1757, %gt3A_1820 : vector<96x128xf32>
    %and3A_1822 = arith.andi %gt3A_1821, %ge3A_4 : vector<96x128xi1>
    %sub3A_1823 = arith.subf %select_n3A_1795, %select_n3A_1818 : vector<96x128xf32>
    %mul3A_1824 = arith.mulf %bitcast_convert_type3A, %sub3A_1823 : vector<96x128xf32>
    %jit3A_1825 = arith.constant 0.000000e+00 : f32
    %broadcast_in_dim3A_1826 = vector.broadcast %jit3A_1825 : f32 to vector<96x128xf32>
    %select_n3A_1827 = arith.select %and3A_1822, %mul3A_1824, %broadcast_in_dim3A_1826 : vector<96x128xi1>, vector<96x128xf32>
    %reduce_sum3A_1828 = vector.shape_cast %select_n3A_1827 : vector<96x128xf32> to vector<1x96x128xf32>
    %reduce_sum3A_1829 = arith.constant dense<0.000000e+00> : vector<1xf32>
    %reduce_sum3A_1830 = vector.multi_reduction <add>, %reduce_sum3A_1828, %reduce_sum3A_1829 [1, 2] : vector<1x96x128xf32> to vector<1xf32>
    %reduce_sum3A_1831 = vector.shape_cast %reduce_sum3A_1830 : vector<1xf32> to vector<1x1x1xf32>
    %reduce_sum3A_1832 = vector.extract %reduce_sum3A_1831[0, 0, 0] : f32 from vector<1x1x1xf32>
    %add3A_1833 = arith.addf %add3A_1605, %reduce_sum3A_1832 : f32
    %mul3A_1834 = arith.constant 1.250000e-01 : f32
    %mul3A_1835 = arith.mulf %add3A_1833, %mul3A_1834 : f32
    %broadcast_in_dim3A_1836 = vector.broadcast %mul3A_1835 : f32 to vector<1x1xf32>
    %swap3A = arith.constant 0 : index
    %swap3A_1837 = arith.constant 0 : index
    %swap3A_1838 = vector.load %arg1[%swap3A, %swap3A_1837] : memref<1x1xf32, #tpu.memory_space<vmem>>, vector<1x1xf32>
    tpu.vector_store %arg1[%swap3A, %swap3A_1837], %broadcast_in_dim3A_1836 {strides = array<i32>} : memref<1x1xf32, #tpu.memory_space<vmem>>, vector<1x1xf32>,
    return
  }
}

</mosaic_0001>

<sc_bundles>
// kernel: kernel.4.cloned.1.call-start
scs
__scs_entry_jumppad:
0x0: {  	(pc) =	sbr.rel $0x88, $3  }
0x1: {  	(tag) =	ssettag $0x0;
	lr =	simm.s32 $0x1  }
0x2: {  	[smem:$0x3F9F] =	sst lr;
	_ =	strace $0xD0000000  }
0x3: {  	_ = 	snop  }
0x4: {  	_ = 	snop  }
0x5: {  	_ = 	snop  }
0x6: {  	_ = 	snop  }
0x7: {  	_ = 	snop  }
__scs_overlays_trampoline_lowered:
0x8: {  	[smem:$0x3FAE] =	sst s0  }
0x9: {  	[smem:$0x3FAF] =	sst s1  }
0xa: {  	[smem:$0x3FB0] =	sst s2  }
0xb: {  	[smem:$0x3FB1] =	sst s3  }
0xc: {  	[smem:$0x3FB2] =	sst s4  }
0xd: {  	[smem:$0x3FB3] =	sst s5  }
0xe: {  	[smem:$0x3FB4] =	sst s6  }
0xf: {  	[smem:$0x3FB5] =	sst s7  }
0x10: {  	[smem:$0x3FB6] =	sst s8  }
0x11: {  	[smem:$0x3FB7] =	sst s9;
	s0 =	simm.s32 @!p0 $0x0  }
0x12: {  	s1 =	sld [smem:$0x3F9D];
	s0 =	simm.s32 @p0 $0x1  }
0x13: {  	[smem:$0x3FB8] =	sst s0;
	s0 =	simm.s32 @!p1 $0x0  }
0x14: {  	s2 =	sld [smem:$0x3F9C];
	s0 =	simm.s32 @p1 $0x1  }
0x15: {  	[smem:$0x3FB9] =	sst s0;
	s0 =	simm.s32 @!p2 $0x0  }
0x16: {  	s3 =	sld [smem:$0x3FDB];
	s0 =	simm.s32 @p2 $0x1  }
0x17: {  	s4 =	simm.s32 $0x1BF5;
	[smem:$0x3FBB] =	sst s0  }
0x18: {  	s0 =	sld [smem:$0x3F9E];
	_ =	swait.ge [sflag:s4], $0x0  }
0x19: {  	s7 =	sld [smem:$0x3F9F]  }
0x1a: {  	s8 =	sadd.s32 $0xFFFFE003, lr  }
0x1b: {  	s9 =	sadd.s32 $0xFFFFFEF7, lr;
	s5 =	simm.s32 $0xFFFFFFFF;
	p2 =	slt.u32 s8, $0xFFFFF086  }
0x1c: {  	p1 =	slt.u32 s9, $0xF7A;
	s5 =	simm.s32 @!p2 $0x0  }
0x1d: {  	s5 =	simm.s32 @p1 $0x1;
	p0 =	seq.s32 s7, s2  }
0x1e: {  	s7 =	smul.u32 @!p0 $0xF7A, s2;
	p2 =	seq.s32 @!p0 s5, $0x0  }
0x1f: {  	s9 =	smul.u32 $0xF7A, s1;
	s8 =	simm.s32 @!p0 $0x1BF5;
	p2 =	por !p2, p0  }
0x20: {  	[sflag:s8] =	ssyncset.s32 @!p0 $0xFFFFF086;
	s6 =	sadd.s32 @!p0 s3, s7;
	s7 =	simm.s32 @!p0 $0x108  }
0x21: {  	s3 =	sadd.s32 s3, s9;
	s6 =	sadd.s32 @!p0 $0x88, s6;
	s7 =	simm.s32 @p2 $0x1082  }
0x22: {  	[simem:s7], [sflag:s8] =	dma.local @!p0 [hbm:s6], $0xF7A  }
0x23: {  	s9 =	sor.u32 $0xD0000000, s2;
	s6 =	simm.s32 $0x108;
	_ =	swait.ge @!p0 [sflag:s8], $0x0  }
0x24: {  	s3 =	sadd.s32 $0x88, s3;
	s6 =	simm.s32 @!p1 $0x1082;
	[sflag:s4] =	ssyncset.s32 $0xFFFFF086  }
0x25: {  	[simem:s6], [sflag:s4] =	dma.local [hbm:s3], $0xF7A  }
0x26: {  	[smem:$0x3F9F] =	sst s1;
	(tag) =	ssettag s2;
	_ =	strace s9  }
0x27: {  	s1 =	sld [smem:$0x3FAF]  }
0x28: {  	s2 =	sld [smem:$0x3FB0]  }
0x29: {  	s4 =	sld [smem:$0x3FB2]  }
0x2a: {  	p0 =	seq.s32 s5, $0x0;
	s5 =	sld [smem:$0x3FB3]  }
0x2b: {  	s6 =	sld [smem:$0x3FB4]  }
0x2c: {  	s7 =	sld [smem:$0x3FB5]  }
0x2d: {  	s3 =	simm.s32 $0x108;
	s8 =	sld [smem:$0x3FB6]  }
0x2e: {  	s3 =	simm.s32 @!p0 $0x1082;
	s9 =	sld [smem:$0x3FB7]  }
0x2f: {  	lr =	sadd.s32 s0, s3;
	s0 =	sld [smem:$0x3FAE]  }
0x30: {  	s3 =	sld [smem:$0x3FB1]  }
0x31: {  	[smem:$0x3FBA] =	sst s10  }
0x32: {  	s10 =	sld [smem:$0x3FB8];
	_ =	sdelay $0x3  }
0x33: {  	p0 =	seq.s32 s10, $0x1;
	s10 =	sld [smem:$0x3FBA];
	_ =	sdelay $0x3  }
0x34: {  	[smem:$0x3FBA] =	sst s10  }
0x35: {  	s10 =	sld [smem:$0x3FB9];
	_ =	sdelay $0x3  }
0x36: {  	p1 =	seq.s32 s10, $0x1;
	s10 =	sld [smem:$0x3FBA];
	_ =	sdelay $0x3  }
0x37: {  	[smem:$0x3FBA] =	sst s10  }
0x38: {  	s10 =	sld [smem:$0x3FBB]  }
0x39: {  	_ = 	snop;
	(pc) =	sbr.ind lr, $3  }
0x3a: {  	_ = 	snop  }
0x3b: {  	_ = 	snop  }
0x3c: {  	p2 =	seq.s32 s10, $0x1;
	s10 =	sld [smem:$0x3FBA]  }
0x3d: {  	_ =	shalt  }
0x3e: {  	_ =	shalt  }
0x3f: {  	_ =	shalt  }
0x40: {  	_ =	shalt  }
0x41: {  	_ =	shalt  }
0x42: {  	_ =	shalt  }
0x43: {  	_ =	shalt  }
0x44: {  	_ =	shalt  }
0x45: {  	_ =	shalt  }
0x46: {  	_ =	shalt  }
0x47: {  	_ =	shalt  }
0x48: {  	_ =	shalt  }
0x49: {  	_ =	shalt  }
0x4a: {  	_ =	shalt  }
0x4b: {  	_ =	shalt  }
0x4c: {  	_ =	shalt  }
0x4d: {  	_ =	shalt  }
0x4e: {  	_ =	shalt  }
0x4f: {  	_ =	shalt  }
0x50: {  	_ =	shalt  }
0x51: {  	_ =	shalt  }
0x52: {  	_ =	shalt  }
0x53: {  	_ =	shalt  }
0x54: {  	_ =	shalt  }
0x55: {  	_ =	shalt  }
0x56: {  	_ =	shalt  }
0x57: {  	_ =	shalt  }
0x58: {  	_ =	shalt  }
0x59: {  	_ =	shalt  }
0x5a: {  	_ =	shalt  }
0x5b: {  	_ =	shalt  }
0x5c: {  	_ =	shalt  }
0x5d: {  	_ =	shalt  }
0x5e: {  	_ =	shalt  }
0x5f: {  	_ =	shalt  }
0x60: {  	_ =	shalt  }
0x61: {  	_ =	shalt  }
0x62: {  	_ =	shalt  }
0x63: {  	_ =	shalt  }
0x64: {  	_ =	shalt  }
0x65: {  	_ =	shalt  }
0x66: {  	_ =	shalt  }
0x67: {  	_ =	shalt  }
0x68: {  	_ =	shalt  }
0x69: {  	_ =	shalt  }
0x6a: {  	_ =	shalt  }
0x6b: {  	_ =	shalt  }
0x6c: {  	_ =	shalt  }
0x6d: {  	_ =	shalt  }
0x6e: {  	_ =	shalt  }
0x6f: {  	_ =	shalt  }
0x70: {  	_ =	shalt  }
0x71: {  	_ =	shalt  }
0x72: {  	_ =	shalt  }
0x73: {  	_ =	shalt  }
0x74: {  	_ =	shalt  }
0x75: {  	_ =	shalt  }
0x76: {  	_ =	shalt  }
0x77: {  	_ =	shalt  }
0x78: {  	_ =	shalt  }
0x79: {  	_ =	shalt  }
0x7a: {  	_ =	shalt  }
0x7b: {  	_ =	shalt  }
0x7c: {  	_ =	shalt  }
0x7d: {  	_ =	shalt  }
0x7e: {  	_ =	shalt  }
0x7f: {  	_ =	shalt  }
0x80: {  	_ =	shalt  }
0x81: {  	_ =	shalt  }
0x82: {  	_ =	shalt  }
0x83: {  	_ =	shalt  }
0x84: {  	_ =	shalt  }
0x85: {  	_ =	shalt  }
0x86: {  	_ =	shalt  }
0x87: {  	_ =	shalt  }
.Lfunc_end0:
.L_simem_size_0:
called_computation_lowered:
.L_overlay_start_0:
0x88: {  	s2 =	sld [smem:$0x3FD9]  }
0x89: {  	s3 =	sld [smem:$0x3FFE];
	_ =	sdelay $0x1  }
0x8a: {  	s1 =	srdreg.scid  }
0x8b: {  	s0 =	sand.u32 $0x1, s1  }
0x8c: {  	s17 =	sshll.u32 s0, $0xA;
	s2 =	sadd.s32 s3, s2  }
0x8d: {  	s2 =	sadd.s32 s2, s17  }
0x8e: {  	[smem:$0x3FC6] =	sst s2  }
0x8f: {  	_ = 	snop  }
0x90: {  	s2 =	sld [smem:$0x3FC9]  }
0x91: {  	s18 =	sld [smem:$0x3FC8];
	(tm) =	ssettm $0x1  }
0x92: {  	s4 =	sld [smem:$0x3FFB];
	_ =	sdelay $0x3  }
0x93: {  	_ =	strace s4  }
0x94: {  	s4 =	sld [smem:$0x3FFC];
	_ =	sdelay $0x3  }
0x95: {  	_ =	strace s4  }
0x96: {  	s4 =	sld [smem:$0x3FFD];
	_ =	sdelay $0x3  }
0x97: {  	_ =	strace s4  }
0x98: {  	_ =	strace $0x8FFFFFFF  }
0x99: {  	s19 =	sld [smem:$0x3FDB];
	_ =	sdelay $0x1  }
0x9a: {  	s5 =	simm.s32 $_scs_section_size  }
0x9b: {  	s6 =	simm.s32 $_size__tile_overlayer_lowered;
	s7 =	simm.s32 $_tile_overlayer_lowered  }
0x9c: {  	s22 =	simm.s32 $0x1BFF;
	s21 =	sshll.u32 s7, $0x1;
	s4 =	sadd.s32 s5, s19  }
0x9d: {  	s8 =	simm.s32 $0x0;
	s20 =	sshll.u32 s6, $0x1;
	s6 =	sadd.s32 s21, s4  }
0x9e: {  	[timem:s8], [sflag:s22] =	dma.local [hbm:s6], s20  }
0x9f: {  	_ =	swait.ge [sflag:s22], s20  }
0xa0: {  	s5 =	ssub.s32 $0x0, s20;
	[sflag:s22] =	ssyncset.done $0x0  }
0xa1: {  	[sflag:s22] =	ssyncadd.s32 s5;
	_ =	sdelay $0x1  }
0xa2: {  	s23 =	simm.s32 $0x1B8B  }
0xa3: {  	_ =	swait.ge [sflag:s23], $0x1  }
0xa4: {  	[sflag:s23] =	ssyncset.done $0x0  }
0xa5: {  	s25 =	simm.s32 $0x1B8E;
	s24 =	sld [smem:$0x3FFE];
	[sflag:s23] =	ssyncadd.s32 $0xFFFFFFFF  }
0xa6: {  	s26 =	simm.s32 $execute0_lowered;
	[smem:$0x3FD2] =	sst s25  }
0xa7: {  	s6 =	sshll.u32 s26, $0x1;
	_ =	strace $0x80000046;
	[dreg:$0x1] =	wrdreg $0xFFFFFFFF  }
0xa8: {  	s28 =	simm.s32 $_size_execute0_lowered;
	s4 =	sadd.s32 s4, s6;
	[dreg:$0x0] =	wrdreg $0x0  }
0xa9: {  	s6 =	sshll.u32 s28, $0x1;
	[dreg:$0x2] =	wrdreg s4  }
0xaa: {  	[dreg:$0x3] =	wrdreg s6  }
0xab: {  	[dreg:$0x4] =	wrdreg $0xC0  }
0xac: {  	_ =	task [dreg:s8], $0x5FFFF  }
0xad: {  	[dreg:$0x1] =	wrdreg $0xFFFFFFFF  }
0xae: {  	[dreg:$0x0] =	wrdreg $0x60  }
0xaf: {  	[dreg:$0x2] =	wrdreg s2  }
0xb0: {  	[dreg:$0x3] =	wrdreg s18  }
0xb1: {  	[dreg:$0x4] =	wrdreg s24  }
0xb2: {  	[dreg:$0x5] =	wrdreg $0x9  }
0xb3: {  	_ =	task.clear_ibuf [dreg:s8], $0x6FFFF;
	_ =	strace $0x90000046  }
0xb4: {  	s29 =	simm.s32 $0x9;
	_ =	strace $0x80000048  }
0xb5: {  	_ =	swait.ge [sflag:s29], $0x1  }
0xb6: {  	[sflag:s29] =	ssyncadd.s32 $0xFFFFFFFF  }
0xb7: {  	_ =	strace $0x90000048  }
0xb8: {  	_ =	sfence  }
0xb9: {  	s30 =	sld [smem:$0x0];
	_ =	sdelay $0x2  }
0xba: {  	s31 =	sshll.u32 s1, $0xD;
	s1 =	sshrl.u32 s1, $0x2  }
0xbb: {  	s3 =	sand.u32 $0x4000, s31;
	s1 =	sadd.s32 s1, s30  }
0xbc: {  	s0 =	sor.u32 s3, s0;
	s1 =	sshll.u32 s1, $0x11  }
0xbd: {  	s0 =	sor.u32 s1, s0  }
0xbe: {  	s0 =	sadd.s32 $0x8F2B, s0  }
0xbf: {  	[sflag:s0] =	ssyncadd.remote.s32 $0x1  }
0xc0: {  	_ =	sfence.sel $0xFFFF  }
0xc1: {  	[dreg:$0x0] =	wrdreg $0xFFFFFFFF;
	(pc) =	sbr.abs _section_cstart, $3  }
0xc2: {  	[dreg:$0x1] =	wrdreg $0xFFFFFFFF  }
0xc3: {  	_ =	task.clear_ibuf [dreg:s8], $0x2FFFF;
	_ =	strace $0x9FFFFFFF  }
0xc4: {  	(tm) =	ssettm $0x7FFFFFFF  }
0xc5: {  	_ =	shalt  }
tec
execute0_lowered:
.L_overlay_start_1:
0x0: {  	(tag) =	ssettag $0x1  }
0x1: {  	s1 =	rddreg [dreg:$0x0]  }
0x2: {  	s2 =	rddreg [dreg:$0x1]  }
0x3: {  	s0 =	rddreg [dreg:$0x2];
	s4 =	simm.s32 $0x0;
	s5 =	srdreg.scid  }
0x4: {  	s3 =	stileid.u32;
	s15 =	simm.s32 $0x2000;
	s16 =	simm.s32 $0x6000  }
0x5: {  	s17 =	simm.s32 $0x1;
	s18 =	simm.s32 $0x3;
	s19 =	simm.s32 $0x8000  }
0x6: {  	s20 =	simm.s32 $0xB000;
	s21 =	simm.s32 $0x2;
	s22 =	simm.s32 $0x4  }
0x7: {  	s23 =	simm.s32 $0x5;
	s24 =	simm.s32 $0x0;
	[smem:$0x7FF] =	sst s4  }
0x8: {  	s5 =	sand.u32 $0x1, s5;
	s7 =	sshll.u32 s3, $0x1;
	s0 =	sadd.s32 $0x600, s0  }
0x9: {  	_ =	strace $0x80000047;
	s6 =	ssub.s32 $0x2, s5;
	s9 =	sor.u32 s5, s7  }
0xa: {  	s8 =	sshrl.u32 s6, $0x1;
	s10 =	sshll.u32 s9, $0xD;
	s31 =	smul.u32 $0x6000, s9  }
0xb: {  	s12 =	smul.u32 $0xC00, s9;
	s13 =	ssub.s32 s6, s8;
	s5 =	sadd.s32 s1, s10  }
0xc: {  	s6 =	sadd.s32 s2, s10;
	s11 =	sor.u32 $0x400, s10;
	s9 =	sor.u32 $0x800, s10  }
0xd: {  	s10 =	sor.u32 $0xC00, s10;
	s7 =	sadd.s32 s1, s11;
	s14 =	sshrl.u32 s31, $0x3  }
0xe: {  	s8 =	sadd.s32 s2, s11;
	s11 =	sadd.s32 s0, s12;
	s14 =	sadd.s32 s0, s14  }
0xf: {  	v0 =	vimm.s32 $0x0;
	v1 =	vimm.s32 $0x1;
	s13 =	smax.u32 s13, $0x1;
	s12 =	sadd.s32 $0x600, s14;
	s14 =	simm.s32 $0x4000  }
.LBB2_1:
0x10: {  	s0 =	simm.s32 $0x40;
	s25 =	simm.s32 $0x0  }
.LBB2_2:
0x11: {  	p0 =	sne.s32 s0, $0xBFC0;
	[tilespmem:s25+$0x8000] =	vst v0;
	s26 =	smov.u32 s0;
	s0 =	sadd.s32 $0x40, s0  }
.Ltmp0:
0x12: {  	[tilespmem:s25+$0xB000] =	vst v0;
	(pc) =	sbr.rel @p0 .LBB2_2-.Ltmp0, $2  }
0x13: {  	_ =	sdelay $0x2  }
0x14: {  	s25 =	sshra.s32 s26, $0x2  }
0x15: {  	[tilespmem:s25+$0x8000] =	vst v0  }
0x16: {  	[tilespmem:s25+$0xB000] =	vst v0;
	s25 =	simm.s32 $0x0  }
0x17: {  	[tilespmem:s25], [sflag:$0x1] =	stream.linear.gather [hbm4b:s5+s25], $0x2000, $0x38;
	[tilespmem:$0xE000] =	vst v63  }
0x18: {  	_ = 	snop  }
0x19: {  	[tilespmem:s14], [sflag:$0x3] =	stream.linear.gather [hbm4b:s6+s25], $0x2000, $0x38;
	[tilespmem:$0xE000] =	vst v63  }
0x1a: {  	_ = 	snop  }
0x1b: {  	[tilespmem:s15], [sflag:$0x2] =	stream.linear.gather [hbm4b:s7+s25], $0x2000, $0x38;
	[tilespmem:$0xE000] =	vst v63  }
0x1c: {  	s26 =	simm.s32 $0x0  }
0x1d: {  	[tilespmem:s16], [sflag:$0x4] =	stream.linear.gather [hbm4b:s8+s25], $0x2000, $0x38;
	[tilespmem:$0xE000] =	vst v63  }
.LBB2_4:
0x1e: {  	_ =	swait.ge [sflag:s17], $0x2000  }
0x1f: {  	[sflag:s17] =	ssyncset.done $0x0  }
0x20: {  	[sflag:s17] =	ssyncadd.s32 $0xFFFFE000  }
0x21: {  	s28 =	sshll.u32 s26, $0xB;
	p0 =	seq.s32 s26, $0x3;
	_ =	swait.ge [sflag:s18], $0x2000  }
0x22: {  	s0 =	sadd.s32 @!p0 s28, s9;
	[sflag:s18] =	ssyncset.done $0x0  }
0x23: {  	s30 =	simm.s32 @!p0 $0x0;
	s29 =	sadd.s32 @!p0 s1, s0;
	[sflag:s18] =	ssyncadd.s32 $0xFFFFE000  }
0x24: {  	[tilespmem:s30], [sflag:$0x1] =	stream.linear.gather @!p0 [hbm4b:s29+s30], $0x2000, $0x38;
	[tilespmem:$0xE000] =	vst v63  }
0x25: {  	s0 =	sadd.s32 @!p0 s2, s0;
	s29 =	simm.s32 @!p0 $0x4000  }
0x26: {  	[tilespmem:s29], [sflag:$0x3] =	stream.linear.gather @!p0 [hbm4b:s0+s30], $0x2000, $0x38;
	[tilespmem:$0xE000] =	vst v63  }
0x27: {  	s3 =	sand.u32 $0x1000, s25;
	s29 =	sand.u32 $0xC00, s25  }
0x28: {  	s0 =	sor.u32 s29, s3;
	s29 =	sand.u32 $0x380, s25  }
0x29: {  	s0 =	sor.u32 s29, s0  }
0x2a: {  	v2 =	vld [tilespmem:s0+$0x20]  }
0x2b: {  	v3 =	vld [tilespmem:s0+$0x4020]  }
0x2c: {  	v4 =	vld [tilespmem:s0+$0x4010]  }
0x2d: {  	v5 =	vld [tilespmem:s0+$0x10]  }
0x2e: {  	v6 =	vld [tilespmem:s0+$0x0]  }
0x2f: {  	v7 =	vld [tilespmem:s0+$0x4000]  }
0x30: {  	v12 =	vld [tilespmem:s0+$0x50];
	_ =	sdelay $0x1  }
0x31: {  	v8 =	vld [tilespmem:s0+$0x30];
	vm0 =	vgt.s32 v3, $0x0;
	v9 =	vxor.u32 $0x80000000, v2  }
0x32: {  	v3 =	vld [tilespmem:s0+$0x4030];
	vm2 =	vgt.s32 v4, $0x0;
	v10 =	vxor.u32 $0x80000000, v5;
	v2 =	vsel vm0, v9, v2  }
0x33: {  	v4 =	vld [tilespmem:s0+$0x4040];
	vm1 =	vgt.s32 v7, $0x0;
	v5 =	vsel vm2, v10, v5;
	v10 =	vadd.f32 $1.000000000e+00, v2  }
0x34: {  	v15 =	vxor.u32 $0x80000000, v12;
	v9 =	vxor.u32 $0x80000000, v6;
	v5 =	vadd.f32 $1.000000000e+00, v5  }
0x35: {  	v11 =	vld [tilespmem:s0+$0x40];
	v2 =	vsel vm2, $0x10001, v1;
	v6 =	vsel vm1, v9, v6;
	v7 =	vshra.s32 v10, $0xF  }
0x36: {  	v9 =	vxor.u32 $0x80000000, v8;
	v6 =	vadd.f32 $1.000000000e+00, v6;
	vm3 =	vgt.s32 v7, $0x6000  }
0x37: {  	v13 =	vshra.s32 v5, $0xF;
	vm2 =	vgt.s32 v3, $0x0;
	v3 =	vnsel vm3, $0x6000, v7;
	v7 =	vld [tilespmem:s0+$0x4060]  }
0x38: {  	v10 =	vld [tilespmem:s0+$0x4050];
	vm3 =	vgt.s32 v4, $0x0;
	v4 =	vshra.s32 v6, $0xF;
	v6 =	vsel vm2, v9, v8  }
0x39: {  	v5 =	vld [tilespmem:s0+$0x60];
	vm7 =	vgt.s32 v13, $0x6000;
	vm4 =	vgt.s32 v4, $0x6000;
	v8 =	vadd.f32 $1.000000000e+00, v6  }
0x3a: {  	v14 =	vld [tilespmem:s0+$0x4070];
	v9 =	vxor.u32 $0x80000000, v11;
	v3 =	vmin.u32 v3, $0x8FFF;
	v4 =	vnsel vm4, $0x6000, v4  }
0x3b: {  	v6 =	vmin.u32 v4, $0x8FFF;
	v4 =	vshra.s32 v8, $0xF;
	v8 =	vsel vm3, v9, v11  }
0x3c: {  	v3 =	vadd.s32 $0xFFFFA000, v3;
	v9 =	vadd.f32 $1.000000000e+00, v8;
	vm5 =	vgt.s32 v7, $0x0;
	v7 =	vld [tilespmem:s0+$0x70]  }
0x3d: {  	vm6 =	vgt.s32 v10, $0x0;
	v10 =	vnsel vm7, $0x6000, v13;
	vm4 =	vgt.s32 v4, $0x6000  }
0x3e: {  	v8 =	vxor.u32 $0x80000000, v5;
	v4 =	vnsel vm4, $0x6000, v4;
	v9 =	vshra.s32 v9, $0xF  }
0x3f: {  	vm4 =	vgt.s32 v14, $0x0;
	v4 =	vmin.u32 v4, $0x8FFF;
	vm8 =	vgt.s32 v9, $0x6000  }
0x40: {  	s31 =	simm.s32 $0x0;
	s30 =	simm.s32 $0x0;
	s29 =	simm.s32 $0x400;
	v4 =	vadd.s32 $0xFFFFA000, v4;
	v11 =	vnsel vm8, $0x6000, v9;
	v9 =	vsel vm6, v15, v12  }
.LBB2_5:
0x41: {  	p1 =	sne.s32 s29, $0xFC00;
	v11 =	vmin.u32 v11, $0x8FFF;
	v5 =	vsel vm5, v8, v5;
	v8 =	vxor.u32 $0x80000000, v7;
	s30 =	sadd.s32 $0x20, s30;
	s31 =	sadd.s32 $0x80, s31  }
0x42: {  	v10 =	vmin.u32 v10, $0x8FFF;
	s0 =	smov.u32 s29;
	s29 =	sadd.s32 $0x400, s29;
	v5 =	vadd.f32 $1.000000000e+00, v5;
	v11 =	vadd.s32 $0xFFFFA000, v11  }
0x43: {  	v9 =	vadd.f32 $1.000000000e+00, v9;
	v6 =	vadd.s32 $0xFFFFA000, v6;
	v7 =	vsel vm4, v8, v7  }
0x44: {  	v8 =	vadd.s32 $0xFFFFA000, v10;
	v7 =	vadd.f32 $1.000000000e+00, v7;
	v5 =	vshra.s32 v5, $0xF  }
0x45: {  	v10 =	vsel vm1, $0x10001, v1;
	v9 =	vshra.s32 v9, $0xF;
	vm1 =	vgt.s32 v5, $0x6000  }
0x46: {  	v12 =	vsel vm2, $0x10001, v1;
	vm2 =	vgt.s32 v9, $0x6000;
	v5 =	vnsel vm1, $0x6000, v5  }
0x47: {  	v13 =	vsel vm3, $0x10001, v1;
	v9 =	vnsel vm2, $0x6000, v9;
	v5 =	vmin.u32 v5, $0x8FFF  }
0x48: {  	v14 =	vsel vm6, $0x10001, v1;
	v7 =	vshra.s32 v7, $0xF;
	[tilespmem:v6+s19+$0x0] =	vst.idx.add.s32.msk $0xffff, v10;
	v5 =	vadd.s32 $0xFFFFA000, v5  }
0x49: {  	v9 =	vmin.u32 v9, $0x8FFF;
	v6 =	vsel vm0, $0x10001, v1;
	vm0 =	vgt.s32 v7, $0x6000;
	[tilespmem:v8+s20+$0x0] =	vst.idx.add.s32.msk $0xffff, v2  }
0x4a: {  	v2 =	vnsel vm0, $0x6000, v7;
	[tilespmem:v3+s19+$0x0] =	vst.idx.add.s32.msk $0xffff, v6;
	v3 =	vadd.s32 $0xFFFFA000, v9  }
0x4b: {  	v6 =	vsel vm5, $0x10001, v1;
	v2 =	vmin.u32 v2, $0x8FFF;
	[tilespmem:v4+s20+$0x0] =	vst.idx.add.s32.msk $0xffff, v12  }
0x4c: {  	v2 =	vadd.s32 $0xFFFFA000, v2;
	[tilespmem:v11+s19+$0x0] =	vst.idx.add.s32.msk $0xffff, v13  }
0x4d: {  	s3 =	sand.u32 $0x1000, s31;
	s0 =	sand.u32 $0xC00, s0  }
0x4e: {  	s0 =	sor.u32 s0, s3;
	s3 =	sand.u32 $0x380, s30  }
0x4f: {  	s0 =	sor.u32 s3, s0;
	[tilespmem:v3+s20+$0x0] =	vst.idx.add.s32.msk $0xffff, v14  }
0x50: {  	v3 =	vsel vm4, $0x10001, v1;
	[tilespmem:v5+s19+$0x0] =	vst.idx.add.s32.msk $0xffff, v6  }
0x51: {  	[tilespmem:v2+s20+$0x0] =	vst.idx.add.s32.msk $0xffff, v3  }
0x52: {  	v2 =	vld [tilespmem:s0+$0x20]  }
0x53: {  	v3 =	vld [tilespmem:s0+$0x4020]  }
0x54: {  	v4 =	vld [tilespmem:s0+$0x4010]  }
0x55: {  	v5 =	vld [tilespmem:s0+$0x10]  }
0x56: {  	v6 =	vld [tilespmem:s0+$0x0]  }
0x57: {  	v7 =	vld [tilespmem:s0+$0x4000]  }
0x58: {  	v8 =	vld [tilespmem:s0+$0x30];
	vm0 =	vgt.s32 v3, $0x0  }
0x59: {  	v3 =	vld [tilespmem:s0+$0x4030];
	vm2 =	vgt.s32 v4, $0x0;
	v4 =	vxor.u32 $0x80000000, v2  }
0x5a: {  	v9 =	vld [tilespmem:s0+$0x4040];
	v10 =	vxor.u32 $0x80000000, v5;
	v2 =	vsel vm0, v4, v2  }
0x5b: {  	v4 =	vld [tilespmem:s0+$0x40];
	v11 =	vxor.u32 $0x80000000, v6;
	v5 =	vsel vm2, v10, v5;
	v10 =	vadd.f32 $1.000000000e+00, v2  }
0x5c: {  	v2 =	vsel vm2, $0x10001, v1;
	vm1 =	vgt.s32 v7, $0x0;
	v5 =	vadd.f32 $1.000000000e+00, v5  }
0x5d: {  	v12 =	vld [tilespmem:s0+$0x4050];
	v6 =	vsel vm1, v11, v6;
	v7 =	vshra.s32 v10, $0xF;
	v10 =	vxor.u32 $0x80000000, v8  }
0x5e: {  	v13 =	vld [tilespmem:s0+$0x50];
	v6 =	vadd.f32 $1.000000000e+00, v6;
	vm3 =	vgt.s32 v7, $0x6000;
	vm2 =	vgt.s32 v3, $0x0  }
0x5f: {  	v11 =	vshra.s32 v5, $0xF;
	v3 =	vnsel vm3, $0x6000, v7;
	vm3 =	vgt.s32 v9, $0x0  }
0x60: {  	v7 =	vsel vm2, v10, v8;
	v5 =	vld [tilespmem:s0+$0x60];
	v6 =	vshra.s32 v6, $0xF;
	v3 =	vmin.u32 v3, $0x8FFF  }
0x61: {  	v8 =	vadd.f32 $1.000000000e+00, v7;
	v10 =	vxor.u32 $0x80000000, v4;
	v9 =	vld [tilespmem:s0+$0x4060];
	vm4 =	vgt.s32 v6, $0x6000  }
0x62: {  	vm7 =	vgt.s32 v11, $0x6000;
	v3 =	vadd.s32 $0xFFFFA000, v3;
	v14 =	vld [tilespmem:s0+$0x4070];
	v6 =	vnsel vm4, $0x6000, v6  }
0x63: {  	v4 =	vsel vm3, v10, v4;
	v8 =	vshra.s32 v8, $0xF;
	v7 =	vld [tilespmem:s0+$0x70];
	v6 =	vmin.u32 v6, $0x8FFF  }
.Ltmp1:
0x64: {  	v4 =	vadd.f32 $1.000000000e+00, v4;
	vm6 =	vgt.s32 v12, $0x0;
	vm4 =	vgt.s32 v8, $0x6000;
	(pc) =	sbr.rel @p1 .LBB2_5-.Ltmp1, $4  }
0x65: {  	v12 =	vxor.u32 $0x80000000, v13;
	v10 =	vnsel vm4, $0x6000, v8;
	v8 =	vxor.u32 $0x80000000, v5  }
0x66: {  	v15 =	vshra.s32 v4, $0xF;
	v10 =	vmin.u32 v10, $0x8FFF;
	vm5 =	vgt.s32 v9, $0x0  }
0x67: {  	vm8 =	vgt.s32 v15, $0x6000;
	v4 =	vadd.s32 $0xFFFFA000, v10;
	vm4 =	vgt.s32 v14, $0x0  }
0x68: {  	v10 =	vnsel vm7, $0x6000, v11;
	v11 =	vnsel vm8, $0x6000, v15;
	v9 =	vsel vm6, v12, v13  }
0x69: {  	v11 =	vmin.u32 v11, $0x8FFF;
	v5 =	vsel vm5, v8, v5;
	v8 =	vxor.u32 $0x80000000, v7  }
0x6a: {  	v10 =	vmin.u32 v10, $0x8FFF;
	v9 =	vadd.f32 $1.000000000e+00, v9;
	v6 =	vadd.s32 $0xFFFFA000, v6  }
0x6b: {  	v5 =	vadd.f32 $1.000000000e+00, v5;
	v11 =	vadd.s32 $0xFFFFA000, v11;
	v7 =	vsel vm4, v8, v7  }
0x6c: {  	v8 =	vadd.s32 $0xFFFFA000, v10;
	v7 =	vadd.f32 $1.000000000e+00, v7;
	v9 =	vshra.s32 v9, $0xF  }
0x6d: {  	v10 =	vsel vm1, $0x10001, v1;
	v5 =	vshra.s32 v5, $0xF;
	vm1 =	vgt.s32 v9, $0x6000  }
0x6e: {  	vm7 =	vgt.s32 v5, $0x6000;
	v9 =	vnsel vm1, $0x6000, v9;
	v7 =	vshra.s32 v7, $0xF  }
0x6f: {  	v5 =	vnsel vm7, $0x6000, v5;
	v9 =	vmin.u32 v9, $0x8FFF;
	vm1 =	vgt.s32 v7, $0x6000  }
0x70: {  	[tilespmem:v6+s19+$0x0] =	vst.idx.add.s32.msk $0xffff, v10;
	v5 =	vmin.u32 v5, $0x8FFF;
	v6 =	vnsel vm1, $0x6000, v7;
	v7 =	vadd.s32 $0xFFFFA000, v9  }
0x71: {  	v9 =	vsel vm0, $0x10001, v1;
	[tilespmem:v8+s20+$0x0] =	vst.idx.add.s32.msk $0xffff, v2;
	v5 =	vadd.s32 $0xFFFFA000, v5;
	v2 =	vmin.u32 v6, $0x8FFF  }
0x72: {  	v6 =	vsel vm2, $0x10001, v1;
	[tilespmem:v3+s19+$0x0] =	vst.idx.add.s32.msk $0xffff, v9;
	v2 =	vadd.s32 $0xFFFFA000, v2  }
0x73: {  	v3 =	vsel vm3, $0x10001, v1;
	[tilespmem:v4+s20+$0x0] =	vst.idx.add.s32.msk $0xffff, v6  }
0x74: {  	v4 =	vsel vm6, $0x10001, v1;
	[tilespmem:v11+s19+$0x0] =	vst.idx.add.s32.msk $0xffff, v3  }
0x75: {  	v3 =	vsel vm5, $0x10001, v1;
	[tilespmem:v7+s20+$0x0] =	vst.idx.add.s32.msk $0xffff, v4  }
0x76: {  	v4 =	vsel vm4, $0x10001, v1;
	[tilespmem:v5+s19+$0x0] =	vst.idx.add.s32.msk $0xffff, v3  }
0x77: {  	[tilespmem:v2+s20+$0x0] =	vst.idx.add.s32.msk $0xffff, v4  }
0x78: {  	_ =	swait.ge [sflag:s21], $0x2000  }
0x79: {  	[sflag:s21] =	ssyncset.done $0x0  }
0x7a: {  	[sflag:s21] =	ssyncadd.s32 $0xFFFFE000  }
0x7b: {  	_ =	swait.ge [sflag:s22], $0x2000  }
0x7c: {  	s0 =	sadd.s32 @!p0 s28, s10;
	s28 =	simm.s32 @!p0 $0x0;
	[sflag:s22] =	ssyncset.done $0x0  }
0x7d: {  	s29 =	simm.s32 @!p0 $0x2000;
	s3 =	sadd.s32 @!p0 s1, s0;
	[sflag:s22] =	ssyncadd.s32 $0xFFFFE000  }
0x7e: {  	[tilespmem:s29], [sflag:$0x2] =	stream.linear.gather @!p0 [hbm4b:s3+s28], $0x2000, $0x38;
	[tilespmem:$0xE000] =	vst v63  }
0x7f: {  	s0 =	sadd.s32 @!p0 s2, s0;
	s3 =	simm.s32 @!p0 $0x6000  }
0x80: {  	[tilespmem:s3], [sflag:$0x4] =	stream.linear.gather @!p0 [hbm4b:s0+s28], $0x2000, $0x38;
	[tilespmem:$0xE000] =	vst v63  }
0x81: {  	s28 =	simm.s32 $0x0  }
0x82: {  	s3 =	sand.u32 $0x1000, s28;
	s31 =	sand.u32 $0xC00, s28  }
0x83: {  	s0 =	sor.u32 s31, s3;
	s31 =	sand.u32 $0x380, s28  }
0x84: {  	s0 =	sor.u32 s31, s0  }
0x85: {  	v2 =	vld [tilespmem:s0+$0x2020]  }
0x86: {  	v3 =	vld [tilespmem:s0+$0x6020]  }
0x87: {  	v4 =	vld [tilespmem:s0+$0x6010]  }
0x88: {  	v5 =	vld [tilespmem:s0+$0x2010]  }
0x89: {  	v6 =	vld [tilespmem:s0+$0x2000]  }
0x8a: {  	v7 =	vld [tilespmem:s0+$0x6000]  }
0x8b: {  	v12 =	vld [tilespmem:s0+$0x2050];
	_ =	sdelay $0x1  }
0x8c: {  	v8 =	vld [tilespmem:s0+$0x2030];
	vm0 =	vgt.s32 v3, $0x0;
	v9 =	vxor.u32 $0x80000000, v2  }
0x8d: {  	v3 =	vld [tilespmem:s0+$0x6030];
	vm2 =	vgt.s32 v4, $0x0;
	v10 =	vxor.u32 $0x80000000, v5;
	v2 =	vsel vm0, v9, v2  }
0x8e: {  	v4 =	vld [tilespmem:s0+$0x6040];
	vm1 =	vgt.s32 v7, $0x0;
	v5 =	vsel vm2, v10, v5;
	v10 =	vadd.f32 $1.000000000e+00, v2  }
0x8f: {  	v15 =	vxor.u32 $0x80000000, v12;
	v9 =	vxor.u32 $0x80000000, v6;
	v5 =	vadd.f32 $1.000000000e+00, v5  }
0x90: {  	v11 =	vld [tilespmem:s0+$0x2040];
	v2 =	vsel vm2, $0x10001, v1;
	v6 =	vsel vm1, v9, v6;
	v7 =	vshra.s32 v10, $0xF  }
0x91: {  	v9 =	vxor.u32 $0x80000000, v8;
	v6 =	vadd.f32 $1.000000000e+00, v6;
	vm3 =	vgt.s32 v7, $0x6000  }
0x92: {  	v13 =	vshra.s32 v5, $0xF;
	vm2 =	vgt.s32 v3, $0x0;
	v3 =	vnsel vm3, $0x6000, v7;
	v7 =	vld [tilespmem:s0+$0x6060]  }
0x93: {  	v10 =	vld [tilespmem:s0+$0x6050];
	vm3 =	vgt.s32 v4, $0x0;
	v4 =	vshra.s32 v6, $0xF;
	v6 =	vsel vm2, v9, v8  }
0x94: {  	v5 =	vld [tilespmem:s0+$0x2060];
	vm7 =	vgt.s32 v13, $0x6000;
	vm4 =	vgt.s32 v4, $0x6000;
	v8 =	vadd.f32 $1.000000000e+00, v6  }
0x95: {  	v14 =	vld [tilespmem:s0+$0x6070];
	v9 =	vxor.u32 $0x80000000, v11;
	v3 =	vmin.u32 v3, $0x8FFF;
	v4 =	vnsel vm4, $0x6000, v4  }
0x96: {  	v6 =	vmin.u32 v4, $0x8FFF;
	v4 =	vshra.s32 v8, $0xF;
	v8 =	vsel vm3, v9, v11  }
0x97: {  	v3 =	vadd.s32 $0xFFFFA000, v3;
	v9 =	vadd.f32 $1.000000000e+00, v8;
	vm5 =	vgt.s32 v7, $0x0;
	v7 =	vld [tilespmem:s0+$0x2070]  }
0x98: {  	vm6 =	vgt.s32 v10, $0x0;
	v10 =	vnsel vm7, $0x6000, v13;
	vm4 =	vgt.s32 v4, $0x6000  }
0x99: {  	v8 =	vxor.u32 $0x80000000, v5;
	v4 =	vnsel vm4, $0x6000, v4;
	v9 =	vshra.s32 v9, $0xF  }
0x9a: {  	vm4 =	vgt.s32 v14, $0x0;
	v4 =	vmin.u32 v4, $0x8FFF;
	vm8 =	vgt.s32 v9, $0x6000  }
0x9b: {  	s30 =	simm.s32 $0x0;
	s29 =	simm.s32 $0x400;
	v4 =	vadd.s32 $0xFFFFA000, v4;
	v11 =	vnsel vm8, $0x6000, v9;
	v9 =	vsel vm6, v15, v12  }
.LBB2_7:
0x9c: {  	p0 =	sne.s32 s29, $0xFC00;
	v11 =	vmin.u32 v11, $0x8FFF;
	v5 =	vsel vm5, v8, v5;
	v8 =	vxor.u32 $0x80000000, v7;
	s28 =	sadd.s32 $0x20, s28;
	s30 =	sadd.s32 $0x80, s30  }
0x9d: {  	v10 =	vmin.u32 v10, $0x8FFF;
	s0 =	smov.u32 s29;
	s29 =	sadd.s32 $0x400, s29;
	v5 =	vadd.f32 $1.000000000e+00, v5;
	v11 =	vadd.s32 $0xFFFFA000, v11  }
0x9e: {  	v9 =	vadd.f32 $1.000000000e+00, v9;
	v6 =	vadd.s32 $0xFFFFA000, v6;
	v7 =	vsel vm4, v8, v7  }
0x9f: {  	v8 =	vadd.s32 $0xFFFFA000, v10;
	v7 =	vadd.f32 $1.000000000e+00, v7;
	v5 =	vshra.s32 v5, $0xF  }
0xa0: {  	v10 =	vsel vm1, $0x10001, v1;
	v9 =	vshra.s32 v9, $0xF;
	vm1 =	vgt.s32 v5, $0x6000  }
0xa1: {  	v12 =	vsel vm2, $0x10001, v1;
	vm2 =	vgt.s32 v9, $0x6000;
	v5 =	vnsel vm1, $0x6000, v5  }
0xa2: {  	v13 =	vsel vm3, $0x10001, v1;
	v9 =	vnsel vm2, $0x6000, v9;
	v5 =	vmin.u32 v5, $0x8FFF  }
0xa3: {  	v14 =	vsel vm6, $0x10001, v1;
	v7 =	vshra.s32 v7, $0xF;
	[tilespmem:v6+s19+$0x0] =	vst.idx.add.s32.msk $0xffff, v10;
	v5 =	vadd.s32 $0xFFFFA000, v5  }
0xa4: {  	v9 =	vmin.u32 v9, $0x8FFF;
	v6 =	vsel vm0, $0x10001, v1;
	vm0 =	vgt.s32 v7, $0x6000;
	[tilespmem:v8+s20+$0x0] =	vst.idx.add.s32.msk $0xffff, v2  }
0xa5: {  	v2 =	vnsel vm0, $0x6000, v7;
	[tilespmem:v3+s19+$0x0] =	vst.idx.add.s32.msk $0xffff, v6;
	v3 =	vadd.s32 $0xFFFFA000, v9  }
0xa6: {  	v6 =	vsel vm5, $0x10001, v1;
	v2 =	vmin.u32 v2, $0x8FFF;
	[tilespmem:v4+s20+$0x0] =	vst.idx.add.s32.msk $0xffff, v12  }
0xa7: {  	v2 =	vadd.s32 $0xFFFFA000, v2;
	[tilespmem:v11+s19+$0x0] =	vst.idx.add.s32.msk $0xffff, v13  }
0xa8: {  	s3 =	sand.u32 $0x1000, s30;
	s0 =	sand.u32 $0xC00, s0  }
0xa9: {  	s0 =	sor.u32 s0, s3;
	s3 =	sand.u32 $0x380, s28  }
0xaa: {  	s0 =	sor.u32 s3, s0;
	[tilespmem:v3+s20+$0x0] =	vst.idx.add.s32.msk $0xffff, v14  }
0xab: {  	v3 =	vsel vm4, $0x10001, v1;
	[tilespmem:v5+s19+$0x0] =	vst.idx.add.s32.msk $0xffff, v6  }
0xac: {  	[tilespmem:v2+s20+$0x0] =	vst.idx.add.s32.msk $0xffff, v3  }
0xad: {  	v2 =	vld [tilespmem:s0+$0x2020]  }
0xae: {  	v3 =	vld [tilespmem:s0+$0x6020]  }
0xaf: {  	v4 =	vld [tilespmem:s0+$0x6010]  }
0xb0: {  	v5 =	vld [tilespmem:s0+$0x2010]  }
0xb1: {  	v6 =	vld [tilespmem:s0+$0x2000]  }
0xb2: {  	v7 =	vld [tilespmem:s0+$0x6000]  }
0xb3: {  	v8 =	vld [tilespmem:s0+$0x2030];
	vm0 =	vgt.s32 v3, $0x0  }
0xb4: {  	v3 =	vld [tilespmem:s0+$0x6030];
	vm2 =	vgt.s32 v4, $0x0;
	v4 =	vxor.u32 $0x80000000, v2  }
0xb5: {  	v9 =	vld [tilespmem:s0+$0x6040];
	v10 =	vxor.u32 $0x80000000, v5;
	v2 =	vsel vm0, v4, v2  }
0xb6: {  	v4 =	vld [tilespmem:s0+$0x2040];
	v11 =	vxor.u32 $0x80000000, v6;
	v5 =	vsel vm2, v10, v5;
	v10 =	vadd.f32 $1.000000000e+00, v2  }
0xb7: {  	v2 =	vsel vm2, $0x10001, v1;
	vm1 =	vgt.s32 v7, $0x0;
	v5 =	vadd.f32 $1.000000000e+00, v5  }
0xb8: {  	v12 =	vld [tilespmem:s0+$0x6050];
	v6 =	vsel vm1, v11, v6;
	v7 =	vshra.s32 v10, $0xF;
	v10 =	vxor.u32 $0x80000000, v8  }
0xb9: {  	v13 =	vld [tilespmem:s0+$0x2050];
	v6 =	vadd.f32 $1.000000000e+00, v6;
	vm3 =	vgt.s32 v7, $0x6000;
	vm2 =	vgt.s32 v3, $0x0  }
0xba: {  	v11 =	vshra.s32 v5, $0xF;
	v3 =	vnsel vm3, $0x6000, v7;
	vm3 =	vgt.s32 v9, $0x0  }
0xbb: {  	v7 =	vsel vm2, v10, v8;
	v5 =	vld [tilespmem:s0+$0x2060];
	v6 =	vshra.s32 v6, $0xF;
	v3 =	vmin.u32 v3, $0x8FFF  }
0xbc: {  	v8 =	vadd.f32 $1.000000000e+00, v7;
	v10 =	vxor.u32 $0x80000000, v4;
	v9 =	vld [tilespmem:s0+$0x6060];
	vm4 =	vgt.s32 v6, $0x6000  }
0xbd: {  	vm7 =	vgt.s32 v11, $0x6000;
	v3 =	vadd.s32 $0xFFFFA000, v3;
	v14 =	vld [tilespmem:s0+$0x6070];
	v6 =	vnsel vm4, $0x6000, v6  }
0xbe: {  	v4 =	vsel vm3, v10, v4;
	v8 =	vshra.s32 v8, $0xF;
	v7 =	vld [tilespmem:s0+$0x2070];
	v6 =	vmin.u32 v6, $0x8FFF  }
.Ltmp2:
0xbf: {  	v4 =	vadd.f32 $1.000000000e+00, v4;
	vm6 =	vgt.s32 v12, $0x0;
	vm4 =	vgt.s32 v8, $0x6000;
	(pc) =	sbr.rel @p0 .LBB2_7-.Ltmp2, $4  }
0xc0: {  	v12 =	vxor.u32 $0x80000000, v13;
	v10 =	vnsel vm4, $0x6000, v8;
	v8 =	vxor.u32 $0x80000000, v5  }
0xc1: {  	v15 =	vshra.s32 v4, $0xF;
	v10 =	vmin.u32 v10, $0x8FFF;
	vm5 =	vgt.s32 v9, $0x0  }
0xc2: {  	vm8 =	vgt.s32 v15, $0x6000;
	v4 =	vadd.s32 $0xFFFFA000, v10;
	vm4 =	vgt.s32 v14, $0x0  }
0xc3: {  	v10 =	vnsel vm7, $0x6000, v11;
	v11 =	vnsel vm8, $0x6000, v15;
	v9 =	vsel vm6, v12, v13  }
0xc4: {  	v11 =	vmin.u32 v11, $0x8FFF;
	v5 =	vsel vm5, v8, v5;
	v55 =	vxor.u32 $0x80000000, v7  }
0xc5: {  	v10 =	vmin.u32 v10, $0x8FFF;
	v9 =	vadd.f32 $1.000000000e+00, v9;
	v6 =	vadd.s32 $0xFFFFA000, v6  }
0xc6: {  	v57 =	vsel vm1, $0x10001, v1;
	v5 =	vadd.f32 $1.000000000e+00, v5;
	v7 =	vsel vm4, v55, v7  }
0xc7: {  	v56 =	vadd.s32 $0xFFFFA000, v10;
	v7 =	vadd.f32 $1.000000000e+00, v7;
	v9 =	vshra.s32 v9, $0xF  }
0xc8: {  	v11 =	vadd.s32 $0xFFFFA000, v11;
	v5 =	vshra.s32 v5, $0xF;
	vm13 =	vgt.s32 v9, $0x6000  }
0xc9: {  	v9 =	vnsel vm13, $0x6000, v9;
	vm14 =	vgt.s32 v5, $0x6000;
	v7 =	vshra.s32 v7, $0xF  }
0xca: {  	v5 =	vnsel vm14, $0x6000, v5;
	v9 =	vmin.u32 v9, $0x8FFF;
	vm15 =	vgt.s32 v7, $0x6000  }
0xcb: {  	[tilespmem:v6+s19+$0x0] =	vst.idx.add.s32.msk $0xffff, v57;
	v5 =	vmin.u32 v5, $0x8FFF;
	v58 =	vnsel vm15, $0x6000, v7;
	v59 =	vadd.s32 $0xFFFFA000, v9  }
0xcc: {  	v60 =	vsel vm0, $0x10001, v1;
	s26 =	sadd.s32 $0x1, s26;
	[tilespmem:v56+s20+$0x0] =	vst.idx.add.s32.msk $0xffff, v2;
	v5 =	vadd.s32 $0xFFFFA000, v5;
	v2 =	vmin.u32 v58, $0x8FFF  }
0xcd: {  	v61 =	vsel vm2, $0x10001, v1;
	p0 =	sne.s32 s26, $0x4;
	[tilespmem:v3+s19+$0x0] =	vst.idx.add.s32.msk $0xffff, v60;
	v2 =	vadd.s32 $0xFFFFA000, v2  }
.Ltmp3:
0xce: {  	v3 =	vsel vm3, $0x10001, v1;
	[tilespmem:v4+s20+$0x0] =	vst.idx.add.s32.msk $0xffff, v61;
	(pc) =	sbr.rel @p0 .LBB2_4-.Ltmp3, $4  }
0xcf: {  	v62 =	vsel vm6, $0x10001, v1;
	[tilespmem:v11+s19+$0x0] =	vst.idx.add.s32.msk $0xffff, v3  }
0xd0: {  	v3 =	vsel vm5, $0x10001, v1;
	[tilespmem:v59+s20+$0x0] =	vst.idx.add.s32.msk $0xffff, v62  }
0xd1: {  	v63 =	vsel vm4, $0x10001, v1;
	[tilespmem:v5+s19+$0x0] =	vst.idx.add.s32.msk $0xffff, v3  }
0xd2: {  	[tilespmem:v2+s20+$0x0] =	vst.idx.add.s32.msk $0xffff, v63  }
0xd3: {  	[hbm4b:s11+s4] =	stream.linear.scatter [tilespmem:s19], [sflag:$0x5], $0x3000, $0x38;
	[tilespmem:$0xE000] =	vst v63  }
0xd4: {  	s24 =	sadd.s32 $0x1, s24;
	_ =	swait.ge [sflag:s23], $0x3000  }
0xd5: {  	p0 =	sne.s32 s24, s13;
	[sflag:s23] =	ssyncset.done $0x0  }
.Ltmp4:
0xd6: {  	[sflag:s23] =	ssyncadd.s32 $0xFFFFD000;
	(pc) =	sbr.rel @p0 .LBB2_1-.Ltmp4, $4  }
0xd7: {  	[hbm4b:s12+s4] =	stream.linear.scatter [tilespmem:s20], [sflag:$0x5], $0x3000, $0x38;
	[tilespmem:$0xE000] =	vst v63  }
0xd8: {  	_ =	swait.ge [sflag:s23], $0x3000  }
0xd9: {  	[sflag:s23] =	ssyncset.done $0x0  }
0xda: {  	[sflag:s23] =	ssyncadd.s32 $0xFFFFD000  }
0xdb: {  	_ =	sfence.sel $0x180000  }
0xdc: {  	[bflag:$0x0] =	sbarrier.arrive $0xFFFF  }
0xdd: {  	_ =	strace $0x90000047  }
0xde: {  	s0 =	stileid.u32;
	[bflag:$0x2] =	sbarrier.arrive $0xFFFF  }
0xdf: {  	p0 =	sne.s32 s0, $0x0;
	s0 =	rddreg [dreg:$0x3]  }
0xe0: {  	s0 =	sadd.s32 @!p0 $0x100000, s0  }
0xe1: {  	[sflag:s0] =	ssyncadd.tile.s32 @!p0 $0x1;
	_ =	shalt  }
.Lfunc_end2:
_tile_overlayer_lowered:
.L_overlay_start_2:
0xe2: {  	(tag) =	ssettag $0x2  }
0xe3: {  	s0 =	rddreg [dreg:$0x0];
	s2 =	stileid.u32  }
0xe4: {  	s1 =	rddreg [dreg:$0x1];
	p0 =	sne.s32 s2, $0x0  }
0xe5: {  	s3 =	rddreg [dreg:$0x2];
	[bflag:$0x3] =	sbarrier.arrive $0xFFFF;
	s2 =	simm.s32 @!p0 $0x1C05  }
0xe6: {  	[timem:s3], [sflag:s2] =	dma.local @!p0 [hbm:s0], s1  }
0xe7: {  	s0 =	simm.s32 @!p0 $0x5  }
0xe8: {  	_ =	swait.ge @!p0 [sflag:s0], s1  }
0xe9: {  	s1 =	ssub.s32 @!p0 $0x0, s1;
	[sflag:s0] =	ssyncset.done @!p0 $0x0  }
0xea: {  	[sflag:s0] =	ssyncadd.s32 @!p0 s1  }
0xeb: {  	[bflag:$0x3] =	sbarrier.arrive $0xFFFF  }
0xec: {  	_ =	shalt  }

</sc_bundles>
